<compile_context>
chip_gen: v7x
topology: tpu7x:2x2x1
jax: 0.10.2.dev20260603
libtpu: 0.0.44.dev20260713+nightly
codegen_flags: <defaults>
</compile_context>

<pallas_src>
import functools

import jax
import jax.numpy as jnp
from jax import lax
from jax.experimental import pallas as pl
from jax.experimental.pallas import tpu as pltpu
from jax.experimental.pallas import tpu_sc as plsc


def _enc_vq_body(xs_ref, w1_ref, b1_ref, w2_ref, b2_ref, cbt_ref, idx_ref):
    ho, wo, kf = xs_ref.shape[1], xs_ref.shape[2], xs_ref.shape[3]
    k = cbt_ref.shape[1]
    xp = jnp.pad(xs_ref[0], ((1, 1), (1, 1), (0, 0)))
    cbt = cbt_ref[...]
    cn = jnp.sum(cbt * cbt, axis=0, keepdims=True)
    rc = 14
    for ci in range(ho // rc):
        m0 = ci * rc
        parts = []
        for dm in range(3):
            for dn in range(3):
                sl = xp[m0 + dm:m0 + dm + rc, dn:dn + wo, :]
                parts.append(sl.reshape(rc * wo, kf))
        a = jnp.concatenate(parts, axis=1)
        h = jnp.dot(a, w1_ref[...], preferred_element_type=jnp.float32)
        h = jnp.maximum(h + b1_ref[...], 0.0)
        z = jnp.dot(h, w2_ref[...], preferred_element_type=jnp.float32)
        z = z + b2_ref[...]
        zz = jnp.sum(z * z, axis=1, keepdims=True)
        d = (zz - 2.0 * jnp.dot(z, cbt, preferred_element_type=jnp.float32)
             ) + cn
        dmin = jnp.min(d, axis=1, keepdims=True)
        ii = lax.broadcasted_iota(jnp.int32, d.shape, 1)
        idx = jnp.min(jnp.where(d == dmin, ii, k), axis=1)
        idx_ref[0, m0:m0 + rc, :] = idx.reshape(rc, wo)


def _dec_body(zp_ref, wd_ref, b1_ref, w2_ref, b2_ref, out_ref):
    r = pl.program_id(1)
    s = pl.program_id(2)
    ho, wo = out_ref.shape[3], out_ref.shape[4]
    dp = zp_ref.shape[3]
    hid = wd_ref.shape[2]
    acc = jnp.zeros((ho * wo, hid), jnp.float32)
    for rho in range(2):
        for sig in range(2):
            t4u = (r + 2 * rho) * 4 + (s + 2 * sig)
            w = wd_ref[pl.ds(t4u, 1), :, :][0]
            zs = zp_ref[0, pl.ds(r + rho, ho), pl.ds(s + sig, wo), :]
            acc = acc + jnp.dot(zs.reshape(ho * wo, dp), w,
                                preferred_element_type=jnp.float32)
    y = jnp.maximum(acc + b1_ref[...], 0.0)
    y = jnp.dot(y, w2_ref[...], preferred_element_type=jnp.float32)
    y = y + b2_ref[...]
    out_ref[0, 0, 0] = y.reshape(ho, wo, out_ref.shape[5])


def _sc_gather(table, idx4):
    info = plsc.get_sparse_core_info()
    nw = info.num_cores * info.num_subcores
    nw_, rpw, _, cw = idx4.shape
    assert nw_ == nw
    d = table.shape[1]
    bpw = rpw * cw
    nbuf = 6
    mesh = plsc.VectorSubcoreMesh(core_axis_name="c", subcore_axis_name="s")

    @functools.partial(
        pl.kernel,
        mesh=mesh,
        out_type=jax.ShapeDtypeStruct((nw * bpw, d), jnp.float32),
        scratch_types=[
            pltpu.VMEM((rpw, 1, cw), jnp.int32),
            pltpu.VMEM((nbuf, cw, d), jnp.float32),
            pltpu.SemaphoreType.DMA,
            pltpu.SemaphoreType.DMA,
        ],
    )
    def gather_kernel(table_hbm, idx_hbm, out_hbm, idx_v, buf_v, sem_g, sem_o):
        wid = lax.axis_index("s") * info.num_cores + lax.axis_index("c")
        pltpu.sync_copy(idx_hbm.at[wid], idx_v)
        base = wid * bpw
        gh = [None] * rpw
        oh = [None] * rpw
        gh[0] = pltpu.async_copy(table_hbm.at[idx_v.at[0, 0]],
                                 buf_v.at[0], sem_g)
        for j in range(rpw):
            nj = j + 1
            if nj < rpw:
                if nj >= nbuf:
                    oh[nj - nbuf].wait()
                gh[nj] = pltpu.async_copy(table_hbm.at[idx_v.at[nj, 0]],
                                          buf_v.at[nj % nbuf], sem_g)
            gh[j].wait()
            oh[j] = pltpu.async_copy(buf_v.at[j % nbuf],
                                     out_hbm.at[pl.ds(base + j * cw, cw)],
                                     sem_o)
        for j in range(rpw - nbuf, rpw):
            oh[j].wait()

    return gather_kernel(table, idx4)


def kernel(x, enc_w1, enc_b1, enc_w2, enc_b2, codebook,
           dec_w1, dec_b1, dec_w2, dec_b2):
    B, Cin, H, W = x.shape
    Ho, Wo = H // 2, W // 2
    hid = enc_w1.shape[0]
    D = enc_w2.shape[0]
    K = codebook.shape[0]
    Cout = dec_w2.shape[0]
    N = B * Ho * Wo

    KF = Cin * 4
    xs = x.reshape(B, Cin, Ho, 2, Wo, 2).transpose(0, 2, 4, 1, 3, 5)
    xs = xs.reshape(B, Ho, Wo, KF)
    w1e = jnp.zeros((9 * KF, hid), x.dtype)
    for dm in range(3):
        for dn in range(3):
            for a in range(2):
                for b in range(2):
                    t, u = 2 * dm + a - 1, 2 * dn + b - 1
                    if 0 <= t < 4 and 0 <= u < 4:
                        base = (dm * 3 + dn) * KF + a * 2 + b
                        w1e = w1e.at[base:base + KF:4].set(enc_w1[:, :, t, u].T)
    w2e = enc_w2[:, :, 0, 0].T
    cbt = codebook.T

    idx3 = pl.pallas_call(
        _enc_vq_body,
        grid=(B,),
        in_specs=[
            pl.BlockSpec((1, Ho, Wo, KF), lambda i: (i, 0, 0, 0)),
            pl.BlockSpec((9 * KF, hid), lambda i: (0, 0)),
            pl.BlockSpec((1, hid), lambda i: (0, 0)),
            pl.BlockSpec((hid, D), lambda i: (0, 0)),
            pl.BlockSpec((1, D), lambda i: (0, 0)),
            pl.BlockSpec((D, K), lambda i: (0, 0)),
        ],
        out_specs=pl.BlockSpec((1, Ho, Wo), lambda i: (i, 0, 0)),
        out_shape=jax.ShapeDtypeStruct((B, Ho, Wo), jnp.int32),
    )(xs, w1e, enc_b1.reshape(1, hid), w2e, enc_b2.reshape(1, D), cbt)
    idx_flat = idx3.reshape(N)

    NW = 32
    CW = 112
    idx4 = idx_flat.reshape(NW, N // (NW * CW), 1, CW)
    Dp = D + (-D) % 128
    cb_pad = jnp.pad(codebook, ((0, 0), (0, Dp - D)))
    z_q = _sc_gather(cb_pad, idx4)

    zq4 = z_q.reshape(B, Ho, Wo, Dp)
    zpad = jnp.pad(zq4, ((0, 0), (1, 1), (1, 1), (0, 0)))
    wd = dec_w1.transpose(2, 3, 1, 0).reshape(16, D, hid)
    wd = jnp.pad(wd, ((0, 0), (0, Dp - D), (0, 0)))
    Cp = 16
    w2d = jnp.pad(dec_w2[:, :, 0, 0].T, ((0, 0), (0, Cp - Cout)))
    b2d = jnp.pad(dec_b2.reshape(1, Cout), ((0, 0), (0, Cp - Cout)))

    Y = pl.pallas_call(
        _dec_body,
        grid=(B, 2, 2),
        in_specs=[
            pl.BlockSpec((1, Ho + 2, Wo + 2, Dp), lambda b, r, s: (b, 0, 0, 0)),
            pl.BlockSpec((16, Dp, hid), lambda b, r, s: (0, 0, 0)),
            pl.BlockSpec((1, hid), lambda b, r, s: (0, 0)),
            pl.BlockSpec((hid, Cp), lambda b, r, s: (0, 0)),
            pl.BlockSpec((1, Cp), lambda b, r, s: (0, 0)),
        ],
        out_specs=pl.BlockSpec((1, 1, 1, Ho, Wo, Cp),
                               lambda b, r, s: (b, r, s, 0, 0, 0)),
        out_shape=jax.ShapeDtypeStruct((B, 2, 2, Ho, Wo, Cp), jnp.float32),
    )(zpad, wd, dec_b1.reshape(1, hid), w2d, b2d)

    nhwc = Y.transpose(0, 3, 1, 4, 2, 5).reshape(B, H, W, Cp)
    recon = nhwc.transpose(0, 3, 1, 2)[:, :Cout]
    return recon, idx3

# --- scband reference (transcript-rebuilt; emitter-appended) ---
"""Pipeline reference for scband-vqvae-25262997635700 (READ-ONLY COPY).

The authoritative reference and input builder live on the scoring server;
editing this copy changes nothing except your own understanding.
"""

import jax, jax.numpy as jnp
import numpy as np


def _conv2d(x, w, b, stride, pad):
    y = jax.lax.conv_general_dilated(
        x, w, window_strides=(stride, stride),
        padding=[(pad, pad), (pad, pad)],
        dimension_numbers=('NCHW', 'OIHW', 'NCHW'))
    return y + b[None, :, None, None]


def _conv_transpose2d(x, w, b):
    # Equivalent to nn.ConvTranspose2d(kernel=4, stride=2, padding=1):
    # lhs-dilated conv with padding k-1-p = 2 on each side -> doubles H, W.
    y = jax.lax.conv_general_dilated(
        x, w, window_strides=(1, 1),
        padding=[(2, 2), (2, 2)],
        lhs_dilation=(2, 2),
        dimension_numbers=('NCHW', 'OIHW', 'NCHW'))
    return y + b[None, :, None, None]


def setup_inputs(seed: int = 0) -> dict:
    key = jax.random.key(seed)
    ks = jax.random.split(key, 12)
    B, Cin, H, W = 4, 3, 224, 224
    hidden = 64
    D = 64          # embedding_dim
    K = 512         # num_embeddings
    x = jax.random.normal(ks[0], (B, Cin, H, W), dtype=jnp.float32)
    # encoder: Conv2d(3->64, k4, s2, p1) + ReLU, then Conv2d(64->64, k1)
    enc_w1 = jax.random.normal(ks[1], (hidden, Cin, 4, 4), dtype=jnp.float32) * 0.1
    enc_b1 = jax.random.normal(ks[2], (hidden,), dtype=jnp.float32) * 0.01
    enc_w2 = jax.random.normal(ks[3], (D, hidden, 1, 1), dtype=jnp.float32) * 0.1
    enc_b2 = jax.random.normal(ks[4], (D,), dtype=jnp.float32) * 0.01
    # codebook init uniform(-1/K, 1/K)
    codebook = jax.random.uniform(ks[5], (K, D), dtype=jnp.float32,
                                  minval=-1.0 / K, maxval=1.0 / K)
    # decoder: ConvTranspose2d(64->64, k4, s2, p1) + ReLU, then Conv2d(64->3, k1)
    dec_w1 = jax.random.normal(ks[6], (hidden, D, 4, 4), dtype=jnp.float32) * 0.1
    dec_b1 = jax.random.normal(ks[7], (hidden,), dtype=jnp.float32) * 0.01
    dec_w2 = jax.random.normal(ks[8], (Cin, hidden, 1, 1), dtype=jnp.float32) * 0.1
    dec_b2 = jax.random.normal(ks[9], (Cin,), dtype=jnp.float32) * 0.01
    return {
        'x': x,
        'enc_w1': enc_w1, 'enc_b1': enc_b1,
        'enc_w2': enc_w2, 'enc_b2': enc_b2,
        'codebook': codebook,
        'dec_w1': dec_w1, 'dec_b1': dec_b1,
        'dec_w2': dec_w2, 'dec_b2': dec_b2,
    }


def reference(x, enc_w1, enc_b1, enc_w2, enc_b2, codebook,
              dec_w1, dec_b1, dec_w2, dec_b2):
    # encode
    h = _conv2d(x, enc_w1, enc_b1, stride=2, pad=1)
    h = jax.nn.relu(h)
    z_e = _conv2d(h, enc_w2, enc_b2, stride=1, pad=0)
    B, D, H, W = z_e.shape
    z = jnp.transpose(z_e, (0, 2, 3, 1)).reshape(-1, D)
    distances = (jnp.sum(z * z, axis=1, keepdims=True)
                 - 2.0 * (z @ codebook.T)
                 + jnp.sum(codebook * codebook, axis=1))
    indices = jnp.argmin(distances, axis=1)
    z_q = jnp.take(codebook, indices, axis=0).reshape(B, H, W, D)
    z_q = jnp.transpose(z_q, (0, 3, 1, 2))
    # decode
    d = _conv_transpose2d(z_q, dec_w1, dec_b1)
    d = jax.nn.relu(d)
    recon = _conv2d(d, dec_w2, dec_b2, stride=1, pad=0)
    return recon, indices.reshape(B, H, W)

if __name__ == "__main__":
    import jax
    _d = setup_inputs()
    print(jax.jit(kernel)(*tuple(_d.values())))

</pallas_src>

<mosaic_0001>
#map = affine_map<(d0, d1) -> (0, 0)>
#map1 = affine_map<(d0, d1) -> (0, 0, 0, 0)>
module attributes {stable_mosaic.version = 14 : i64} {
  func.func @gather_kernel(%arg0: i32, %arg1: i32, %arg2: memref<512x128xf32, #tpu.memory_space<hbm>>, %arg3: memref<32x14x1x112xi32, #tpu.memory_space<hbm>>, %arg4: memref<50176x128xf32, #tpu.memory_space<hbm>>, %arg5: memref<14x1x112xi32, #tpu.memory_space<vmem>>, %arg6: memref<6x112x128xf32, #tpu.memory_space<vmem>>, %arg7: memref<!tpu.dma_semaphore, #tpu.memory_space<semaphore_mem>>, %arg8: memref<!tpu.dma_semaphore, #tpu.memory_space<semaphore_mem>>) attributes {dimension_semantics = [#tpu.dimension_semantics<core_parallel>, #tpu.dimension_semantics<subcore_parallel>], iteration_bounds = array<i64: 2, 16>, scalar_prefetch = 0 : i64, scratch_operands = 4 : i64, tpu.core_type = #tpu.core_type<sc_vector_subcore>, window_params = [{transform_indices = #map}, {transform_indices = #map1}, {transform_indices = #map}]} {
    %mul3A = arith.constant 2 : i32
    %mul3A_0 = arith.muli %arg1, %mul3A : i32
    %add3A = arith.addi %mul3A_0, %arg0 : i32
    "tpu.region"() ({
      %run_scoped3A = tpu.sem_alloc : memref<!tpu.dma_semaphore, #tpu.memory_space<semaphore_mem>>
      %dma_start3A_757 = arith.constant 0 : i32
      %dma_start3A_758 = arith.constant 0 : i32
      %dma_start3A_759 = arith.constant 0 : i32
      %dma_start3A_760 = tpu.memref_slice %arg3[%add3A, %dma_start3A_757, %dma_start3A_758, %dma_start3A_759] : memref<32x14x1x112xi32, #tpu.memory_space<hbm>> -> memref<1x14x1x112xi32, #tpu.memory_space<hbm>>
      %dma_start3A_761 = tpu.memref_squeeze %dma_start3A_760 : memref<1x14x1x112xi32, #tpu.memory_space<hbm>> -> memref<14x1x112xi32, #tpu.memory_space<hbm>>
      %dma_start3A_762 = arith.constant 0 : i32
      %dma_start3A_763 = arith.constant 0 : i32
      %dma_start3A_764 = arith.constant 0 : i32
      %dma_start3A_765 = tpu.memref_slice %arg3[%add3A, %dma_start3A_762, %dma_start3A_763, %dma_start3A_764] : memref<32x14x1x112xi32, #tpu.memory_space<hbm>> -> memref<1x14x1x112xi32, #tpu.memory_space<hbm>>
      %dma_start3A_766 = tpu.memref_squeeze %dma_start3A_765 : memref<1x14x1x112xi32, #tpu.memory_space<hbm>> -> memref<14x1x112xi32, #tpu.memory_space<hbm>>
      tpu.enqueue_dma source(%dma_start3A_766 : memref<14x1x112xi32, #tpu.memory_space<hbm>>) target(%arg5 : memref<14x1x112xi32, #tpu.memory_space<vmem>>) target_semaphore(%run_scoped3A : memref<!tpu.dma_semaphore, #tpu.memory_space<semaphore_mem>>)
      %dma_wait3A_767 = arith.constant 0 : i32
      %dma_wait3A_768 = arith.constant 0 : i32
      %dma_wait3A_769 = arith.constant 0 : i32
      %dma_wait3A_770 = tpu.memref_slice %arg3[%add3A, %dma_wait3A_767, %dma_wait3A_768, %dma_wait3A_769] : memref<32x14x1x112xi32, #tpu.memory_space<hbm>> -> memref<1x14x1x112xi32, #tpu.memory_space<hbm>>
      %dma_wait3A_771 = tpu.memref_squeeze %dma_wait3A_770 : memref<1x14x1x112xi32, #tpu.memory_space<hbm>> -> memref<14x1x112xi32, #tpu.memory_space<hbm>>
      %dma_wait3A_772 = arith.constant 0 : i32
      %dma_wait3A_773 = arith.constant 0 : i32
      %dma_wait3A_774 = arith.constant 0 : i32
      %dma_wait3A_775 = tpu.memref_slice %arg3[%add3A, %dma_wait3A_772, %dma_wait3A_773, %dma_wait3A_774] : memref<32x14x1x112xi32, #tpu.memory_space<hbm>> -> memref<1x14x1x112xi32, #tpu.memory_space<hbm>>
      %dma_wait3A_776 = tpu.memref_squeeze %dma_wait3A_775 : memref<1x14x1x112xi32, #tpu.memory_space<hbm>> -> memref<14x1x112xi32, #tpu.memory_space<hbm>>
      tpu.wait_dma2 semaphore(%run_scoped3A : memref<!tpu.dma_semaphore, #tpu.memory_space<semaphore_mem>>) src(%dma_wait3A_776 : memref<14x1x112xi32, #tpu.memory_space<hbm>>) dst(%arg5 : memref<14x1x112xi32, #tpu.memory_space<vmem>>)
      tpu.yield
    }) : () -> ()
    %mul3A_1 = arith.constant 1568 : i32
    %mul3A_2 = arith.muli %add3A, %mul3A_1 : i32
    %dma_start3A = arith.constant 0 : i32
    %dma_start3A_3 = arith.constant 0 : i32
    %dma_start3A_4 = arith.constant 0 : i32
    %dma_start3A_5 = arith.constant 0 : i32
    %dma_start3A_6 = arith.constant 0 : i32
    %dma_start3A_7 = tpu.memref_slice %arg6[%dma_start3A_4, %dma_start3A_5, %dma_start3A_6] : memref<6x112x128xf32, #tpu.memory_space<vmem>> -> memref<1x112x128xf32, #tpu.memory_space<vmem>>
    %dma_start3A_8 = tpu.memref_squeeze %dma_start3A_7 : memref<1x112x128xf32, #tpu.memory_space<vmem>> -> memref<112x128xf32, #tpu.memory_space<vmem>>
    %dma_start3A_9 = arith.constant 0 : i32
    %dma_start3A_10 = tpu.memref_slice %arg5[%dma_start3A, %dma_start3A_3, %dma_start3A_9] : memref<14x1x112xi32, #tpu.memory_space<vmem>> -> memref<1x1x112xi32, #tpu.memory_space<vmem>>
    %dma_start3A_11 = tpu.memref_squeeze %dma_start3A_10 : memref<1x1x112xi32, #tpu.memory_space<vmem>> -> memref<112xi32, #tpu.memory_space<vmem>>
    %dma_start3A_12 = arith.constant 0 : i32
    %dma_start3A_13 = arith.constant 0 : i32
    %dma_start3A_14 = tpu.memref_slice %arg2[%dma_start3A_12, %dma_start3A_13] : memref<512x128xf32, #tpu.memory_space<hbm>> -> memref<512x128xf32, #tpu.memory_space<hbm>>
    tpu.enqueue_indirect_dma source(%dma_start3A_14 : memref<512x128xf32, #tpu.memory_space<hbm>>) target(%dma_start3A_8 : memref<112x128xf32, #tpu.memory_space<vmem>>) offsets(%dma_start3A_11 : memref<112xi32, #tpu.memory_space<vmem>>) semaphore(%arg7 : memref<!tpu.dma_semaphore, #tpu.memory_space<semaphore_mem>>)
    %dma_start3A_15 = arith.constant 1 : i32
    %dma_start3A_16 = arith.constant 0 : i32
    %dma_start3A_17 = arith.constant 1 : i32
    %dma_start3A_18 = arith.constant 0 : i32
    %dma_start3A_19 = arith.constant 0 : i32
    %dma_start3A_20 = tpu.memref_slice %arg6[%dma_start3A_17, %dma_start3A_18, %dma_start3A_19] : memref<6x112x128xf32, #tpu.memory_space<vmem>> -> memref<1x112x128xf32, #tpu.memory_space<vmem>>
    %dma_start3A_21 = tpu.memref_squeeze %dma_start3A_20 : memref<1x112x128xf32, #tpu.memory_space<vmem>> -> memref<112x128xf32, #tpu.memory_space<vmem>>
    %dma_start3A_22 = arith.constant 0 : i32
    %dma_start3A_23 = tpu.memref_slice %arg5[%dma_start3A_15, %dma_start3A_16, %dma_start3A_22] : memref<14x1x112xi32, #tpu.memory_space<vmem>> -> memref<1x1x112xi32, #tpu.memory_space<vmem>>
    %dma_start3A_24 = tpu.memref_squeeze %dma_start3A_23 : memref<1x1x112xi32, #tpu.memory_space<vmem>> -> memref<112xi32, #tpu.memory_space<vmem>>
    %dma_start3A_25 = arith.constant 0 : i32
    %dma_start3A_26 = arith.constant 0 : i32
    %dma_start3A_27 = tpu.memref_slice %arg2[%dma_start3A_25, %dma_start3A_26] : memref<512x128xf32, #tpu.memory_space<hbm>> -> memref<512x128xf32, #tpu.memory_space<hbm>>
    tpu.enqueue_indirect_dma source(%dma_start3A_27 : memref<512x128xf32, #tpu.memory_space<hbm>>) target(%dma_start3A_21 : memref<112x128xf32, #tpu.memory_space<vmem>>) offsets(%dma_start3A_24 : memref<112xi32, #tpu.memory_space<vmem>>) semaphore(%arg7 : memref<!tpu.dma_semaphore, #tpu.memory_space<semaphore_mem>>)
    %dma_wait3A = arith.constant 0 : i32
    %dma_wait3A_28 = arith.constant 0 : i32
    %dma_wait3A_29 = arith.constant 0 : i32
    %dma_wait3A_30 = arith.constant 0 : i32
    %dma_wait3A_31 = arith.constant 0 : i32
    %dma_wait3A_32 = tpu.memref_slice %arg6[%dma_wait3A_29, %dma_wait3A_30, %dma_wait3A_31] : memref<6x112x128xf32, #tpu.memory_space<vmem>> -> memref<1x112x128xf32, #tpu.memory_space<vmem>>
    %dma_wait3A_33 = tpu.memref_squeeze %dma_wait3A_32 : memref<1x112x128xf32, #tpu.memory_space<vmem>> -> memref<112x128xf32, #tpu.memory_space<vmem>>
    %dma_wait3A_34 = arith.constant 0 : i32
    %dma_wait3A_35 = tpu.memref_slice %arg5[%dma_wait3A, %dma_wait3A_28, %dma_wait3A_34] : memref<14x1x112xi32, #tpu.memory_space<vmem>> -> memref<1x1x112xi32, #tpu.memory_space<vmem>>
    %dma_wait3A_36 = tpu.memref_squeeze %dma_wait3A_35 : memref<1x1x112xi32, #tpu.memory_space<vmem>> -> memref<112xi32, #tpu.memory_space<vmem>>
    %dma_wait3A_37 = arith.constant 0 : i32
    %dma_wait3A_38 = arith.constant 0 : i32
    %dma_wait3A_39 = tpu.memref_slice %arg2[%dma_wait3A_37, %dma_wait3A_38] : memref<512x128xf32, #tpu.memory_space<hbm>> -> memref<512x128xf32, #tpu.memory_space<hbm>>
    tpu.wait_indirect_dma semaphore(%arg7 : memref<!tpu.dma_semaphore, #tpu.memory_space<semaphore_mem>>) src(%dma_wait3A_39 : memref<512x128xf32, #tpu.memory_space<hbm>>) dst(%dma_wait3A_33 : memref<112x128xf32, #tpu.memory_space<vmem>>)
    %add3A_40 = arith.constant 0 : i32
    %add3A_41 = arith.addi %mul3A_2, %add3A_40 : i32
    %dma_start3A_42 = arith.constant 0 : i32
    %dma_start3A_43 = arith.constant 0 : i32
    %dma_start3A_44 = arith.constant 0 : i32
    %dma_start3A_45 = tpu.memref_slice %arg6[%dma_start3A_42, %dma_start3A_43, %dma_start3A_44] : memref<6x112x128xf32, #tpu.memory_space<vmem>> -> memref<1x112x128xf32, #tpu.memory_space<vmem>>
    %dma_start3A_46 = tpu.memref_squeeze %dma_start3A_45 : memref<1x112x128xf32, #tpu.memory_space<vmem>> -> memref<112x128xf32, #tpu.memory_space<vmem>>
    %dma_start3A_47 = arith.constant 0 : i32
    %dma_start3A_48 = tpu.memref_slice %arg4[%add3A_41, %dma_start3A_47] : memref<50176x128xf32, #tpu.memory_space<hbm>> -> memref<112x128xf32, #tpu.memory_space<hbm>>
    %dma_start3A_49 = arith.constant 0 : i32
    %dma_start3A_50 = tpu.memref_slice %arg4[%add3A_41, %dma_start3A_49] : memref<50176x128xf32, #tpu.memory_space<hbm>> -> memref<112x128xf32, #tpu.memory_space<hbm>>
    %dma_start3A_51 = arith.constant 0 : i32
    %dma_start3A_52 = arith.constant 0 : i32
    %dma_start3A_53 = tpu.memref_slice %arg6[%dma_start3A_42, %dma_start3A_51, %dma_start3A_52] : memref<6x112x128xf32, #tpu.memory_space<vmem>> -> memref<1x112x128xf32, #tpu.memory_space<vmem>>
    %dma_start3A_54 = tpu.memref_squeeze %dma_start3A_53 : memref<1x112x128xf32, #tpu.memory_space<vmem>> -> memref<112x128xf32, #tpu.memory_space<vmem>>
    tpu.enqueue_dma source(%dma_start3A_54 : memref<112x128xf32, #tpu.memory_space<vmem>>) target(%dma_start3A_50 : memref<112x128xf32, #tpu.memory_space<hbm>>) target_semaphore(%arg8 : memref<!tpu.dma_semaphore, #tpu.memory_space<semaphore_mem>>)
    %dma_start3A_55 = arith.constant 2 : i32
    %dma_start3A_56 = arith.constant 0 : i32
    %dma_start3A_57 = arith.constant 2 : i32
    %dma_start3A_58 = arith.constant 0 : i32
    %dma_start3A_59 = arith.constant 0 : i32
    %dma_start3A_60 = tpu.memref_slice %arg6[%dma_start3A_57, %dma_start3A_58, %dma_start3A_59] : memref<6x112x128xf32, #tpu.memory_space<vmem>> -> memref<1x112x128xf32, #tpu.memory_space<vmem>>
    %dma_start3A_61 = tpu.memref_squeeze %dma_start3A_60 : memref<1x112x128xf32, #tpu.memory_space<vmem>> -> memref<112x128xf32, #tpu.memory_space<vmem>>
    %dma_start3A_62 = arith.constant 0 : i32
    %dma_start3A_63 = tpu.memref_slice %arg5[%dma_start3A_55, %dma_start3A_56, %dma_start3A_62] : memref<14x1x112xi32, #tpu.memory_space<vmem>> -> memref<1x1x112xi32, #tpu.memory_space<vmem>>
    %dma_start3A_64 = tpu.memref_squeeze %dma_start3A_63 : memref<1x1x112xi32, #tpu.memory_space<vmem>> -> memref<112xi32, #tpu.memory_space<vmem>>
    %dma_start3A_65 = arith.constant 0 : i32
    %dma_start3A_66 = arith.constant 0 : i32
    %dma_start3A_67 = tpu.memref_slice %arg2[%dma_start3A_65, %dma_start3A_66] : memref<512x128xf32, #tpu.memory_space<hbm>> -> memref<512x128xf32, #tpu.memory_space<hbm>>
    tpu.enqueue_indirect_dma source(%dma_start3A_67 : memref<512x128xf32, #tpu.memory_space<hbm>>) target(%dma_start3A_61 : memref<112x128xf32, #tpu.memory_space<vmem>>) offsets(%dma_start3A_64 : memref<112xi32, #tpu.memory_space<vmem>>) semaphore(%arg7 : memref<!tpu.dma_semaphore, #tpu.memory_space<semaphore_mem>>)
    %dma_wait3A_68 = arith.constant 1 : i32
    %dma_wait3A_69 = arith.constant 0 : i32
    %dma_wait3A_70 = arith.constant 1 : i32
    %dma_wait3A_71 = arith.constant 0 : i32
    %dma_wait3A_72 = arith.constant 0 : i32
    %dma_wait3A_73 = tpu.memref_slice %arg6[%dma_wait3A_70, %dma_wait3A_71, %dma_wait3A_72] : memref<6x112x128xf32, #tpu.memory_space<vmem>> -> memref<1x112x128xf32, #tpu.memory_space<vmem>>
    %dma_wait3A_74 = tpu.memref_squeeze %dma_wait3A_73 : memref<1x112x128xf32, #tpu.memory_space<vmem>> -> memref<112x128xf32, #tpu.memory_space<vmem>>
    %dma_wait3A_75 = arith.constant 0 : i32
    %dma_wait3A_76 = tpu.memref_slice %arg5[%dma_wait3A_68, %dma_wait3A_69, %dma_wait3A_75] : memref<14x1x112xi32, #tpu.memory_space<vmem>> -> memref<1x1x112xi32, #tpu.memory_space<vmem>>
    %dma_wait3A_77 = tpu.memref_squeeze %dma_wait3A_76 : memref<1x1x112xi32, #tpu.memory_space<vmem>> -> memref<112xi32, #tpu.memory_space<vmem>>
    %dma_wait3A_78 = arith.constant 0 : i32
    %dma_wait3A_79 = arith.constant 0 : i32
    %dma_wait3A_80 = tpu.memref_slice %arg2[%dma_wait3A_78, %dma_wait3A_79] : memref<512x128xf32, #tpu.memory_space<hbm>> -> memref<512x128xf32, #tpu.memory_space<hbm>>
    tpu.wait_indirect_dma semaphore(%arg7 : memref<!tpu.dma_semaphore, #tpu.memory_space<semaphore_mem>>) src(%dma_wait3A_80 : memref<512x128xf32, #tpu.memory_space<hbm>>) dst(%dma_wait3A_74 : memref<112x128xf32, #tpu.memory_space<vmem>>)
    %add3A_81 = arith.constant 112 : i32
    %add3A_82 = arith.addi %mul3A_2, %add3A_81 : i32
    %dma_start3A_83 = arith.constant 1 : i32
    %dma_start3A_84 = arith.constant 0 : i32
    %dma_start3A_85 = arith.constant 0 : i32
    %dma_start3A_86 = tpu.memref_slice %arg6[%dma_start3A_83, %dma_start3A_84, %dma_start3A_85] : memref<6x112x128xf32, #tpu.memory_space<vmem>> -> memref<1x112x128xf32, #tpu.memory_space<vmem>>
    %dma_start3A_87 = tpu.memref_squeeze %dma_start3A_86 : memref<1x112x128xf32, #tpu.memory_space<vmem>> -> memref<112x128xf32, #tpu.memory_space<vmem>>
    %dma_start3A_88 = arith.constant 0 : i32
    %dma_start3A_89 = tpu.memref_slice %arg4[%add3A_82, %dma_start3A_88] : memref<50176x128xf32, #tpu.memory_space<hbm>> -> memref<112x128xf32, #tpu.memory_space<hbm>>
    %dma_start3A_90 = arith.constant 0 : i32
    %dma_start3A_91 = tpu.memref_slice %arg4[%add3A_82, %dma_start3A_90] : memref<50176x128xf32, #tpu.memory_space<hbm>> -> memref<112x128xf32, #tpu.memory_space<hbm>>
    %dma_start3A_92 = arith.constant 0 : i32
    %dma_start3A_93 = arith.constant 0 : i32
    %dma_start3A_94 = tpu.memref_slice %arg6[%dma_start3A_83, %dma_start3A_92, %dma_start3A_93] : memref<6x112x128xf32, #tpu.memory_space<vmem>> -> memref<1x112x128xf32, #tpu.memory_space<vmem>>
    %dma_start3A_95 = tpu.memref_squeeze %dma_start3A_94 : memref<1x112x128xf32, #tpu.memory_space<vmem>> -> memref<112x128xf32, #tpu.memory_space<vmem>>
    tpu.enqueue_dma source(%dma_start3A_95 : memref<112x128xf32, #tpu.memory_space<vmem>>) target(%dma_start3A_91 : memref<112x128xf32, #tpu.memory_space<hbm>>) target_semaphore(%arg8 : memref<!tpu.dma_semaphore, #tpu.memory_space<semaphore_mem>>)
    %dma_start3A_96 = arith.constant 3 : i32
    %dma_start3A_97 = arith.constant 0 : i32
    %dma_start3A_98 = arith.constant 3 : i32
    %dma_start3A_99 = arith.constant 0 : i32
    %dma_start3A_100 = arith.constant 0 : i32
    %dma_start3A_101 = tpu.memref_slice %arg6[%dma_start3A_98, %dma_start3A_99, %dma_start3A_100] : memref<6x112x128xf32, #tpu.memory_space<vmem>> -> memref<1x112x128xf32, #tpu.memory_space<vmem>>
    %dma_start3A_102 = tpu.memref_squeeze %dma_start3A_101 : memref<1x112x128xf32, #tpu.memory_space<vmem>> -> memref<112x128xf32, #tpu.memory_space<vmem>>
    %dma_start3A_103 = arith.constant 0 : i32
    %dma_start3A_104 = tpu.memref_slice %arg5[%dma_start3A_96, %dma_start3A_97, %dma_start3A_103] : memref<14x1x112xi32, #tpu.memory_space<vmem>> -> memref<1x1x112xi32, #tpu.memory_space<vmem>>
    %dma_start3A_105 = tpu.memref_squeeze %dma_start3A_104 : memref<1x1x112xi32, #tpu.memory_space<vmem>> -> memref<112xi32, #tpu.memory_space<vmem>>
    %dma_start3A_106 = arith.constant 0 : i32
    %dma_start3A_107 = arith.constant 0 : i32
    %dma_start3A_108 = tpu.memref_slice %arg2[%dma_start3A_106, %dma_start3A_107] : memref<512x128xf32, #tpu.memory_space<hbm>> -> memref<512x128xf32, #tpu.memory_space<hbm>>
    tpu.enqueue_indirect_dma source(%dma_start3A_108 : memref<512x128xf32, #tpu.memory_space<hbm>>) target(%dma_start3A_102 : memref<112x128xf32, #tpu.memory_space<vmem>>) offsets(%dma_start3A_105 : memref<112xi32, #tpu.memory_space<vmem>>) semaphore(%arg7 : memref<!tpu.dma_semaphore, #tpu.memory_space<semaphore_mem>>)
    %dma_wait3A_109 = arith.constant 2 : i32
    %dma_wait3A_110 = arith.constant 0 : i32
    %dma_wait3A_111 = arith.constant 2 : i32
    %dma_wait3A_112 = arith.constant 0 : i32
    %dma_wait3A_113 = arith.constant 0 : i32
    %dma_wait3A_114 = tpu.memref_slice %arg6[%dma_wait3A_111, %dma_wait3A_112, %dma_wait3A_113] : memref<6x112x128xf32, #tpu.memory_space<vmem>> -> memref<1x112x128xf32, #tpu.memory_space<vmem>>
    %dma_wait3A_115 = tpu.memref_squeeze %dma_wait3A_114 : memref<1x112x128xf32, #tpu.memory_space<vmem>> -> memref<112x128xf32, #tpu.memory_space<vmem>>
    %dma_wait3A_116 = arith.constant 0 : i32
    %dma_wait3A_117 = tpu.memref_slice %arg5[%dma_wait3A_109, %dma_wait3A_110, %dma_wait3A_116] : memref<14x1x112xi32, #tpu.memory_space<vmem>> -> memref<1x1x112xi32, #tpu.memory_space<vmem>>
    %dma_wait3A_118 = tpu.memref_squeeze %dma_wait3A_117 : memref<1x1x112xi32, #tpu.memory_space<vmem>> -> memref<112xi32, #tpu.memory_space<vmem>>
    %dma_wait3A_119 = arith.constant 0 : i32
    %dma_wait3A_120 = arith.constant 0 : i32
    %dma_wait3A_121 = tpu.memref_slice %arg2[%dma_wait3A_119, %dma_wait3A_120] : memref<512x128xf32, #tpu.memory_space<hbm>> -> memref<512x128xf32, #tpu.memory_space<hbm>>
    tpu.wait_indirect_dma semaphore(%arg7 : memref<!tpu.dma_semaphore, #tpu.memory_space<semaphore_mem>>) src(%dma_wait3A_121 : memref<512x128xf32, #tpu.memory_space<hbm>>) dst(%dma_wait3A_115 : memref<112x128xf32, #tpu.memory_space<vmem>>)
    %add3A_122 = arith.constant 224 : i32
    %add3A_123 = arith.addi %mul3A_2, %add3A_122 : i32
    %dma_start3A_124 = arith.constant 2 : i32
    %dma_start3A_125 = arith.constant 0 : i32
    %dma_start3A_126 = arith.constant 0 : i32
    %dma_start3A_127 = tpu.memref_slice %arg6[%dma_start3A_124, %dma_start3A_125, %dma_start3A_126] : memref<6x112x128xf32, #tpu.memory_space<vmem>> -> memref<1x112x128xf32, #tpu.memory_space<vmem>>
    %dma_start3A_128 = tpu.memref_squeeze %dma_start3A_127 : memref<1x112x128xf32, #tpu.memory_space<vmem>> -> memref<112x128xf32, #tpu.memory_space<vmem>>
    %dma_start3A_129 = arith.constant 0 : i32
    %dma_start3A_130 = tpu.memref_slice %arg4[%add3A_123, %dma_start3A_129] : memref<50176x128xf32, #tpu.memory_space<hbm>> -> memref<112x128xf32, #tpu.memory_space<hbm>>
    %dma_start3A_131 = arith.constant 0 : i32
    %dma_start3A_132 = tpu.memref_slice %arg4[%add3A_123, %dma_start3A_131] : memref<50176x128xf32, #tpu.memory_space<hbm>> -> memref<112x128xf32, #tpu.memory_space<hbm>>
    %dma_start3A_133 = arith.constant 0 : i32
    %dma_start3A_134 = arith.constant 0 : i32
    %dma_start3A_135 = tpu.memref_slice %arg6[%dma_start3A_124, %dma_start3A_133, %dma_start3A_134] : memref<6x112x128xf32, #tpu.memory_space<vmem>> -> memref<1x112x128xf32, #tpu.memory_space<vmem>>
    %dma_start3A_136 = tpu.memref_squeeze %dma_start3A_135 : memref<1x112x128xf32, #tpu.memory_space<vmem>> -> memref<112x128xf32, #tpu.memory_space<vmem>>
    tpu.enqueue_dma source(%dma_start3A_136 : memref<112x128xf32, #tpu.memory_space<vmem>>) target(%dma_start3A_132 : memref<112x128xf32, #tpu.memory_space<hbm>>) target_semaphore(%arg8 : memref<!tpu.dma_semaphore, #tpu.memory_space<semaphore_mem>>)
    %dma_start3A_137 = arith.constant 4 : i32
    %dma_start3A_138 = arith.constant 0 : i32
    %dma_start3A_139 = arith.constant 4 : i32
    %dma_start3A_140 = arith.constant 0 : i32
    %dma_start3A_141 = arith.constant 0 : i32
    %dma_start3A_142 = tpu.memref_slice %arg6[%dma_start3A_139, %dma_start3A_140, %dma_start3A_141] : memref<6x112x128xf32, #tpu.memory_space<vmem>> -> memref<1x112x128xf32, #tpu.memory_space<vmem>>
    %dma_start3A_143 = tpu.memref_squeeze %dma_start3A_142 : memref<1x112x128xf32, #tpu.memory_space<vmem>> -> memref<112x128xf32, #tpu.memory_space<vmem>>
    %dma_start3A_144 = arith.constant 0 : i32
    %dma_start3A_145 = tpu.memref_slice %arg5[%dma_start3A_137, %dma_start3A_138, %dma_start3A_144] : memref<14x1x112xi32, #tpu.memory_space<vmem>> -> memref<1x1x112xi32, #tpu.memory_space<vmem>>
    %dma_start3A_146 = tpu.memref_squeeze %dma_start3A_145 : memref<1x1x112xi32, #tpu.memory_space<vmem>> -> memref<112xi32, #tpu.memory_space<vmem>>
    %dma_start3A_147 = arith.constant 0 : i32
    %dma_start3A_148 = arith.constant 0 : i32
    %dma_start3A_149 = tpu.memref_slice %arg2[%dma_start3A_147, %dma_start3A_148] : memref<512x128xf32, #tpu.memory_space<hbm>> -> memref<512x128xf32, #tpu.memory_space<hbm>>
    tpu.enqueue_indirect_dma source(%dma_start3A_149 : memref<512x128xf32, #tpu.memory_space<hbm>>) target(%dma_start3A_143 : memref<112x128xf32, #tpu.memory_space<vmem>>) offsets(%dma_start3A_146 : memref<112xi32, #tpu.memory_space<vmem>>) semaphore(%arg7 : memref<!tpu.dma_semaphore, #tpu.memory_space<semaphore_mem>>)
    %dma_wait3A_150 = arith.constant 3 : i32
    %dma_wait3A_151 = arith.constant 0 : i32
    %dma_wait3A_152 = arith.constant 3 : i32
    %dma_wait3A_153 = arith.constant 0 : i32
    %dma_wait3A_154 = arith.constant 0 : i32
    %dma_wait3A_155 = tpu.memref_slice %arg6[%dma_wait3A_152, %dma_wait3A_153, %dma_wait3A_154] : memref<6x112x128xf32, #tpu.memory_space<vmem>> -> memref<1x112x128xf32, #tpu.memory_space<vmem>>
    %dma_wait3A_156 = tpu.memref_squeeze %dma_wait3A_155 : memref<1x112x128xf32, #tpu.memory_space<vmem>> -> memref<112x128xf32, #tpu.memory_space<vmem>>
    %dma_wait3A_157 = arith.constant 0 : i32
    %dma_wait3A_158 = tpu.memref_slice %arg5[%dma_wait3A_150, %dma_wait3A_151, %dma_wait3A_157] : memref<14x1x112xi32, #tpu.memory_space<vmem>> -> memref<1x1x112xi32, #tpu.memory_space<vmem>>
    %dma_wait3A_159 = tpu.memref_squeeze %dma_wait3A_158 : memref<1x1x112xi32, #tpu.memory_space<vmem>> -> memref<112xi32, #tpu.memory_space<vmem>>
    %dma_wait3A_160 = arith.constant 0 : i32
    %dma_wait3A_161 = arith.constant 0 : i32
    %dma_wait3A_162 = tpu.memref_slice %arg2[%dma_wait3A_160, %dma_wait3A_161] : memref<512x128xf32, #tpu.memory_space<hbm>> -> memref<512x128xf32, #tpu.memory_space<hbm>>
    tpu.wait_indirect_dma semaphore(%arg7 : memref<!tpu.dma_semaphore, #tpu.memory_space<semaphore_mem>>) src(%dma_wait3A_162 : memref<512x128xf32, #tpu.memory_space<hbm>>) dst(%dma_wait3A_156 : memref<112x128xf32, #tpu.memory_space<vmem>>)
    %add3A_163 = arith.constant 336 : i32
    %add3A_164 = arith.addi %mul3A_2, %add3A_163 : i32
    %dma_start3A_165 = arith.constant 3 : i32
    %dma_start3A_166 = arith.constant 0 : i32
    %dma_start3A_167 = arith.constant 0 : i32
    %dma_start3A_168 = tpu.memref_slice %arg6[%dma_start3A_165, %dma_start3A_166, %dma_start3A_167] : memref<6x112x128xf32, #tpu.memory_space<vmem>> -> memref<1x112x128xf32, #tpu.memory_space<vmem>>
    %dma_start3A_169 = tpu.memref_squeeze %dma_start3A_168 : memref<1x112x128xf32, #tpu.memory_space<vmem>> -> memref<112x128xf32, #tpu.memory_space<vmem>>
    %dma_start3A_170 = arith.constant 0 : i32
    %dma_start3A_171 = tpu.memref_slice %arg4[%add3A_164, %dma_start3A_170] : memref<50176x128xf32, #tpu.memory_space<hbm>> -> memref<112x128xf32, #tpu.memory_space<hbm>>
    %dma_start3A_172 = arith.constant 0 : i32
    %dma_start3A_173 = tpu.memref_slice %arg4[%add3A_164, %dma_start3A_172] : memref<50176x128xf32, #tpu.memory_space<hbm>> -> memref<112x128xf32, #tpu.memory_space<hbm>>
    %dma_start3A_174 = arith.constant 0 : i32
    %dma_start3A_175 = arith.constant 0 : i32
    %dma_start3A_176 = tpu.memref_slice %arg6[%dma_start3A_165, %dma_start3A_174, %dma_start3A_175] : memref<6x112x128xf32, #tpu.memory_space<vmem>> -> memref<1x112x128xf32, #tpu.memory_space<vmem>>
    %dma_start3A_177 = tpu.memref_squeeze %dma_start3A_176 : memref<1x112x128xf32, #tpu.memory_space<vmem>> -> memref<112x128xf32, #tpu.memory_space<vmem>>
    tpu.enqueue_dma source(%dma_start3A_177 : memref<112x128xf32, #tpu.memory_space<vmem>>) target(%dma_start3A_173 : memref<112x128xf32, #tpu.memory_space<hbm>>) target_semaphore(%arg8 : memref<!tpu.dma_semaphore, #tpu.memory_space<semaphore_mem>>)
    %dma_start3A_178 = arith.constant 5 : i32
    %dma_start3A_179 = arith.constant 0 : i32
    %dma_start3A_180 = arith.constant 5 : i32
    %dma_start3A_181 = arith.constant 0 : i32
    %dma_start3A_182 = arith.constant 0 : i32
    %dma_start3A_183 = tpu.memref_slice %arg6[%dma_start3A_180, %dma_start3A_181, %dma_start3A_182] : memref<6x112x128xf32, #tpu.memory_space<vmem>> -> memref<1x112x128xf32, #tpu.memory_space<vmem>>
    %dma_start3A_184 = tpu.memref_squeeze %dma_start3A_183 : memref<1x112x128xf32, #tpu.memory_space<vmem>> -> memref<112x128xf32, #tpu.memory_space<vmem>>
    %dma_start3A_185 = arith.constant 0 : i32
    %dma_start3A_186 = tpu.memref_slice %arg5[%dma_start3A_178, %dma_start3A_179, %dma_start3A_185] : memref<14x1x112xi32, #tpu.memory_space<vmem>> -> memref<1x1x112xi32, #tpu.memory_space<vmem>>
    %dma_start3A_187 = tpu.memref_squeeze %dma_start3A_186 : memref<1x1x112xi32, #tpu.memory_space<vmem>> -> memref<112xi32, #tpu.memory_space<vmem>>
    %dma_start3A_188 = arith.constant 0 : i32
    %dma_start3A_189 = arith.constant 0 : i32
    %dma_start3A_190 = tpu.memref_slice %arg2[%dma_start3A_188, %dma_start3A_189] : memref<512x128xf32, #tpu.memory_space<hbm>> -> memref<512x128xf32, #tpu.memory_space<hbm>>
    tpu.enqueue_indirect_dma source(%dma_start3A_190 : memref<512x128xf32, #tpu.memory_space<hbm>>) target(%dma_start3A_184 : memref<112x128xf32, #tpu.memory_space<vmem>>) offsets(%dma_start3A_187 : memref<112xi32, #tpu.memory_space<vmem>>) semaphore(%arg7 : memref<!tpu.dma_semaphore, #tpu.memory_space<semaphore_mem>>)
    %dma_wait3A_191 = arith.constant 4 : i32
    %dma_wait3A_192 = arith.constant 0 : i32
    %dma_wait3A_193 = arith.constant 4 : i32
    %dma_wait3A_194 = arith.constant 0 : i32
    %dma_wait3A_195 = arith.constant 0 : i32
    %dma_wait3A_196 = tpu.memref_slice %arg6[%dma_wait3A_193, %dma_wait3A_194, %dma_wait3A_195] : memref<6x112x128xf32, #tpu.memory_space<vmem>> -> memref<1x112x128xf32, #tpu.memory_space<vmem>>
    %dma_wait3A_197 = tpu.memref_squeeze %dma_wait3A_196 : memref<1x112x128xf32, #tpu.memory_space<vmem>> -> memref<112x128xf32, #tpu.memory_space<vmem>>
    %dma_wait3A_198 = arith.constant 0 : i32
    %dma_wait3A_199 = tpu.memref_slice %arg5[%dma_wait3A_191, %dma_wait3A_192, %dma_wait3A_198] : memref<14x1x112xi32, #tpu.memory_space<vmem>> -> memref<1x1x112xi32, #tpu.memory_space<vmem>>
    %dma_wait3A_200 = tpu.memref_squeeze %dma_wait3A_199 : memref<1x1x112xi32, #tpu.memory_space<vmem>> -> memref<112xi32, #tpu.memory_space<vmem>>
    %dma_wait3A_201 = arith.constant 0 : i32
    %dma_wait3A_202 = arith.constant 0 : i32
    %dma_wait3A_203 = tpu.memref_slice %arg2[%dma_wait3A_201, %dma_wait3A_202] : memref<512x128xf32, #tpu.memory_space<hbm>> -> memref<512x128xf32, #tpu.memory_space<hbm>>
    tpu.wait_indirect_dma semaphore(%arg7 : memref<!tpu.dma_semaphore, #tpu.memory_space<semaphore_mem>>) src(%dma_wait3A_203 : memref<512x128xf32, #tpu.memory_space<hbm>>) dst(%dma_wait3A_197 : memref<112x128xf32, #tpu.memory_space<vmem>>)
    %add3A_204 = arith.constant 448 : i32
    %add3A_205 = arith.addi %mul3A_2, %add3A_204 : i32
    %dma_start3A_206 = arith.constant 4 : i32
    %dma_start3A_207 = arith.constant 0 : i32
    %dma_start3A_208 = arith.constant 0 : i32
    %dma_start3A_209 = tpu.memref_slice %arg6[%dma_start3A_206, %dma_start3A_207, %dma_start3A_208] : memref<6x112x128xf32, #tpu.memory_space<vmem>> -> memref<1x112x128xf32, #tpu.memory_space<vmem>>
    %dma_start3A_210 = tpu.memref_squeeze %dma_start3A_209 : memref<1x112x128xf32, #tpu.memory_space<vmem>> -> memref<112x128xf32, #tpu.memory_space<vmem>>
    %dma_start3A_211 = arith.constant 0 : i32
    %dma_start3A_212 = tpu.memref_slice %arg4[%add3A_205, %dma_start3A_211] : memref<50176x128xf32, #tpu.memory_space<hbm>> -> memref<112x128xf32, #tpu.memory_space<hbm>>
    %dma_start3A_213 = arith.constant 0 : i32
    %dma_start3A_214 = tpu.memref_slice %arg4[%add3A_205, %dma_start3A_213] : memref<50176x128xf32, #tpu.memory_space<hbm>> -> memref<112x128xf32, #tpu.memory_space<hbm>>
    %dma_start3A_215 = arith.constant 0 : i32
    %dma_start3A_216 = arith.constant 0 : i32
    %dma_start3A_217 = tpu.memref_slice %arg6[%dma_start3A_206, %dma_start3A_215, %dma_start3A_216] : memref<6x112x128xf32, #tpu.memory_space<vmem>> -> memref<1x112x128xf32, #tpu.memory_space<vmem>>
    %dma_start3A_218 = tpu.memref_squeeze %dma_start3A_217 : memref<1x112x128xf32, #tpu.memory_space<vmem>> -> memref<112x128xf32, #tpu.memory_space<vmem>>
    tpu.enqueue_dma source(%dma_start3A_218 : memref<112x128xf32, #tpu.memory_space<vmem>>) target(%dma_start3A_214 : memref<112x128xf32, #tpu.memory_space<hbm>>) target_semaphore(%arg8 : memref<!tpu.dma_semaphore, #tpu.memory_space<semaphore_mem>>)
    %dma_wait3A_219 = arith.constant 0 : i32
    %dma_wait3A_220 = arith.constant 0 : i32
    %dma_wait3A_221 = arith.constant 0 : i32
    %dma_wait3A_222 = tpu.memref_slice %arg6[%dma_wait3A_219, %dma_wait3A_220, %dma_wait3A_221] : memref<6x112x128xf32, #tpu.memory_space<vmem>> -> memref<1x112x128xf32, #tpu.memory_space<vmem>>
    %dma_wait3A_223 = tpu.memref_squeeze %dma_wait3A_222 : memref<1x112x128xf32, #tpu.memory_space<vmem>> -> memref<112x128xf32, #tpu.memory_space<vmem>>
    %dma_wait3A_224 = arith.constant 0 : i32
    %dma_wait3A_225 = tpu.memref_slice %arg4[%add3A_41, %dma_wait3A_224] : memref<50176x128xf32, #tpu.memory_space<hbm>> -> memref<112x128xf32, #tpu.memory_space<hbm>>
    %dma_wait3A_226 = arith.constant 0 : i32
    %dma_wait3A_227 = tpu.memref_slice %arg4[%add3A_41, %dma_wait3A_226] : memref<50176x128xf32, #tpu.memory_space<hbm>> -> memref<112x128xf32, #tpu.memory_space<hbm>>
    %dma_wait3A_228 = arith.constant 0 : i32
    %dma_wait3A_229 = arith.constant 0 : i32
    %dma_wait3A_230 = tpu.memref_slice %arg6[%dma_wait3A_219, %dma_wait3A_228, %dma_wait3A_229] : memref<6x112x128xf32, #tpu.memory_space<vmem>> -> memref<1x112x128xf32, #tpu.memory_space<vmem>>
    %dma_wait3A_231 = tpu.memref_squeeze %dma_wait3A_230 : memref<1x112x128xf32, #tpu.memory_space<vmem>> -> memref<112x128xf32, #tpu.memory_space<vmem>>
    tpu.wait_dma2 semaphore(%arg8 : memref<!tpu.dma_semaphore, #tpu.memory_space<semaphore_mem>>) src(%dma_wait3A_231 : memref<112x128xf32, #tpu.memory_space<vmem>>) dst(%dma_wait3A_227 : memref<112x128xf32, #tpu.memory_space<hbm>>)
    %dma_start3A_232 = arith.constant 6 : i32
    %dma_start3A_233 = arith.constant 0 : i32
    %dma_start3A_234 = arith.constant 0 : i32
    %dma_start3A_235 = arith.constant 0 : i32
    %dma_start3A_236 = arith.constant 0 : i32
    %dma_start3A_237 = tpu.memref_slice %arg6[%dma_start3A_234, %dma_start3A_235, %dma_start3A_236] : memref<6x112x128xf32, #tpu.memory_space<vmem>> -> memref<1x112x128xf32, #tpu.memory_space<vmem>>
    %dma_start3A_238 = tpu.memref_squeeze %dma_start3A_237 : memref<1x112x128xf32, #tpu.memory_space<vmem>> -> memref<112x128xf32, #tpu.memory_space<vmem>>
    %dma_start3A_239 = arith.constant 0 : i32
    %dma_start3A_240 = tpu.memref_slice %arg5[%dma_start3A_232, %dma_start3A_233, %dma_start3A_239] : memref<14x1x112xi32, #tpu.memory_space<vmem>> -> memref<1x1x112xi32, #tpu.memory_space<vmem>>
    %dma_start3A_241 = tpu.memref_squeeze %dma_start3A_240 : memref<1x1x112xi32, #tpu.memory_space<vmem>> -> memref<112xi32, #tpu.memory_space<vmem>>
    %dma_start3A_242 = arith.constant 0 : i32
    %dma_start3A_243 = arith.constant 0 : i32
    %dma_start3A_244 = tpu.memref_slice %arg2[%dma_start3A_242, %dma_start3A_243] : memref<512x128xf32, #tpu.memory_space<hbm>> -> memref<512x128xf32, #tpu.memory_space<hbm>>
    tpu.enqueue_indirect_dma source(%dma_start3A_244 : memref<512x128xf32, #tpu.memory_space<hbm>>) target(%dma_start3A_238 : memref<112x128xf32, #tpu.memory_space<vmem>>) offsets(%dma_start3A_241 : memref<112xi32, #tpu.memory_space<vmem>>) semaphore(%arg7 : memref<!tpu.dma_semaphore, #tpu.memory_space<semaphore_mem>>)
    %dma_wait3A_245 = arith.constant 5 : i32
    %dma_wait3A_246 = arith.constant 0 : i32
    %dma_wait3A_247 = arith.constant 5 : i32
    %dma_wait3A_248 = arith.constant 0 : i32
    %dma_wait3A_249 = arith.constant 0 : i32
    %dma_wait3A_250 = tpu.memref_slice %arg6[%dma_wait3A_247, %dma_wait3A_248, %dma_wait3A_249] : memref<6x112x128xf32, #tpu.memory_space<vmem>> -> memref<1x112x128xf32, #tpu.memory_space<vmem>>
    %dma_wait3A_251 = tpu.memref_squeeze %dma_wait3A_250 : memref<1x112x128xf32, #tpu.memory_space<vmem>> -> memref<112x128xf32, #tpu.memory_space<vmem>>
    %dma_wait3A_252 = arith.constant 0 : i32
    %dma_wait3A_253 = tpu.memref_slice %arg5[%dma_wait3A_245, %dma_wait3A_246, %dma_wait3A_252] : memref<14x1x112xi32, #tpu.memory_space<vmem>> -> memref<1x1x112xi32, #tpu.memory_space<vmem>>
    %dma_wait3A_254 = tpu.memref_squeeze %dma_wait3A_253 : memref<1x1x112xi32, #tpu.memory_space<vmem>> -> memref<112xi32, #tpu.memory_space<vmem>>
    %dma_wait3A_255 = arith.constant 0 : i32
    %dma_wait3A_256 = arith.constant 0 : i32
    %dma_wait3A_257 = tpu.memref_slice %arg2[%dma_wait3A_255, %dma_wait3A_256] : memref<512x128xf32, #tpu.memory_space<hbm>> -> memref<512x128xf32, #tpu.memory_space<hbm>>
    tpu.wait_indirect_dma semaphore(%arg7 : memref<!tpu.dma_semaphore, #tpu.memory_space<semaphore_mem>>) src(%dma_wait3A_257 : memref<512x128xf32, #tpu.memory_space<hbm>>) dst(%dma_wait3A_251 : memref<112x128xf32, #tpu.memory_space<vmem>>)
    %add3A_258 = arith.constant 560 : i32
    %add3A_259 = arith.addi %mul3A_2, %add3A_258 : i32
    %dma_start3A_260 = arith.constant 5 : i32
    %dma_start3A_261 = arith.constant 0 : i32
    %dma_start3A_262 = arith.constant 0 : i32
    %dma_start3A_263 = tpu.memref_slice %arg6[%dma_start3A_260, %dma_start3A_261, %dma_start3A_262] : memref<6x112x128xf32, #tpu.memory_space<vmem>> -> memref<1x112x128xf32, #tpu.memory_space<vmem>>
    %dma_start3A_264 = tpu.memref_squeeze %dma_start3A_263 : memref<1x112x128xf32, #tpu.memory_space<vmem>> -> memref<112x128xf32, #tpu.memory_space<vmem>>
    %dma_start3A_265 = arith.constant 0 : i32
    %dma_start3A_266 = tpu.memref_slice %arg4[%add3A_259, %dma_start3A_265] : memref<50176x128xf32, #tpu.memory_space<hbm>> -> memref<112x128xf32, #tpu.memory_space<hbm>>
    %dma_start3A_267 = arith.constant 0 : i32
    %dma_start3A_268 = tpu.memref_slice %arg4[%add3A_259, %dma_start3A_267] : memref<50176x128xf32, #tpu.memory_space<hbm>> -> memref<112x128xf32, #tpu.memory_space<hbm>>
    %dma_start3A_269 = arith.constant 0 : i32
    %dma_start3A_270 = arith.constant 0 : i32
    %dma_start3A_271 = tpu.memref_slice %arg6[%dma_start3A_260, %dma_start3A_269, %dma_start3A_270] : memref<6x112x128xf32, #tpu.memory_space<vmem>> -> memref<1x112x128xf32, #tpu.memory_space<vmem>>
    %dma_start3A_272 = tpu.memref_squeeze %dma_start3A_271 : memref<1x112x128xf32, #tpu.memory_space<vmem>> -> memref<112x128xf32, #tpu.memory_space<vmem>>
    tpu.enqueue_dma source(%dma_start3A_272 : memref<112x128xf32, #tpu.memory_space<vmem>>) target(%dma_start3A_268 : memref<112x128xf32, #tpu.memory_space<hbm>>) target_semaphore(%arg8 : memref<!tpu.dma_semaphore, #tpu.memory_space<semaphore_mem>>)
    %dma_wait3A_273 = arith.constant 1 : i32
    %dma_wait3A_274 = arith.constant 0 : i32
    %dma_wait3A_275 = arith.constant 0 : i32
    %dma_wait3A_276 = tpu.memref_slice %arg6[%dma_wait3A_273, %dma_wait3A_274, %dma_wait3A_275] : memref<6x112x128xf32, #tpu.memory_space<vmem>> -> memref<1x112x128xf32, #tpu.memory_space<vmem>>
    %dma_wait3A_277 = tpu.memref_squeeze %dma_wait3A_276 : memref<1x112x128xf32, #tpu.memory_space<vmem>> -> memref<112x128xf32, #tpu.memory_space<vmem>>
    %dma_wait3A_278 = arith.constant 0 : i32
    %dma_wait3A_279 = tpu.memref_slice %arg4[%add3A_82, %dma_wait3A_278] : memref<50176x128xf32, #tpu.memory_space<hbm>> -> memref<112x128xf32, #tpu.memory_space<hbm>>
    %dma_wait3A_280 = arith.constant 0 : i32
    %dma_wait3A_281 = tpu.memref_slice %arg4[%add3A_82, %dma_wait3A_280] : memref<50176x128xf32, #tpu.memory_space<hbm>> -> memref<112x128xf32, #tpu.memory_space<hbm>>
    %dma_wait3A_282 = arith.constant 0 : i32
    %dma_wait3A_283 = arith.constant 0 : i32
    %dma_wait3A_284 = tpu.memref_slice %arg6[%dma_wait3A_273, %dma_wait3A_282, %dma_wait3A_283] : memref<6x112x128xf32, #tpu.memory_space<vmem>> -> memref<1x112x128xf32, #tpu.memory_space<vmem>>
    %dma_wait3A_285 = tpu.memref_squeeze %dma_wait3A_284 : memref<1x112x128xf32, #tpu.memory_space<vmem>> -> memref<112x128xf32, #tpu.memory_space<vmem>>
    tpu.wait_dma2 semaphore(%arg8 : memref<!tpu.dma_semaphore, #tpu.memory_space<semaphore_mem>>) src(%dma_wait3A_285 : memref<112x128xf32, #tpu.memory_space<vmem>>) dst(%dma_wait3A_281 : memref<112x128xf32, #tpu.memory_space<hbm>>)
    %dma_start3A_286 = arith.constant 7 : i32
    %dma_start3A_287 = arith.constant 0 : i32
    %dma_start3A_288 = arith.constant 1 : i32
    %dma_start3A_289 = arith.constant 0 : i32
    %dma_start3A_290 = arith.constant 0 : i32
    %dma_start3A_291 = tpu.memref_slice %arg6[%dma_start3A_288, %dma_start3A_289, %dma_start3A_290] : memref<6x112x128xf32, #tpu.memory_space<vmem>> -> memref<1x112x128xf32, #tpu.memory_space<vmem>>
    %dma_start3A_292 = tpu.memref_squeeze %dma_start3A_291 : memref<1x112x128xf32, #tpu.memory_space<vmem>> -> memref<112x128xf32, #tpu.memory_space<vmem>>
    %dma_start3A_293 = arith.constant 0 : i32
    %dma_start3A_294 = tpu.memref_slice %arg5[%dma_start3A_286, %dma_start3A_287, %dma_start3A_293] : memref<14x1x112xi32, #tpu.memory_space<vmem>> -> memref<1x1x112xi32, #tpu.memory_space<vmem>>
    %dma_start3A_295 = tpu.memref_squeeze %dma_start3A_294 : memref<1x1x112xi32, #tpu.memory_space<vmem>> -> memref<112xi32, #tpu.memory_space<vmem>>
    %dma_start3A_296 = arith.constant 0 : i32
    %dma_start3A_297 = arith.constant 0 : i32
    %dma_start3A_298 = tpu.memref_slice %arg2[%dma_start3A_296, %dma_start3A_297] : memref<512x128xf32, #tpu.memory_space<hbm>> -> memref<512x128xf32, #tpu.memory_space<hbm>>
    tpu.enqueue_indirect_dma source(%dma_start3A_298 : memref<512x128xf32, #tpu.memory_space<hbm>>) target(%dma_start3A_292 : memref<112x128xf32, #tpu.memory_space<vmem>>) offsets(%dma_start3A_295 : memref<112xi32, #tpu.memory_space<vmem>>) semaphore(%arg7 : memref<!tpu.dma_semaphore, #tpu.memory_space<semaphore_mem>>)
    %dma_wait3A_299 = arith.constant 6 : i32
    %dma_wait3A_300 = arith.constant 0 : i32
    %dma_wait3A_301 = arith.constant 0 : i32
    %dma_wait3A_302 = arith.constant 0 : i32
    %dma_wait3A_303 = arith.constant 0 : i32
    %dma_wait3A_304 = tpu.memref_slice %arg6[%dma_wait3A_301, %dma_wait3A_302, %dma_wait3A_303] : memref<6x112x128xf32, #tpu.memory_space<vmem>> -> memref<1x112x128xf32, #tpu.memory_space<vmem>>
    %dma_wait3A_305 = tpu.memref_squeeze %dma_wait3A_304 : memref<1x112x128xf32, #tpu.memory_space<vmem>> -> memref<112x128xf32, #tpu.memory_space<vmem>>
    %dma_wait3A_306 = arith.constant 0 : i32
    %dma_wait3A_307 = tpu.memref_slice %arg5[%dma_wait3A_299, %dma_wait3A_300, %dma_wait3A_306] : memref<14x1x112xi32, #tpu.memory_space<vmem>> -> memref<1x1x112xi32, #tpu.memory_space<vmem>>
    %dma_wait3A_308 = tpu.memref_squeeze %dma_wait3A_307 : memref<1x1x112xi32, #tpu.memory_space<vmem>> -> memref<112xi32, #tpu.memory_space<vmem>>
    %dma_wait3A_309 = arith.constant 0 : i32
    %dma_wait3A_310 = arith.constant 0 : i32
    %dma_wait3A_311 = tpu.memref_slice %arg2[%dma_wait3A_309, %dma_wait3A_310] : memref<512x128xf32, #tpu.memory_space<hbm>> -> memref<512x128xf32, #tpu.memory_space<hbm>>
    tpu.wait_indirect_dma semaphore(%arg7 : memref<!tpu.dma_semaphore, #tpu.memory_space<semaphore_mem>>) src(%dma_wait3A_311 : memref<512x128xf32, #tpu.memory_space<hbm>>) dst(%dma_wait3A_305 : memref<112x128xf32, #tpu.memory_space<vmem>>)
    %add3A_312 = arith.constant 672 : i32
    %add3A_313 = arith.addi %mul3A_2, %add3A_312 : i32
    %dma_start3A_314 = arith.constant 0 : i32
    %dma_start3A_315 = arith.constant 0 : i32
    %dma_start3A_316 = arith.constant 0 : i32
    %dma_start3A_317 = tpu.memref_slice %arg6[%dma_start3A_314, %dma_start3A_315, %dma_start3A_316] : memref<6x112x128xf32, #tpu.memory_space<vmem>> -> memref<1x112x128xf32, #tpu.memory_space<vmem>>
    %dma_start3A_318 = tpu.memref_squeeze %dma_start3A_317 : memref<1x112x128xf32, #tpu.memory_space<vmem>> -> memref<112x128xf32, #tpu.memory_space<vmem>>
    %dma_start3A_319 = arith.constant 0 : i32
    %dma_start3A_320 = tpu.memref_slice %arg4[%add3A_313, %dma_start3A_319] : memref<50176x128xf32, #tpu.memory_space<hbm>> -> memref<112x128xf32, #tpu.memory_space<hbm>>
    %dma_start3A_321 = arith.constant 0 : i32
    %dma_start3A_322 = tpu.memref_slice %arg4[%add3A_313, %dma_start3A_321] : memref<50176x128xf32, #tpu.memory_space<hbm>> -> memref<112x128xf32, #tpu.memory_space<hbm>>
    %dma_start3A_323 = arith.constant 0 : i32
    %dma_start3A_324 = arith.constant 0 : i32
    %dma_start3A_325 = tpu.memref_slice %arg6[%dma_start3A_314, %dma_start3A_323, %dma_start3A_324] : memref<6x112x128xf32, #tpu.memory_space<vmem>> -> memref<1x112x128xf32, #tpu.memory_space<vmem>>
    %dma_start3A_326 = tpu.memref_squeeze %dma_start3A_325 : memref<1x112x128xf32, #tpu.memory_space<vmem>> -> memref<112x128xf32, #tpu.memory_space<vmem>>
    tpu.enqueue_dma source(%dma_start3A_326 : memref<112x128xf32, #tpu.memory_space<vmem>>) target(%dma_start3A_322 : memref<112x128xf32, #tpu.memory_space<hbm>>) target_semaphore(%arg8 : memref<!tpu.dma_semaphore, #tpu.memory_space<semaphore_mem>>)
    %dma_wait3A_327 = arith.constant 2 : i32
    %dma_wait3A_328 = arith.constant 0 : i32
    %dma_wait3A_329 = arith.constant 0 : i32
    %dma_wait3A_330 = tpu.memref_slice %arg6[%dma_wait3A_327, %dma_wait3A_328, %dma_wait3A_329] : memref<6x112x128xf32, #tpu.memory_space<vmem>> -> memref<1x112x128xf32, #tpu.memory_space<vmem>>
    %dma_wait3A_331 = tpu.memref_squeeze %dma_wait3A_330 : memref<1x112x128xf32, #tpu.memory_space<vmem>> -> memref<112x128xf32, #tpu.memory_space<vmem>>
    %dma_wait3A_332 = arith.constant 0 : i32
    %dma_wait3A_333 = tpu.memref_slice %arg4[%add3A_123, %dma_wait3A_332] : memref<50176x128xf32, #tpu.memory_space<hbm>> -> memref<112x128xf32, #tpu.memory_space<hbm>>
    %dma_wait3A_334 = arith.constant 0 : i32
    %dma_wait3A_335 = tpu.memref_slice %arg4[%add3A_123, %dma_wait3A_334] : memref<50176x128xf32, #tpu.memory_space<hbm>> -> memref<112x128xf32, #tpu.memory_space<hbm>>
    %dma_wait3A_336 = arith.constant 0 : i32
    %dma_wait3A_337 = arith.constant 0 : i32
    %dma_wait3A_338 = tpu.memref_slice %arg6[%dma_wait3A_327, %dma_wait3A_336, %dma_wait3A_337] : memref<6x112x128xf32, #tpu.memory_space<vmem>> -> memref<1x112x128xf32, #tpu.memory_space<vmem>>
    %dma_wait3A_339 = tpu.memref_squeeze %dma_wait3A_338 : memref<1x112x128xf32, #tpu.memory_space<vmem>> -> memref<112x128xf32, #tpu.memory_space<vmem>>
    tpu.wait_dma2 semaphore(%arg8 : memref<!tpu.dma_semaphore, #tpu.memory_space<semaphore_mem>>) src(%dma_wait3A_339 : memref<112x128xf32, #tpu.memory_space<vmem>>) dst(%dma_wait3A_335 : memref<112x128xf32, #tpu.memory_space<hbm>>)
    %dma_start3A_340 = arith.constant 8 : i32
    %dma_start3A_341 = arith.constant 0 : i32
    %dma_start3A_342 = arith.constant 2 : i32
    %dma_start3A_343 = arith.constant 0 : i32
    %dma_start3A_344 = arith.constant 0 : i32
    %dma_start3A_345 = tpu.memref_slice %arg6[%dma_start3A_342, %dma_start3A_343, %dma_start3A_344] : memref<6x112x128xf32, #tpu.memory_space<vmem>> -> memref<1x112x128xf32, #tpu.memory_space<vmem>>
    %dma_start3A_346 = tpu.memref_squeeze %dma_start3A_345 : memref<1x112x128xf32, #tpu.memory_space<vmem>> -> memref<112x128xf32, #tpu.memory_space<vmem>>
    %dma_start3A_347 = arith.constant 0 : i32
    %dma_start3A_348 = tpu.memref_slice %arg5[%dma_start3A_340, %dma_start3A_341, %dma_start3A_347] : memref<14x1x112xi32, #tpu.memory_space<vmem>> -> memref<1x1x112xi32, #tpu.memory_space<vmem>>
    %dma_start3A_349 = tpu.memref_squeeze %dma_start3A_348 : memref<1x1x112xi32, #tpu.memory_space<vmem>> -> memref<112xi32, #tpu.memory_space<vmem>>
    %dma_start3A_350 = arith.constant 0 : i32
    %dma_start3A_351 = arith.constant 0 : i32
    %dma_start3A_352 = tpu.memref_slice %arg2[%dma_start3A_350, %dma_start3A_351] : memref<512x128xf32, #tpu.memory_space<hbm>> -> memref<512x128xf32, #tpu.memory_space<hbm>>
    tpu.enqueue_indirect_dma source(%dma_start3A_352 : memref<512x128xf32, #tpu.memory_space<hbm>>) target(%dma_start3A_346 : memref<112x128xf32, #tpu.memory_space<vmem>>) offsets(%dma_start3A_349 : memref<112xi32, #tpu.memory_space<vmem>>) semaphore(%arg7 : memref<!tpu.dma_semaphore, #tpu.memory_space<semaphore_mem>>)
    %dma_wait3A_353 = arith.constant 7 : i32
    %dma_wait3A_354 = arith.constant 0 : i32
    %dma_wait3A_355 = arith.constant 1 : i32
    %dma_wait3A_356 = arith.constant 0 : i32
    %dma_wait3A_357 = arith.constant 0 : i32
    %dma_wait3A_358 = tpu.memref_slice %arg6[%dma_wait3A_355, %dma_wait3A_356, %dma_wait3A_357] : memref<6x112x128xf32, #tpu.memory_space<vmem>> -> memref<1x112x128xf32, #tpu.memory_space<vmem>>
    %dma_wait3A_359 = tpu.memref_squeeze %dma_wait3A_358 : memref<1x112x128xf32, #tpu.memory_space<vmem>> -> memref<112x128xf32, #tpu.memory_space<vmem>>
    %dma_wait3A_360 = arith.constant 0 : i32
    %dma_wait3A_361 = tpu.memref_slice %arg5[%dma_wait3A_353, %dma_wait3A_354, %dma_wait3A_360] : memref<14x1x112xi32, #tpu.memory_space<vmem>> -> memref<1x1x112xi32, #tpu.memory_space<vmem>>
    %dma_wait3A_362 = tpu.memref_squeeze %dma_wait3A_361 : memref<1x1x112xi32, #tpu.memory_space<vmem>> -> memref<112xi32, #tpu.memory_space<vmem>>
    %dma_wait3A_363 = arith.constant 0 : i32
    %dma_wait3A_364 = arith.constant 0 : i32
    %dma_wait3A_365 = tpu.memref_slice %arg2[%dma_wait3A_363, %dma_wait3A_364] : memref<512x128xf32, #tpu.memory_space<hbm>> -> memref<512x128xf32, #tpu.memory_space<hbm>>
    tpu.wait_indirect_dma semaphore(%arg7 : memref<!tpu.dma_semaphore, #tpu.memory_space<semaphore_mem>>) src(%dma_wait3A_365 : memref<512x128xf32, #tpu.memory_space<hbm>>) dst(%dma_wait3A_359 : memref<112x128xf32, #tpu.memory_space<vmem>>)
    %add3A_366 = arith.constant 784 : i32
    %add3A_367 = arith.addi %mul3A_2, %add3A_366 : i32
    %dma_start3A_368 = arith.constant 1 : i32
    %dma_start3A_369 = arith.constant 0 : i32
    %dma_start3A_370 = arith.constant 0 : i32
    %dma_start3A_371 = tpu.memref_slice %arg6[%dma_start3A_368, %dma_start3A_369, %dma_start3A_370] : memref<6x112x128xf32, #tpu.memory_space<vmem>> -> memref<1x112x128xf32, #tpu.memory_space<vmem>>
    %dma_start3A_372 = tpu.memref_squeeze %dma_start3A_371 : memref<1x112x128xf32, #tpu.memory_space<vmem>> -> memref<112x128xf32, #tpu.memory_space<vmem>>
    %dma_start3A_373 = arith.constant 0 : i32
    %dma_start3A_374 = tpu.memref_slice %arg4[%add3A_367, %dma_start3A_373] : memref<50176x128xf32, #tpu.memory_space<hbm>> -> memref<112x128xf32, #tpu.memory_space<hbm>>
    %dma_start3A_375 = arith.constant 0 : i32
    %dma_start3A_376 = tpu.memref_slice %arg4[%add3A_367, %dma_start3A_375] : memref<50176x128xf32, #tpu.memory_space<hbm>> -> memref<112x128xf32, #tpu.memory_space<hbm>>
    %dma_start3A_377 = arith.constant 0 : i32
    %dma_start3A_378 = arith.constant 0 : i32
    %dma_start3A_379 = tpu.memref_slice %arg6[%dma_start3A_368, %dma_start3A_377, %dma_start3A_378] : memref<6x112x128xf32, #tpu.memory_space<vmem>> -> memref<1x112x128xf32, #tpu.memory_space<vmem>>
    %dma_start3A_380 = tpu.memref_squeeze %dma_start3A_379 : memref<1x112x128xf32, #tpu.memory_space<vmem>> -> memref<112x128xf32, #tpu.memory_space<vmem>>
    tpu.enqueue_dma source(%dma_start3A_380 : memref<112x128xf32, #tpu.memory_space<vmem>>) target(%dma_start3A_376 : memref<112x128xf32, #tpu.memory_space<hbm>>) target_semaphore(%arg8 : memref<!tpu.dma_semaphore, #tpu.memory_space<semaphore_mem>>)
    %dma_wait3A_381 = arith.constant 3 : i32
    %dma_wait3A_382 = arith.constant 0 : i32
    %dma_wait3A_383 = arith.constant 0 : i32
    %dma_wait3A_384 = tpu.memref_slice %arg6[%dma_wait3A_381, %dma_wait3A_382, %dma_wait3A_383] : memref<6x112x128xf32, #tpu.memory_space<vmem>> -> memref<1x112x128xf32, #tpu.memory_space<vmem>>
    %dma_wait3A_385 = tpu.memref_squeeze %dma_wait3A_384 : memref<1x112x128xf32, #tpu.memory_space<vmem>> -> memref<112x128xf32, #tpu.memory_space<vmem>>
    %dma_wait3A_386 = arith.constant 0 : i32
    %dma_wait3A_387 = tpu.memref_slice %arg4[%add3A_164, %dma_wait3A_386] : memref<50176x128xf32, #tpu.memory_space<hbm>> -> memref<112x128xf32, #tpu.memory_space<hbm>>
    %dma_wait3A_388 = arith.constant 0 : i32
    %dma_wait3A_389 = tpu.memref_slice %arg4[%add3A_164, %dma_wait3A_388] : memref<50176x128xf32, #tpu.memory_space<hbm>> -> memref<112x128xf32, #tpu.memory_space<hbm>>
    %dma_wait3A_390 = arith.constant 0 : i32
    %dma_wait3A_391 = arith.constant 0 : i32
    %dma_wait3A_392 = tpu.memref_slice %arg6[%dma_wait3A_381, %dma_wait3A_390, %dma_wait3A_391] : memref<6x112x128xf32, #tpu.memory_space<vmem>> -> memref<1x112x128xf32, #tpu.memory_space<vmem>>
    %dma_wait3A_393 = tpu.memref_squeeze %dma_wait3A_392 : memref<1x112x128xf32, #tpu.memory_space<vmem>> -> memref<112x128xf32, #tpu.memory_space<vmem>>
    tpu.wait_dma2 semaphore(%arg8 : memref<!tpu.dma_semaphore, #tpu.memory_space<semaphore_mem>>) src(%dma_wait3A_393 : memref<112x128xf32, #tpu.memory_space<vmem>>) dst(%dma_wait3A_389 : memref<112x128xf32, #tpu.memory_space<hbm>>)
    %dma_start3A_394 = arith.constant 9 : i32
    %dma_start3A_395 = arith.constant 0 : i32
    %dma_start3A_396 = arith.constant 3 : i32
    %dma_start3A_397 = arith.constant 0 : i32
    %dma_start3A_398 = arith.constant 0 : i32
    %dma_start3A_399 = tpu.memref_slice %arg6[%dma_start3A_396, %dma_start3A_397, %dma_start3A_398] : memref<6x112x128xf32, #tpu.memory_space<vmem>> -> memref<1x112x128xf32, #tpu.memory_space<vmem>>
    %dma_start3A_400 = tpu.memref_squeeze %dma_start3A_399 : memref<1x112x128xf32, #tpu.memory_space<vmem>> -> memref<112x128xf32, #tpu.memory_space<vmem>>
    %dma_start3A_401 = arith.constant 0 : i32
    %dma_start3A_402 = tpu.memref_slice %arg5[%dma_start3A_394, %dma_start3A_395, %dma_start3A_401] : memref<14x1x112xi32, #tpu.memory_space<vmem>> -> memref<1x1x112xi32, #tpu.memory_space<vmem>>
    %dma_start3A_403 = tpu.memref_squeeze %dma_start3A_402 : memref<1x1x112xi32, #tpu.memory_space<vmem>> -> memref<112xi32, #tpu.memory_space<vmem>>
    %dma_start3A_404 = arith.constant 0 : i32
    %dma_start3A_405 = arith.constant 0 : i32
    %dma_start3A_406 = tpu.memref_slice %arg2[%dma_start3A_404, %dma_start3A_405] : memref<512x128xf32, #tpu.memory_space<hbm>> -> memref<512x128xf32, #tpu.memory_space<hbm>>
    tpu.enqueue_indirect_dma source(%dma_start3A_406 : memref<512x128xf32, #tpu.memory_space<hbm>>) target(%dma_start3A_400 : memref<112x128xf32, #tpu.memory_space<vmem>>) offsets(%dma_start3A_403 : memref<112xi32, #tpu.memory_space<vmem>>) semaphore(%arg7 : memref<!tpu.dma_semaphore, #tpu.memory_space<semaphore_mem>>)
    %dma_wait3A_407 = arith.constant 8 : i32
    %dma_wait3A_408 = arith.constant 0 : i32
    %dma_wait3A_409 = arith.constant 2 : i32
    %dma_wait3A_410 = arith.constant 0 : i32
    %dma_wait3A_411 = arith.constant 0 : i32
    %dma_wait3A_412 = tpu.memref_slice %arg6[%dma_wait3A_409, %dma_wait3A_410, %dma_wait3A_411] : memref<6x112x128xf32, #tpu.memory_space<vmem>> -> memref<1x112x128xf32, #tpu.memory_space<vmem>>
    %dma_wait3A_413 = tpu.memref_squeeze %dma_wait3A_412 : memref<1x112x128xf32, #tpu.memory_space<vmem>> -> memref<112x128xf32, #tpu.memory_space<vmem>>
    %dma_wait3A_414 = arith.constant 0 : i32
    %dma_wait3A_415 = tpu.memref_slice %arg5[%dma_wait3A_407, %dma_wait3A_408, %dma_wait3A_414] : memref<14x1x112xi32, #tpu.memory_space<vmem>> -> memref<1x1x112xi32, #tpu.memory_space<vmem>>
    %dma_wait3A_416 = tpu.memref_squeeze %dma_wait3A_415 : memref<1x1x112xi32, #tpu.memory_space<vmem>> -> memref<112xi32, #tpu.memory_space<vmem>>
    %dma_wait3A_417 = arith.constant 0 : i32
    %dma_wait3A_418 = arith.constant 0 : i32
    %dma_wait3A_419 = tpu.memref_slice %arg2[%dma_wait3A_417, %dma_wait3A_418] : memref<512x128xf32, #tpu.memory_space<hbm>> -> memref<512x128xf32, #tpu.memory_space<hbm>>
    tpu.wait_indirect_dma semaphore(%arg7 : memref<!tpu.dma_semaphore, #tpu.memory_space<semaphore_mem>>) src(%dma_wait3A_419 : memref<512x128xf32, #tpu.memory_space<hbm>>) dst(%dma_wait3A_413 : memref<112x128xf32, #tpu.memory_space<vmem>>)
    %add3A_420 = arith.constant 896 : i32
    %add3A_421 = arith.addi %mul3A_2, %add3A_420 : i32
    %dma_start3A_422 = arith.constant 2 : i32
    %dma_start3A_423 = arith.constant 0 : i32
    %dma_start3A_424 = arith.constant 0 : i32
    %dma_start3A_425 = tpu.memref_slice %arg6[%dma_start3A_422, %dma_start3A_423, %dma_start3A_424] : memref<6x112x128xf32, #tpu.memory_space<vmem>> -> memref<1x112x128xf32, #tpu.memory_space<vmem>>
    %dma_start3A_426 = tpu.memref_squeeze %dma_start3A_425 : memref<1x112x128xf32, #tpu.memory_space<vmem>> -> memref<112x128xf32, #tpu.memory_space<vmem>>
    %dma_start3A_427 = arith.constant 0 : i32
    %dma_start3A_428 = tpu.memref_slice %arg4[%add3A_421, %dma_start3A_427] : memref<50176x128xf32, #tpu.memory_space<hbm>> -> memref<112x128xf32, #tpu.memory_space<hbm>>
    %dma_start3A_429 = arith.constant 0 : i32
    %dma_start3A_430 = tpu.memref_slice %arg4[%add3A_421, %dma_start3A_429] : memref<50176x128xf32, #tpu.memory_space<hbm>> -> memref<112x128xf32, #tpu.memory_space<hbm>>
    %dma_start3A_431 = arith.constant 0 : i32
    %dma_start3A_432 = arith.constant 0 : i32
    %dma_start3A_433 = tpu.memref_slice %arg6[%dma_start3A_422, %dma_start3A_431, %dma_start3A_432] : memref<6x112x128xf32, #tpu.memory_space<vmem>> -> memref<1x112x128xf32, #tpu.memory_space<vmem>>
    %dma_start3A_434 = tpu.memref_squeeze %dma_start3A_433 : memref<1x112x128xf32, #tpu.memory_space<vmem>> -> memref<112x128xf32, #tpu.memory_space<vmem>>
    tpu.enqueue_dma source(%dma_start3A_434 : memref<112x128xf32, #tpu.memory_space<vmem>>) target(%dma_start3A_430 : memref<112x128xf32, #tpu.memory_space<hbm>>) target_semaphore(%arg8 : memref<!tpu.dma_semaphore, #tpu.memory_space<semaphore_mem>>)
    %dma_wait3A_435 = arith.constant 4 : i32
    %dma_wait3A_436 = arith.constant 0 : i32
    %dma_wait3A_437 = arith.constant 0 : i32
    %dma_wait3A_438 = tpu.memref_slice %arg6[%dma_wait3A_435, %dma_wait3A_436, %dma_wait3A_437] : memref<6x112x128xf32, #tpu.memory_space<vmem>> -> memref<1x112x128xf32, #tpu.memory_space<vmem>>
    %dma_wait3A_439 = tpu.memref_squeeze %dma_wait3A_438 : memref<1x112x128xf32, #tpu.memory_space<vmem>> -> memref<112x128xf32, #tpu.memory_space<vmem>>
    %dma_wait3A_440 = arith.constant 0 : i32
    %dma_wait3A_441 = tpu.memref_slice %arg4[%add3A_205, %dma_wait3A_440] : memref<50176x128xf32, #tpu.memory_space<hbm>> -> memref<112x128xf32, #tpu.memory_space<hbm>>
    %dma_wait3A_442 = arith.constant 0 : i32
    %dma_wait3A_443 = tpu.memref_slice %arg4[%add3A_205, %dma_wait3A_442] : memref<50176x128xf32, #tpu.memory_space<hbm>> -> memref<112x128xf32, #tpu.memory_space<hbm>>
    %dma_wait3A_444 = arith.constant 0 : i32
    %dma_wait3A_445 = arith.constant 0 : i32
    %dma_wait3A_446 = tpu.memref_slice %arg6[%dma_wait3A_435, %dma_wait3A_444, %dma_wait3A_445] : memref<6x112x128xf32, #tpu.memory_space<vmem>> -> memref<1x112x128xf32, #tpu.memory_space<vmem>>
    %dma_wait3A_447 = tpu.memref_squeeze %dma_wait3A_446 : memref<1x112x128xf32, #tpu.memory_space<vmem>> -> memref<112x128xf32, #tpu.memory_space<vmem>>
    tpu.wait_dma2 semaphore(%arg8 : memref<!tpu.dma_semaphore, #tpu.memory_space<semaphore_mem>>) src(%dma_wait3A_447 : memref<112x128xf32, #tpu.memory_space<vmem>>) dst(%dma_wait3A_443 : memref<112x128xf32, #tpu.memory_space<hbm>>)
    %dma_start3A_448 = arith.constant 10 : i32
    %dma_start3A_449 = arith.constant 0 : i32
    %dma_start3A_450 = arith.constant 4 : i32
    %dma_start3A_451 = arith.constant 0 : i32
    %dma_start3A_452 = arith.constant 0 : i32
    %dma_start3A_453 = tpu.memref_slice %arg6[%dma_start3A_450, %dma_start3A_451, %dma_start3A_452] : memref<6x112x128xf32, #tpu.memory_space<vmem>> -> memref<1x112x128xf32, #tpu.memory_space<vmem>>
    %dma_start3A_454 = tpu.memref_squeeze %dma_start3A_453 : memref<1x112x128xf32, #tpu.memory_space<vmem>> -> memref<112x128xf32, #tpu.memory_space<vmem>>
    %dma_start3A_455 = arith.constant 0 : i32
    %dma_start3A_456 = tpu.memref_slice %arg5[%dma_start3A_448, %dma_start3A_449, %dma_start3A_455] : memref<14x1x112xi32, #tpu.memory_space<vmem>> -> memref<1x1x112xi32, #tpu.memory_space<vmem>>
    %dma_start3A_457 = tpu.memref_squeeze %dma_start3A_456 : memref<1x1x112xi32, #tpu.memory_space<vmem>> -> memref<112xi32, #tpu.memory_space<vmem>>
    %dma_start3A_458 = arith.constant 0 : i32
    %dma_start3A_459 = arith.constant 0 : i32
    %dma_start3A_460 = tpu.memref_slice %arg2[%dma_start3A_458, %dma_start3A_459] : memref<512x128xf32, #tpu.memory_space<hbm>> -> memref<512x128xf32, #tpu.memory_space<hbm>>
    tpu.enqueue_indirect_dma source(%dma_start3A_460 : memref<512x128xf32, #tpu.memory_space<hbm>>) target(%dma_start3A_454 : memref<112x128xf32, #tpu.memory_space<vmem>>) offsets(%dma_start3A_457 : memref<112xi32, #tpu.memory_space<vmem>>) semaphore(%arg7 : memref<!tpu.dma_semaphore, #tpu.memory_space<semaphore_mem>>)
    %dma_wait3A_461 = arith.constant 9 : i32
    %dma_wait3A_462 = arith.constant 0 : i32
    %dma_wait3A_463 = arith.constant 3 : i32
    %dma_wait3A_464 = arith.constant 0 : i32
    %dma_wait3A_465 = arith.constant 0 : i32
    %dma_wait3A_466 = tpu.memref_slice %arg6[%dma_wait3A_463, %dma_wait3A_464, %dma_wait3A_465] : memref<6x112x128xf32, #tpu.memory_space<vmem>> -> memref<1x112x128xf32, #tpu.memory_space<vmem>>
    %dma_wait3A_467 = tpu.memref_squeeze %dma_wait3A_466 : memref<1x112x128xf32, #tpu.memory_space<vmem>> -> memref<112x128xf32, #tpu.memory_space<vmem>>
    %dma_wait3A_468 = arith.constant 0 : i32
    %dma_wait3A_469 = tpu.memref_slice %arg5[%dma_wait3A_461, %dma_wait3A_462, %dma_wait3A_468] : memref<14x1x112xi32, #tpu.memory_space<vmem>> -> memref<1x1x112xi32, #tpu.memory_space<vmem>>
    %dma_wait3A_470 = tpu.memref_squeeze %dma_wait3A_469 : memref<1x1x112xi32, #tpu.memory_space<vmem>> -> memref<112xi32, #tpu.memory_space<vmem>>
    %dma_wait3A_471 = arith.constant 0 : i32
    %dma_wait3A_472 = arith.constant 0 : i32
    %dma_wait3A_473 = tpu.memref_slice %arg2[%dma_wait3A_471, %dma_wait3A_472] : memref<512x128xf32, #tpu.memory_space<hbm>> -> memref<512x128xf32, #tpu.memory_space<hbm>>
    tpu.wait_indirect_dma semaphore(%arg7 : memref<!tpu.dma_semaphore, #tpu.memory_space<semaphore_mem>>) src(%dma_wait3A_473 : memref<512x128xf32, #tpu.memory_space<hbm>>) dst(%dma_wait3A_467 : memref<112x128xf32, #tpu.memory_space<vmem>>)
    %add3A_474 = arith.constant 1008 : i32
    %add3A_475 = arith.addi %mul3A_2, %add3A_474 : i32
    %dma_start3A_476 = arith.constant 3 : i32
    %dma_start3A_477 = arith.constant 0 : i32
    %dma_start3A_478 = arith.constant 0 : i32
    %dma_start3A_479 = tpu.memref_slice %arg6[%dma_start3A_476, %dma_start3A_477, %dma_start3A_478] : memref<6x112x128xf32, #tpu.memory_space<vmem>> -> memref<1x112x128xf32, #tpu.memory_space<vmem>>
    %dma_start3A_480 = tpu.memref_squeeze %dma_start3A_479 : memref<1x112x128xf32, #tpu.memory_space<vmem>> -> memref<112x128xf32, #tpu.memory_space<vmem>>
    %dma_start3A_481 = arith.constant 0 : i32
    %dma_start3A_482 = tpu.memref_slice %arg4[%add3A_475, %dma_start3A_481] : memref<50176x128xf32, #tpu.memory_space<hbm>> -> memref<112x128xf32, #tpu.memory_space<hbm>>
    %dma_start3A_483 = arith.constant 0 : i32
    %dma_start3A_484 = tpu.memref_slice %arg4[%add3A_475, %dma_start3A_483] : memref<50176x128xf32, #tpu.memory_space<hbm>> -> memref<112x128xf32, #tpu.memory_space<hbm>>
    %dma_start3A_485 = arith.constant 0 : i32
    %dma_start3A_486 = arith.constant 0 : i32
    %dma_start3A_487 = tpu.memref_slice %arg6[%dma_start3A_476, %dma_start3A_485, %dma_start3A_486] : memref<6x112x128xf32, #tpu.memory_space<vmem>> -> memref<1x112x128xf32, #tpu.memory_space<vmem>>
    %dma_start3A_488 = tpu.memref_squeeze %dma_start3A_487 : memref<1x112x128xf32, #tpu.memory_space<vmem>> -> memref<112x128xf32, #tpu.memory_space<vmem>>
    tpu.enqueue_dma source(%dma_start3A_488 : memref<112x128xf32, #tpu.memory_space<vmem>>) target(%dma_start3A_484 : memref<112x128xf32, #tpu.memory_space<hbm>>) target_semaphore(%arg8 : memref<!tpu.dma_semaphore, #tpu.memory_space<semaphore_mem>>)
    %dma_wait3A_489 = arith.constant 5 : i32
    %dma_wait3A_490 = arith.constant 0 : i32
    %dma_wait3A_491 = arith.constant 0 : i32
    %dma_wait3A_492 = tpu.memref_slice %arg6[%dma_wait3A_489, %dma_wait3A_490, %dma_wait3A_491] : memref<6x112x128xf32, #tpu.memory_space<vmem>> -> memref<1x112x128xf32, #tpu.memory_space<vmem>>
    %dma_wait3A_493 = tpu.memref_squeeze %dma_wait3A_492 : memref<1x112x128xf32, #tpu.memory_space<vmem>> -> memref<112x128xf32, #tpu.memory_space<vmem>>
    %dma_wait3A_494 = arith.constant 0 : i32
    %dma_wait3A_495 = tpu.memref_slice %arg4[%add3A_259, %dma_wait3A_494] : memref<50176x128xf32, #tpu.memory_space<hbm>> -> memref<112x128xf32, #tpu.memory_space<hbm>>
    %dma_wait3A_496 = arith.constant 0 : i32
    %dma_wait3A_497 = tpu.memref_slice %arg4[%add3A_259, %dma_wait3A_496] : memref<50176x128xf32, #tpu.memory_space<hbm>> -> memref<112x128xf32, #tpu.memory_space<hbm>>
    %dma_wait3A_498 = arith.constant 0 : i32
    %dma_wait3A_499 = arith.constant 0 : i32
    %dma_wait3A_500 = tpu.memref_slice %arg6[%dma_wait3A_489, %dma_wait3A_498, %dma_wait3A_499] : memref<6x112x128xf32, #tpu.memory_space<vmem>> -> memref<1x112x128xf32, #tpu.memory_space<vmem>>
    %dma_wait3A_501 = tpu.memref_squeeze %dma_wait3A_500 : memref<1x112x128xf32, #tpu.memory_space<vmem>> -> memref<112x128xf32, #tpu.memory_space<vmem>>
    tpu.wait_dma2 semaphore(%arg8 : memref<!tpu.dma_semaphore, #tpu.memory_space<semaphore_mem>>) src(%dma_wait3A_501 : memref<112x128xf32, #tpu.memory_space<vmem>>) dst(%dma_wait3A_497 : memref<112x128xf32, #tpu.memory_space<hbm>>)
    %dma_start3A_502 = arith.constant 11 : i32
    %dma_start3A_503 = arith.constant 0 : i32
    %dma_start3A_504 = arith.constant 5 : i32
    %dma_start3A_505 = arith.constant 0 : i32
    %dma_start3A_506 = arith.constant 0 : i32
    %dma_start3A_507 = tpu.memref_slice %arg6[%dma_start3A_504, %dma_start3A_505, %dma_start3A_506] : memref<6x112x128xf32, #tpu.memory_space<vmem>> -> memref<1x112x128xf32, #tpu.memory_space<vmem>>
    %dma_start3A_508 = tpu.memref_squeeze %dma_start3A_507 : memref<1x112x128xf32, #tpu.memory_space<vmem>> -> memref<112x128xf32, #tpu.memory_space<vmem>>
    %dma_start3A_509 = arith.constant 0 : i32
    %dma_start3A_510 = tpu.memref_slice %arg5[%dma_start3A_502, %dma_start3A_503, %dma_start3A_509] : memref<14x1x112xi32, #tpu.memory_space<vmem>> -> memref<1x1x112xi32, #tpu.memory_space<vmem>>
    %dma_start3A_511 = tpu.memref_squeeze %dma_start3A_510 : memref<1x1x112xi32, #tpu.memory_space<vmem>> -> memref<112xi32, #tpu.memory_space<vmem>>
    %dma_start3A_512 = arith.constant 0 : i32
    %dma_start3A_513 = arith.constant 0 : i32
    %dma_start3A_514 = tpu.memref_slice %arg2[%dma_start3A_512, %dma_start3A_513] : memref<512x128xf32, #tpu.memory_space<hbm>> -> memref<512x128xf32, #tpu.memory_space<hbm>>
    tpu.enqueue_indirect_dma source(%dma_start3A_514 : memref<512x128xf32, #tpu.memory_space<hbm>>) target(%dma_start3A_508 : memref<112x128xf32, #tpu.memory_space<vmem>>) offsets(%dma_start3A_511 : memref<112xi32, #tpu.memory_space<vmem>>) semaphore(%arg7 : memref<!tpu.dma_semaphore, #tpu.memory_space<semaphore_mem>>)
    %dma_wait3A_515 = arith.constant 10 : i32
    %dma_wait3A_516 = arith.constant 0 : i32
    %dma_wait3A_517 = arith.constant 4 : i32
    %dma_wait3A_518 = arith.constant 0 : i32
    %dma_wait3A_519 = arith.constant 0 : i32
    %dma_wait3A_520 = tpu.memref_slice %arg6[%dma_wait3A_517, %dma_wait3A_518, %dma_wait3A_519] : memref<6x112x128xf32, #tpu.memory_space<vmem>> -> memref<1x112x128xf32, #tpu.memory_space<vmem>>
    %dma_wait3A_521 = tpu.memref_squeeze %dma_wait3A_520 : memref<1x112x128xf32, #tpu.memory_space<vmem>> -> memref<112x128xf32, #tpu.memory_space<vmem>>
    %dma_wait3A_522 = arith.constant 0 : i32
    %dma_wait3A_523 = tpu.memref_slice %arg5[%dma_wait3A_515, %dma_wait3A_516, %dma_wait3A_522] : memref<14x1x112xi32, #tpu.memory_space<vmem>> -> memref<1x1x112xi32, #tpu.memory_space<vmem>>
    %dma_wait3A_524 = tpu.memref_squeeze %dma_wait3A_523 : memref<1x1x112xi32, #tpu.memory_space<vmem>> -> memref<112xi32, #tpu.memory_space<vmem>>
    %dma_wait3A_525 = arith.constant 0 : i32
    %dma_wait3A_526 = arith.constant 0 : i32
    %dma_wait3A_527 = tpu.memref_slice %arg2[%dma_wait3A_525, %dma_wait3A_526] : memref<512x128xf32, #tpu.memory_space<hbm>> -> memref<512x128xf32, #tpu.memory_space<hbm>>
    tpu.wait_indirect_dma semaphore(%arg7 : memref<!tpu.dma_semaphore, #tpu.memory_space<semaphore_mem>>) src(%dma_wait3A_527 : memref<512x128xf32, #tpu.memory_space<hbm>>) dst(%dma_wait3A_521 : memref<112x128xf32, #tpu.memory_space<vmem>>)
    %add3A_528 = arith.constant 1120 : i32
    %add3A_529 = arith.addi %mul3A_2, %add3A_528 : i32
    %dma_start3A_530 = arith.constant 4 : i32
    %dma_start3A_531 = arith.constant 0 : i32
    %dma_start3A_532 = arith.constant 0 : i32
    %dma_start3A_533 = tpu.memref_slice %arg6[%dma_start3A_530, %dma_start3A_531, %dma_start3A_532] : memref<6x112x128xf32, #tpu.memory_space<vmem>> -> memref<1x112x128xf32, #tpu.memory_space<vmem>>
    %dma_start3A_534 = tpu.memref_squeeze %dma_start3A_533 : memref<1x112x128xf32, #tpu.memory_space<vmem>> -> memref<112x128xf32, #tpu.memory_space<vmem>>
    %dma_start3A_535 = arith.constant 0 : i32
    %dma_start3A_536 = tpu.memref_slice %arg4[%add3A_529, %dma_start3A_535] : memref<50176x128xf32, #tpu.memory_space<hbm>> -> memref<112x128xf32, #tpu.memory_space<hbm>>
    %dma_start3A_537 = arith.constant 0 : i32
    %dma_start3A_538 = tpu.memref_slice %arg4[%add3A_529, %dma_start3A_537] : memref<50176x128xf32, #tpu.memory_space<hbm>> -> memref<112x128xf32, #tpu.memory_space<hbm>>
    %dma_start3A_539 = arith.constant 0 : i32
    %dma_start3A_540 = arith.constant 0 : i32
    %dma_start3A_541 = tpu.memref_slice %arg6[%dma_start3A_530, %dma_start3A_539, %dma_start3A_540] : memref<6x112x128xf32, #tpu.memory_space<vmem>> -> memref<1x112x128xf32, #tpu.memory_space<vmem>>
    %dma_start3A_542 = tpu.memref_squeeze %dma_start3A_541 : memref<1x112x128xf32, #tpu.memory_space<vmem>> -> memref<112x128xf32, #tpu.memory_space<vmem>>
    tpu.enqueue_dma source(%dma_start3A_542 : memref<112x128xf32, #tpu.memory_space<vmem>>) target(%dma_start3A_538 : memref<112x128xf32, #tpu.memory_space<hbm>>) target_semaphore(%arg8 : memref<!tpu.dma_semaphore, #tpu.memory_space<semaphore_mem>>)
    %dma_wait3A_543 = arith.constant 0 : i32
    %dma_wait3A_544 = arith.constant 0 : i32
    %dma_wait3A_545 = arith.constant 0 : i32
    %dma_wait3A_546 = tpu.memref_slice %arg6[%dma_wait3A_543, %dma_wait3A_544, %dma_wait3A_545] : memref<6x112x128xf32, #tpu.memory_space<vmem>> -> memref<1x112x128xf32, #tpu.memory_space<vmem>>
    %dma_wait3A_547 = tpu.memref_squeeze %dma_wait3A_546 : memref<1x112x128xf32, #tpu.memory_space<vmem>> -> memref<112x128xf32, #tpu.memory_space<vmem>>
    %dma_wait3A_548 = arith.constant 0 : i32
    %dma_wait3A_549 = tpu.memref_slice %arg4[%add3A_313, %dma_wait3A_548] : memref<50176x128xf32, #tpu.memory_space<hbm>> -> memref<112x128xf32, #tpu.memory_space<hbm>>
    %dma_wait3A_550 = arith.constant 0 : i32
    %dma_wait3A_551 = tpu.memref_slice %arg4[%add3A_313, %dma_wait3A_550] : memref<50176x128xf32, #tpu.memory_space<hbm>> -> memref<112x128xf32, #tpu.memory_space<hbm>>
    %dma_wait3A_552 = arith.constant 0 : i32
    %dma_wait3A_553 = arith.constant 0 : i32
    %dma_wait3A_554 = tpu.memref_slice %arg6[%dma_wait3A_543, %dma_wait3A_552, %dma_wait3A_553] : memref<6x112x128xf32, #tpu.memory_space<vmem>> -> memref<1x112x128xf32, #tpu.memory_space<vmem>>
    %dma_wait3A_555 = tpu.memref_squeeze %dma_wait3A_554 : memref<1x112x128xf32, #tpu.memory_space<vmem>> -> memref<112x128xf32, #tpu.memory_space<vmem>>
    tpu.wait_dma2 semaphore(%arg8 : memref<!tpu.dma_semaphore, #tpu.memory_space<semaphore_mem>>) src(%dma_wait3A_555 : memref<112x128xf32, #tpu.memory_space<vmem>>) dst(%dma_wait3A_551 : memref<112x128xf32, #tpu.memory_space<hbm>>)
    %dma_start3A_556 = arith.constant 12 : i32
    %dma_start3A_557 = arith.constant 0 : i32
    %dma_start3A_558 = arith.constant 0 : i32
    %dma_start3A_559 = arith.constant 0 : i32
    %dma_start3A_560 = arith.constant 0 : i32
    %dma_start3A_561 = tpu.memref_slice %arg6[%dma_start3A_558, %dma_start3A_559, %dma_start3A_560] : memref<6x112x128xf32, #tpu.memory_space<vmem>> -> memref<1x112x128xf32, #tpu.memory_space<vmem>>
    %dma_start3A_562 = tpu.memref_squeeze %dma_start3A_561 : memref<1x112x128xf32, #tpu.memory_space<vmem>> -> memref<112x128xf32, #tpu.memory_space<vmem>>
    %dma_start3A_563 = arith.constant 0 : i32
    %dma_start3A_564 = tpu.memref_slice %arg5[%dma_start3A_556, %dma_start3A_557, %dma_start3A_563] : memref<14x1x112xi32, #tpu.memory_space<vmem>> -> memref<1x1x112xi32, #tpu.memory_space<vmem>>
    %dma_start3A_565 = tpu.memref_squeeze %dma_start3A_564 : memref<1x1x112xi32, #tpu.memory_space<vmem>> -> memref<112xi32, #tpu.memory_space<vmem>>
    %dma_start3A_566 = arith.constant 0 : i32
    %dma_start3A_567 = arith.constant 0 : i32
    %dma_start3A_568 = tpu.memref_slice %arg2[%dma_start3A_566, %dma_start3A_567] : memref<512x128xf32, #tpu.memory_space<hbm>> -> memref<512x128xf32, #tpu.memory_space<hbm>>
    tpu.enqueue_indirect_dma source(%dma_start3A_568 : memref<512x128xf32, #tpu.memory_space<hbm>>) target(%dma_start3A_562 : memref<112x128xf32, #tpu.memory_space<vmem>>) offsets(%dma_start3A_565 : memref<112xi32, #tpu.memory_space<vmem>>) semaphore(%arg7 : memref<!tpu.dma_semaphore, #tpu.memory_space<semaphore_mem>>)
    %dma_wait3A_569 = arith.constant 11 : i32
    %dma_wait3A_570 = arith.constant 0 : i32
    %dma_wait3A_571 = arith.constant 5 : i32
    %dma_wait3A_572 = arith.constant 0 : i32
    %dma_wait3A_573 = arith.constant 0 : i32
    %dma_wait3A_574 = tpu.memref_slice %arg6[%dma_wait3A_571, %dma_wait3A_572, %dma_wait3A_573] : memref<6x112x128xf32, #tpu.memory_space<vmem>> -> memref<1x112x128xf32, #tpu.memory_space<vmem>>
    %dma_wait3A_575 = tpu.memref_squeeze %dma_wait3A_574 : memref<1x112x128xf32, #tpu.memory_space<vmem>> -> memref<112x128xf32, #tpu.memory_space<vmem>>
    %dma_wait3A_576 = arith.constant 0 : i32
    %dma_wait3A_577 = tpu.memref_slice %arg5[%dma_wait3A_569, %dma_wait3A_570, %dma_wait3A_576] : memref<14x1x112xi32, #tpu.memory_space<vmem>> -> memref<1x1x112xi32, #tpu.memory_space<vmem>>
    %dma_wait3A_578 = tpu.memref_squeeze %dma_wait3A_577 : memref<1x1x112xi32, #tpu.memory_space<vmem>> -> memref<112xi32, #tpu.memory_space<vmem>>
    %dma_wait3A_579 = arith.constant 0 : i32
    %dma_wait3A_580 = arith.constant 0 : i32
    %dma_wait3A_581 = tpu.memref_slice %arg2[%dma_wait3A_579, %dma_wait3A_580] : memref<512x128xf32, #tpu.memory_space<hbm>> -> memref<512x128xf32, #tpu.memory_space<hbm>>
    tpu.wait_indirect_dma semaphore(%arg7 : memref<!tpu.dma_semaphore, #tpu.memory_space<semaphore_mem>>) src(%dma_wait3A_581 : memref<512x128xf32, #tpu.memory_space<hbm>>) dst(%dma_wait3A_575 : memref<112x128xf32, #tpu.memory_space<vmem>>)
    %add3A_582 = arith.constant 1232 : i32
    %add3A_583 = arith.addi %mul3A_2, %add3A_582 : i32
    %dma_start3A_584 = arith.constant 5 : i32
    %dma_start3A_585 = arith.constant 0 : i32
    %dma_start3A_586 = arith.constant 0 : i32
    %dma_start3A_587 = tpu.memref_slice %arg6[%dma_start3A_584, %dma_start3A_585, %dma_start3A_586] : memref<6x112x128xf32, #tpu.memory_space<vmem>> -> memref<1x112x128xf32, #tpu.memory_space<vmem>>
    %dma_start3A_588 = tpu.memref_squeeze %dma_start3A_587 : memref<1x112x128xf32, #tpu.memory_space<vmem>> -> memref<112x128xf32, #tpu.memory_space<vmem>>
    %dma_start3A_589 = arith.constant 0 : i32
    %dma_start3A_590 = tpu.memref_slice %arg4[%add3A_583, %dma_start3A_589] : memref<50176x128xf32, #tpu.memory_space<hbm>> -> memref<112x128xf32, #tpu.memory_space<hbm>>
    %dma_start3A_591 = arith.constant 0 : i32
    %dma_start3A_592 = tpu.memref_slice %arg4[%add3A_583, %dma_start3A_591] : memref<50176x128xf32, #tpu.memory_space<hbm>> -> memref<112x128xf32, #tpu.memory_space<hbm>>
    %dma_start3A_593 = arith.constant 0 : i32
    %dma_start3A_594 = arith.constant 0 : i32
    %dma_start3A_595 = tpu.memref_slice %arg6[%dma_start3A_584, %dma_start3A_593, %dma_start3A_594] : memref<6x112x128xf32, #tpu.memory_space<vmem>> -> memref<1x112x128xf32, #tpu.memory_space<vmem>>
    %dma_start3A_596 = tpu.memref_squeeze %dma_start3A_595 : memref<1x112x128xf32, #tpu.memory_space<vmem>> -> memref<112x128xf32, #tpu.memory_space<vmem>>
    tpu.enqueue_dma source(%dma_start3A_596 : memref<112x128xf32, #tpu.memory_space<vmem>>) target(%dma_start3A_592 : memref<112x128xf32, #tpu.memory_space<hbm>>) target_semaphore(%arg8 : memref<!tpu.dma_semaphore, #tpu.memory_space<semaphore_mem>>)
    %dma_wait3A_597 = arith.constant 1 : i32
    %dma_wait3A_598 = arith.constant 0 : i32
    %dma_wait3A_599 = arith.constant 0 : i32
    %dma_wait3A_600 = tpu.memref_slice %arg6[%dma_wait3A_597, %dma_wait3A_598, %dma_wait3A_599] : memref<6x112x128xf32, #tpu.memory_space<vmem>> -> memref<1x112x128xf32, #tpu.memory_space<vmem>>
    %dma_wait3A_601 = tpu.memref_squeeze %dma_wait3A_600 : memref<1x112x128xf32, #tpu.memory_space<vmem>> -> memref<112x128xf32, #tpu.memory_space<vmem>>
    %dma_wait3A_602 = arith.constant 0 : i32
    %dma_wait3A_603 = tpu.memref_slice %arg4[%add3A_367, %dma_wait3A_602] : memref<50176x128xf32, #tpu.memory_space<hbm>> -> memref<112x128xf32, #tpu.memory_space<hbm>>
    %dma_wait3A_604 = arith.constant 0 : i32
    %dma_wait3A_605 = tpu.memref_slice %arg4[%add3A_367, %dma_wait3A_604] : memref<50176x128xf32, #tpu.memory_space<hbm>> -> memref<112x128xf32, #tpu.memory_space<hbm>>
    %dma_wait3A_606 = arith.constant 0 : i32
    %dma_wait3A_607 = arith.constant 0 : i32
    %dma_wait3A_608 = tpu.memref_slice %arg6[%dma_wait3A_597, %dma_wait3A_606, %dma_wait3A_607] : memref<6x112x128xf32, #tpu.memory_space<vmem>> -> memref<1x112x128xf32, #tpu.memory_space<vmem>>
    %dma_wait3A_609 = tpu.memref_squeeze %dma_wait3A_608 : memref<1x112x128xf32, #tpu.memory_space<vmem>> -> memref<112x128xf32, #tpu.memory_space<vmem>>
    tpu.wait_dma2 semaphore(%arg8 : memref<!tpu.dma_semaphore, #tpu.memory_space<semaphore_mem>>) src(%dma_wait3A_609 : memref<112x128xf32, #tpu.memory_space<vmem>>) dst(%dma_wait3A_605 : memref<112x128xf32, #tpu.memory_space<hbm>>)
    %dma_start3A_610 = arith.constant 13 : i32
    %dma_start3A_611 = arith.constant 0 : i32
    %dma_start3A_612 = arith.constant 1 : i32
    %dma_start3A_613 = arith.constant 0 : i32
    %dma_start3A_614 = arith.constant 0 : i32
    %dma_start3A_615 = tpu.memref_slice %arg6[%dma_start3A_612, %dma_start3A_613, %dma_start3A_614] : memref<6x112x128xf32, #tpu.memory_space<vmem>> -> memref<1x112x128xf32, #tpu.memory_space<vmem>>
    %dma_start3A_616 = tpu.memref_squeeze %dma_start3A_615 : memref<1x112x128xf32, #tpu.memory_space<vmem>> -> memref<112x128xf32, #tpu.memory_space<vmem>>
    %dma_start3A_617 = arith.constant 0 : i32
    %dma_start3A_618 = tpu.memref_slice %arg5[%dma_start3A_610, %dma_start3A_611, %dma_start3A_617] : memref<14x1x112xi32, #tpu.memory_space<vmem>> -> memref<1x1x112xi32, #tpu.memory_space<vmem>>
    %dma_start3A_619 = tpu.memref_squeeze %dma_start3A_618 : memref<1x1x112xi32, #tpu.memory_space<vmem>> -> memref<112xi32, #tpu.memory_space<vmem>>
    %dma_start3A_620 = arith.constant 0 : i32
    %dma_start3A_621 = arith.constant 0 : i32
    %dma_start3A_622 = tpu.memref_slice %arg2[%dma_start3A_620, %dma_start3A_621] : memref<512x128xf32, #tpu.memory_space<hbm>> -> memref<512x128xf32, #tpu.memory_space<hbm>>
    tpu.enqueue_indirect_dma source(%dma_start3A_622 : memref<512x128xf32, #tpu.memory_space<hbm>>) target(%dma_start3A_616 : memref<112x128xf32, #tpu.memory_space<vmem>>) offsets(%dma_start3A_619 : memref<112xi32, #tpu.memory_space<vmem>>) semaphore(%arg7 : memref<!tpu.dma_semaphore, #tpu.memory_space<semaphore_mem>>)
    %dma_wait3A_623 = arith.constant 12 : i32
    %dma_wait3A_624 = arith.constant 0 : i32
    %dma_wait3A_625 = arith.constant 0 : i32
    %dma_wait3A_626 = arith.constant 0 : i32
    %dma_wait3A_627 = arith.constant 0 : i32
    %dma_wait3A_628 = tpu.memref_slice %arg6[%dma_wait3A_625, %dma_wait3A_626, %dma_wait3A_627] : memref<6x112x128xf32, #tpu.memory_space<vmem>> -> memref<1x112x128xf32, #tpu.memory_space<vmem>>
    %dma_wait3A_629 = tpu.memref_squeeze %dma_wait3A_628 : memref<1x112x128xf32, #tpu.memory_space<vmem>> -> memref<112x128xf32, #tpu.memory_space<vmem>>
    %dma_wait3A_630 = arith.constant 0 : i32
    %dma_wait3A_631 = tpu.memref_slice %arg5[%dma_wait3A_623, %dma_wait3A_624, %dma_wait3A_630] : memref<14x1x112xi32, #tpu.memory_space<vmem>> -> memref<1x1x112xi32, #tpu.memory_space<vmem>>
    %dma_wait3A_632 = tpu.memref_squeeze %dma_wait3A_631 : memref<1x1x112xi32, #tpu.memory_space<vmem>> -> memref<112xi32, #tpu.memory_space<vmem>>
    %dma_wait3A_633 = arith.constant 0 : i32
    %dma_wait3A_634 = arith.constant 0 : i32
    %dma_wait3A_635 = tpu.memref_slice %arg2[%dma_wait3A_633, %dma_wait3A_634] : memref<512x128xf32, #tpu.memory_space<hbm>> -> memref<512x128xf32, #tpu.memory_space<hbm>>
    tpu.wait_indirect_dma semaphore(%arg7 : memref<!tpu.dma_semaphore, #tpu.memory_space<semaphore_mem>>) src(%dma_wait3A_635 : memref<512x128xf32, #tpu.memory_space<hbm>>) dst(%dma_wait3A_629 : memref<112x128xf32, #tpu.memory_space<vmem>>)
    %add3A_636 = arith.constant 1344 : i32
    %add3A_637 = arith.addi %mul3A_2, %add3A_636 : i32
    %dma_start3A_638 = arith.constant 0 : i32
    %dma_start3A_639 = arith.constant 0 : i32
    %dma_start3A_640 = arith.constant 0 : i32
    %dma_start3A_641 = tpu.memref_slice %arg6[%dma_start3A_638, %dma_start3A_639, %dma_start3A_640] : memref<6x112x128xf32, #tpu.memory_space<vmem>> -> memref<1x112x128xf32, #tpu.memory_space<vmem>>
    %dma_start3A_642 = tpu.memref_squeeze %dma_start3A_641 : memref<1x112x128xf32, #tpu.memory_space<vmem>> -> memref<112x128xf32, #tpu.memory_space<vmem>>
    %dma_start3A_643 = arith.constant 0 : i32
    %dma_start3A_644 = tpu.memref_slice %arg4[%add3A_637, %dma_start3A_643] : memref<50176x128xf32, #tpu.memory_space<hbm>> -> memref<112x128xf32, #tpu.memory_space<hbm>>
    %dma_start3A_645 = arith.constant 0 : i32
    %dma_start3A_646 = tpu.memref_slice %arg4[%add3A_637, %dma_start3A_645] : memref<50176x128xf32, #tpu.memory_space<hbm>> -> memref<112x128xf32, #tpu.memory_space<hbm>>
    %dma_start3A_647 = arith.constant 0 : i32
    %dma_start3A_648 = arith.constant 0 : i32
    %dma_start3A_649 = tpu.memref_slice %arg6[%dma_start3A_638, %dma_start3A_647, %dma_start3A_648] : memref<6x112x128xf32, #tpu.memory_space<vmem>> -> memref<1x112x128xf32, #tpu.memory_space<vmem>>
    %dma_start3A_650 = tpu.memref_squeeze %dma_start3A_649 : memref<1x112x128xf32, #tpu.memory_space<vmem>> -> memref<112x128xf32, #tpu.memory_space<vmem>>
    tpu.enqueue_dma source(%dma_start3A_650 : memref<112x128xf32, #tpu.memory_space<vmem>>) target(%dma_start3A_646 : memref<112x128xf32, #tpu.memory_space<hbm>>) target_semaphore(%arg8 : memref<!tpu.dma_semaphore, #tpu.memory_space<semaphore_mem>>)
    %dma_wait3A_651 = arith.constant 13 : i32
    %dma_wait3A_652 = arith.constant 0 : i32
    %dma_wait3A_653 = arith.constant 1 : i32
    %dma_wait3A_654 = arith.constant 0 : i32
    %dma_wait3A_655 = arith.constant 0 : i32
    %dma_wait3A_656 = tpu.memref_slice %arg6[%dma_wait3A_653, %dma_wait3A_654, %dma_wait3A_655] : memref<6x112x128xf32, #tpu.memory_space<vmem>> -> memref<1x112x128xf32, #tpu.memory_space<vmem>>
    %dma_wait3A_657 = tpu.memref_squeeze %dma_wait3A_656 : memref<1x112x128xf32, #tpu.memory_space<vmem>> -> memref<112x128xf32, #tpu.memory_space<vmem>>
    %dma_wait3A_658 = arith.constant 0 : i32
    %dma_wait3A_659 = tpu.memref_slice %arg5[%dma_wait3A_651, %dma_wait3A_652, %dma_wait3A_658] : memref<14x1x112xi32, #tpu.memory_space<vmem>> -> memref<1x1x112xi32, #tpu.memory_space<vmem>>
    %dma_wait3A_660 = tpu.memref_squeeze %dma_wait3A_659 : memref<1x1x112xi32, #tpu.memory_space<vmem>> -> memref<112xi32, #tpu.memory_space<vmem>>
    %dma_wait3A_661 = arith.constant 0 : i32
    %dma_wait3A_662 = arith.constant 0 : i32
    %dma_wait3A_663 = tpu.memref_slice %arg2[%dma_wait3A_661, %dma_wait3A_662] : memref<512x128xf32, #tpu.memory_space<hbm>> -> memref<512x128xf32, #tpu.memory_space<hbm>>
    tpu.wait_indirect_dma semaphore(%arg7 : memref<!tpu.dma_semaphore, #tpu.memory_space<semaphore_mem>>) src(%dma_wait3A_663 : memref<512x128xf32, #tpu.memory_space<hbm>>) dst(%dma_wait3A_657 : memref<112x128xf32, #tpu.memory_space<vmem>>)
    %add3A_664 = arith.constant 1456 : i32
    %add3A_665 = arith.addi %mul3A_2, %add3A_664 : i32
    %dma_start3A_666 = arith.constant 1 : i32
    %dma_start3A_667 = arith.constant 0 : i32
    %dma_start3A_668 = arith.constant 0 : i32
    %dma_start3A_669 = tpu.memref_slice %arg6[%dma_start3A_666, %dma_start3A_667, %dma_start3A_668] : memref<6x112x128xf32, #tpu.memory_space<vmem>> -> memref<1x112x128xf32, #tpu.memory_space<vmem>>
    %dma_start3A_670 = tpu.memref_squeeze %dma_start3A_669 : memref<1x112x128xf32, #tpu.memory_space<vmem>> -> memref<112x128xf32, #tpu.memory_space<vmem>>
    %dma_start3A_671 = arith.constant 0 : i32
    %dma_start3A_672 = tpu.memref_slice %arg4[%add3A_665, %dma_start3A_671] : memref<50176x128xf32, #tpu.memory_space<hbm>> -> memref<112x128xf32, #tpu.memory_space<hbm>>
    %dma_start3A_673 = arith.constant 0 : i32
    %dma_start3A_674 = tpu.memref_slice %arg4[%add3A_665, %dma_start3A_673] : memref<50176x128xf32, #tpu.memory_space<hbm>> -> memref<112x128xf32, #tpu.memory_space<hbm>>
    %dma_start3A_675 = arith.constant 0 : i32
    %dma_start3A_676 = arith.constant 0 : i32
    %dma_start3A_677 = tpu.memref_slice %arg6[%dma_start3A_666, %dma_start3A_675, %dma_start3A_676] : memref<6x112x128xf32, #tpu.memory_space<vmem>> -> memref<1x112x128xf32, #tpu.memory_space<vmem>>
    %dma_start3A_678 = tpu.memref_squeeze %dma_start3A_677 : memref<1x112x128xf32, #tpu.memory_space<vmem>> -> memref<112x128xf32, #tpu.memory_space<vmem>>
    tpu.enqueue_dma source(%dma_start3A_678 : memref<112x128xf32, #tpu.memory_space<vmem>>) target(%dma_start3A_674 : memref<112x128xf32, #tpu.memory_space<hbm>>) target_semaphore(%arg8 : memref<!tpu.dma_semaphore, #tpu.memory_space<semaphore_mem>>)
    %dma_wait3A_679 = arith.constant 2 : i32
    %dma_wait3A_680 = arith.constant 0 : i32
    %dma_wait3A_681 = arith.constant 0 : i32
    %dma_wait3A_682 = tpu.memref_slice %arg6[%dma_wait3A_679, %dma_wait3A_680, %dma_wait3A_681] : memref<6x112x128xf32, #tpu.memory_space<vmem>> -> memref<1x112x128xf32, #tpu.memory_space<vmem>>
    %dma_wait3A_683 = tpu.memref_squeeze %dma_wait3A_682 : memref<1x112x128xf32, #tpu.memory_space<vmem>> -> memref<112x128xf32, #tpu.memory_space<vmem>>
    %dma_wait3A_684 = arith.constant 0 : i32
    %dma_wait3A_685 = tpu.memref_slice %arg4[%add3A_421, %dma_wait3A_684] : memref<50176x128xf32, #tpu.memory_space<hbm>> -> memref<112x128xf32, #tpu.memory_space<hbm>>
    %dma_wait3A_686 = arith.constant 0 : i32
    %dma_wait3A_687 = tpu.memref_slice %arg4[%add3A_421, %dma_wait3A_686] : memref<50176x128xf32, #tpu.memory_space<hbm>> -> memref<112x128xf32, #tpu.memory_space<hbm>>
    %dma_wait3A_688 = arith.constant 0 : i32
    %dma_wait3A_689 = arith.constant 0 : i32
    %dma_wait3A_690 = tpu.memref_slice %arg6[%dma_wait3A_679, %dma_wait3A_688, %dma_wait3A_689] : memref<6x112x128xf32, #tpu.memory_space<vmem>> -> memref<1x112x128xf32, #tpu.memory_space<vmem>>
    %dma_wait3A_691 = tpu.memref_squeeze %dma_wait3A_690 : memref<1x112x128xf32, #tpu.memory_space<vmem>> -> memref<112x128xf32, #tpu.memory_space<vmem>>
    tpu.wait_dma2 semaphore(%arg8 : memref<!tpu.dma_semaphore, #tpu.memory_space<semaphore_mem>>) src(%dma_wait3A_691 : memref<112x128xf32, #tpu.memory_space<vmem>>) dst(%dma_wait3A_687 : memref<112x128xf32, #tpu.memory_space<hbm>>)
    %dma_wait3A_692 = arith.constant 3 : i32
    %dma_wait3A_693 = arith.constant 0 : i32
    %dma_wait3A_694 = arith.constant 0 : i32
    %dma_wait3A_695 = tpu.memref_slice %arg6[%dma_wait3A_692, %dma_wait3A_693, %dma_wait3A_694] : memref<6x112x128xf32, #tpu.memory_space<vmem>> -> memref<1x112x128xf32, #tpu.memory_space<vmem>>
    %dma_wait3A_696 = tpu.memref_squeeze %dma_wait3A_695 : memref<1x112x128xf32, #tpu.memory_space<vmem>> -> memref<112x128xf32, #tpu.memory_space<vmem>>
    %dma_wait3A_697 = arith.constant 0 : i32
    %dma_wait3A_698 = tpu.memref_slice %arg4[%add3A_475, %dma_wait3A_697] : memref<50176x128xf32, #tpu.memory_space<hbm>> -> memref<112x128xf32, #tpu.memory_space<hbm>>
    %dma_wait3A_699 = arith.constant 0 : i32
    %dma_wait3A_700 = tpu.memref_slice %arg4[%add3A_475, %dma_wait3A_699] : memref<50176x128xf32, #tpu.memory_space<hbm>> -> memref<112x128xf32, #tpu.memory_space<hbm>>
    %dma_wait3A_701 = arith.constant 0 : i32
    %dma_wait3A_702 = arith.constant 0 : i32
    %dma_wait3A_703 = tpu.memref_slice %arg6[%dma_wait3A_692, %dma_wait3A_701, %dma_wait3A_702] : memref<6x112x128xf32, #tpu.memory_space<vmem>> -> memref<1x112x128xf32, #tpu.memory_space<vmem>>
    %dma_wait3A_704 = tpu.memref_squeeze %dma_wait3A_703 : memref<1x112x128xf32, #tpu.memory_space<vmem>> -> memref<112x128xf32, #tpu.memory_space<vmem>>
    tpu.wait_dma2 semaphore(%arg8 : memref<!tpu.dma_semaphore, #tpu.memory_space<semaphore_mem>>) src(%dma_wait3A_704 : memref<112x128xf32, #tpu.memory_space<vmem>>) dst(%dma_wait3A_700 : memref<112x128xf32, #tpu.memory_space<hbm>>)
    %dma_wait3A_705 = arith.constant 4 : i32
    %dma_wait3A_706 = arith.constant 0 : i32
    %dma_wait3A_707 = arith.constant 0 : i32
    %dma_wait3A_708 = tpu.memref_slice %arg6[%dma_wait3A_705, %dma_wait3A_706, %dma_wait3A_707] : memref<6x112x128xf32, #tpu.memory_space<vmem>> -> memref<1x112x128xf32, #tpu.memory_space<vmem>>
    %dma_wait3A_709 = tpu.memref_squeeze %dma_wait3A_708 : memref<1x112x128xf32, #tpu.memory_space<vmem>> -> memref<112x128xf32, #tpu.memory_space<vmem>>
    %dma_wait3A_710 = arith.constant 0 : i32
    %dma_wait3A_711 = tpu.memref_slice %arg4[%add3A_529, %dma_wait3A_710] : memref<50176x128xf32, #tpu.memory_space<hbm>> -> memref<112x128xf32, #tpu.memory_space<hbm>>
    %dma_wait3A_712 = arith.constant 0 : i32
    %dma_wait3A_713 = tpu.memref_slice %arg4[%add3A_529, %dma_wait3A_712] : memref<50176x128xf32, #tpu.memory_space<hbm>> -> memref<112x128xf32, #tpu.memory_space<hbm>>
    %dma_wait3A_714 = arith.constant 0 : i32
    %dma_wait3A_715 = arith.constant 0 : i32
    %dma_wait3A_716 = tpu.memref_slice %arg6[%dma_wait3A_705, %dma_wait3A_714, %dma_wait3A_715] : memref<6x112x128xf32, #tpu.memory_space<vmem>> -> memref<1x112x128xf32, #tpu.memory_space<vmem>>
    %dma_wait3A_717 = tpu.memref_squeeze %dma_wait3A_716 : memref<1x112x128xf32, #tpu.memory_space<vmem>> -> memref<112x128xf32, #tpu.memory_space<vmem>>
    tpu.wait_dma2 semaphore(%arg8 : memref<!tpu.dma_semaphore, #tpu.memory_space<semaphore_mem>>) src(%dma_wait3A_717 : memref<112x128xf32, #tpu.memory_space<vmem>>) dst(%dma_wait3A_713 : memref<112x128xf32, #tpu.memory_space<hbm>>)
    %dma_wait3A_718 = arith.constant 5 : i32
    %dma_wait3A_719 = arith.constant 0 : i32
    %dma_wait3A_720 = arith.constant 0 : i32
    %dma_wait3A_721 = tpu.memref_slice %arg6[%dma_wait3A_718, %dma_wait3A_719, %dma_wait3A_720] : memref<6x112x128xf32, #tpu.memory_space<vmem>> -> memref<1x112x128xf32, #tpu.memory_space<vmem>>
    %dma_wait3A_722 = tpu.memref_squeeze %dma_wait3A_721 : memref<1x112x128xf32, #tpu.memory_space<vmem>> -> memref<112x128xf32, #tpu.memory_space<vmem>>
    %dma_wait3A_723 = arith.constant 0 : i32
    %dma_wait3A_724 = tpu.memref_slice %arg4[%add3A_583, %dma_wait3A_723] : memref<50176x128xf32, #tpu.memory_space<hbm>> -> memref<112x128xf32, #tpu.memory_space<hbm>>
    %dma_wait3A_725 = arith.constant 0 : i32
    %dma_wait3A_726 = tpu.memref_slice %arg4[%add3A_583, %dma_wait3A_725] : memref<50176x128xf32, #tpu.memory_space<hbm>> -> memref<112x128xf32, #tpu.memory_space<hbm>>
    %dma_wait3A_727 = arith.constant 0 : i32
    %dma_wait3A_728 = arith.constant 0 : i32
    %dma_wait3A_729 = tpu.memref_slice %arg6[%dma_wait3A_718, %dma_wait3A_727, %dma_wait3A_728] : memref<6x112x128xf32, #tpu.memory_space<vmem>> -> memref<1x112x128xf32, #tpu.memory_space<vmem>>
    %dma_wait3A_730 = tpu.memref_squeeze %dma_wait3A_729 : memref<1x112x128xf32, #tpu.memory_space<vmem>> -> memref<112x128xf32, #tpu.memory_space<vmem>>
    tpu.wait_dma2 semaphore(%arg8 : memref<!tpu.dma_semaphore, #tpu.memory_space<semaphore_mem>>) src(%dma_wait3A_730 : memref<112x128xf32, #tpu.memory_space<vmem>>) dst(%dma_wait3A_726 : memref<112x128xf32, #tpu.memory_space<hbm>>)
    %dma_wait3A_731 = arith.constant 0 : i32
    %dma_wait3A_732 = arith.constant 0 : i32
    %dma_wait3A_733 = arith.constant 0 : i32
    %dma_wait3A_734 = tpu.memref_slice %arg6[%dma_wait3A_731, %dma_wait3A_732, %dma_wait3A_733] : memref<6x112x128xf32, #tpu.memory_space<vmem>> -> memref<1x112x128xf32, #tpu.memory_space<vmem>>
    %dma_wait3A_735 = tpu.memref_squeeze %dma_wait3A_734 : memref<1x112x128xf32, #tpu.memory_space<vmem>> -> memref<112x128xf32, #tpu.memory_space<vmem>>
    %dma_wait3A_736 = arith.constant 0 : i32
    %dma_wait3A_737 = tpu.memref_slice %arg4[%add3A_637, %dma_wait3A_736] : memref<50176x128xf32, #tpu.memory_space<hbm>> -> memref<112x128xf32, #tpu.memory_space<hbm>>
    %dma_wait3A_738 = arith.constant 0 : i32
    %dma_wait3A_739 = tpu.memref_slice %arg4[%add3A_637, %dma_wait3A_738] : memref<50176x128xf32, #tpu.memory_space<hbm>> -> memref<112x128xf32, #tpu.memory_space<hbm>>
    %dma_wait3A_740 = arith.constant 0 : i32
    %dma_wait3A_741 = arith.constant 0 : i32
    %dma_wait3A_742 = tpu.memref_slice %arg6[%dma_wait3A_731, %dma_wait3A_740, %dma_wait3A_741] : memref<6x112x128xf32, #tpu.memory_space<vmem>> -> memref<1x112x128xf32, #tpu.memory_space<vmem>>
    %dma_wait3A_743 = tpu.memref_squeeze %dma_wait3A_742 : memref<1x112x128xf32, #tpu.memory_space<vmem>> -> memref<112x128xf32, #tpu.memory_space<vmem>>
    tpu.wait_dma2 semaphore(%arg8 : memref<!tpu.dma_semaphore, #tpu.memory_space<semaphore_mem>>) src(%dma_wait3A_743 : memref<112x128xf32, #tpu.memory_space<vmem>>) dst(%dma_wait3A_739 : memref<112x128xf32, #tpu.memory_space<hbm>>)
    %dma_wait3A_744 = arith.constant 1 : i32
    %dma_wait3A_745 = arith.constant 0 : i32
    %dma_wait3A_746 = arith.constant 0 : i32
    %dma_wait3A_747 = tpu.memref_slice %arg6[%dma_wait3A_744, %dma_wait3A_745, %dma_wait3A_746] : memref<6x112x128xf32, #tpu.memory_space<vmem>> -> memref<1x112x128xf32, #tpu.memory_space<vmem>>
    %dma_wait3A_748 = tpu.memref_squeeze %dma_wait3A_747 : memref<1x112x128xf32, #tpu.memory_space<vmem>> -> memref<112x128xf32, #tpu.memory_space<vmem>>
    %dma_wait3A_749 = arith.constant 0 : i32
    %dma_wait3A_750 = tpu.memref_slice %arg4[%add3A_665, %dma_wait3A_749] : memref<50176x128xf32, #tpu.memory_space<hbm>> -> memref<112x128xf32, #tpu.memory_space<hbm>>
    %dma_wait3A_751 = arith.constant 0 : i32
    %dma_wait3A_752 = tpu.memref_slice %arg4[%add3A_665, %dma_wait3A_751] : memref<50176x128xf32, #tpu.memory_space<hbm>> -> memref<112x128xf32, #tpu.memory_space<hbm>>
    %dma_wait3A_753 = arith.constant 0 : i32
    %dma_wait3A_754 = arith.constant 0 : i32
    %dma_wait3A_755 = tpu.memref_slice %arg6[%dma_wait3A_744, %dma_wait3A_753, %dma_wait3A_754] : memref<6x112x128xf32, #tpu.memory_space<vmem>> -> memref<1x112x128xf32, #tpu.memory_space<vmem>>
    %dma_wait3A_756 = tpu.memref_squeeze %dma_wait3A_755 : memref<1x112x128xf32, #tpu.memory_space<vmem>> -> memref<112x128xf32, #tpu.memory_space<vmem>>
    tpu.wait_dma2 semaphore(%arg8 : memref<!tpu.dma_semaphore, #tpu.memory_space<semaphore_mem>>) src(%dma_wait3A_756 : memref<112x128xf32, #tpu.memory_space<vmem>>) dst(%dma_wait3A_752 : memref<112x128xf32, #tpu.memory_space<hbm>>)
    return
  }
}

module attributes {stable_mosaic.version = 14 : i64} {
  func.func @_enc_vq_body(%arg0: i32, %arg1: memref<1x112x112x12xf32, #tpu.memory_space<vmem>>, %arg2: memref<108x64xf32, #tpu.memory_space<vmem>>, %arg3: memref<1x64xf32, #tpu.memory_space<vmem>>, %arg4: memref<64x64xf32, #tpu.memory_space<vmem>>, %arg5: memref<1x64xf32, #tpu.memory_space<vmem>>, %arg6: memref<64x512xf32, #tpu.memory_space<vmem>>, %arg7: memref<1x112x112xi32, #tpu.memory_space<vmem>>) attributes {dimension_semantics = [#tpu.dimension_semantics<arbitrary>], iteration_bounds = array<i64: 4>, scalar_prefetch = 0 : i64, scratch_operands = 0 : i64, tpu.core_type = #tpu.core_type<tc>, window_params = [{transform_indices = @transform_0, window_bounds = array<i64: 1, 112, 112, 12>}, {pipeline_mode = #tpu.pipeline_mode<synchronous>, transform_indices = @transform_1, window_bounds = array<i64: 108, 64>}, {pipeline_mode = #tpu.pipeline_mode<synchronous>, transform_indices = @transform_2, window_bounds = array<i64: 1, 64>}, {pipeline_mode = #tpu.pipeline_mode<synchronous>, transform_indices = @transform_3, window_bounds = array<i64: 64, 64>}, {pipeline_mode = #tpu.pipeline_mode<synchronous>, transform_indices = @transform_4, window_bounds = array<i64: 1, 64>}, {pipeline_mode = #tpu.pipeline_mode<synchronous>, transform_indices = @transform_5, window_bounds = array<i64: 64, 512>}, {transform_indices = @transform_6, window_bounds = array<i64: 1, 112, 112>}]} {
    %get3A = arith.constant 0 : index
    %get3A_0 = arith.constant 0 : index
    %get3A_1 = arith.constant 0 : index
    %get3A_2 = arith.constant 0 : index
    %get3A_3 = vector.load %arg1[%get3A, %get3A_0, %get3A_1, %get3A_2] : memref<1x112x112x12xf32, #tpu.memory_space<vmem>>, vector<1x112x112x12xf32>
    %get3A_4 = vector.shape_cast %get3A_3 : vector<1x112x112x12xf32> to vector<112x112x12xf32>
    %jit3A = arith.constant 0 : i32
    %convert_element_type3A = arith.sitofp %jit3A : i32 to f32
    %pad3A = vector.broadcast %convert_element_type3A : f32 to vector<1x112x12xf32>
    %pad3A_5 = tpu.concatenate %pad3A, %get3A_4 in 0 : vector<1x112x12xf32>, vector<112x112x12xf32> -> vector<113x112x12xf32>
    %pad3A_6 = vector.broadcast %convert_element_type3A : f32 to vector<1x112x12xf32>
    %pad3A_7 = tpu.concatenate %pad3A_5, %pad3A_6 in 0 : vector<113x112x12xf32>, vector<1x112x12xf32> -> vector<114x112x12xf32>
    %pad3A_8 = vector.broadcast %convert_element_type3A : f32 to vector<114x1x12xf32>
    %pad3A_9 = tpu.concatenate %pad3A_8, %pad3A_7 in 1 : vector<114x1x12xf32>, vector<114x112x12xf32> -> vector<114x113x12xf32>
    %pad3A_10 = vector.broadcast %convert_element_type3A : f32 to vector<114x1x12xf32>
    %pad3A_11 = tpu.concatenate %pad3A_9, %pad3A_10 in 1 : vector<114x113x12xf32>, vector<114x1x12xf32> -> vector<114x114x12xf32>
    %get3A_12 = arith.constant 0 : index
    %get3A_13 = arith.constant 0 : index
    %get3A_14 = vector.load %arg6[%get3A_12, %get3A_13] : memref<64x512xf32, #tpu.memory_space<vmem>>, vector<64x512xf32>
    %mul3A = arith.mulf %get3A_14, %get3A_14 : vector<64x512xf32>
    %reduce_sum3A = arith.constant dense<0.000000e+00> : vector<512xf32>
    %reduce_sum3A_15 = vector.multi_reduction <add>, %mul3A, %reduce_sum3A [0] : vector<64x512xf32> to vector<512xf32>
    %broadcast_in_dim3A = vector.shape_cast %reduce_sum3A_15 : vector<512xf32> to vector<1x512xf32>
    %slice3A = vector.extract_strided_slice %pad3A_11 {offsets = [0, 0, 0], sizes = [14, 112, 12], strides = [1, 1, 1]} : vector<114x114x12xf32> to vector<14x112x12xf32>
    %reshape3A = vector.shape_cast %slice3A : vector<14x112x12xf32> to vector<1568x12xf32>
    %slice3A_16 = vector.extract_strided_slice %pad3A_11 {offsets = [0, 1, 0], sizes = [14, 112, 12], strides = [1, 1, 1]} : vector<114x114x12xf32> to vector<14x112x12xf32>
    %reshape3A_17 = vector.shape_cast %slice3A_16 : vector<14x112x12xf32> to vector<1568x12xf32>
    %slice3A_18 = vector.extract_strided_slice %pad3A_11 {offsets = [0, 2, 0], sizes = [14, 112, 12], strides = [1, 1, 1]} : vector<114x114x12xf32> to vector<14x112x12xf32>
    %reshape3A_19 = vector.shape_cast %slice3A_18 : vector<14x112x12xf32> to vector<1568x12xf32>
    %slice3A_20 = vector.extract_strided_slice %pad3A_11 {offsets = [1, 0, 0], sizes = [14, 112, 12], strides = [1, 1, 1]} : vector<114x114x12xf32> to vector<14x112x12xf32>
    %reshape3A_21 = vector.shape_cast %slice3A_20 : vector<14x112x12xf32> to vector<1568x12xf32>
    %slice3A_22 = vector.extract_strided_slice %pad3A_11 {offsets = [1, 1, 0], sizes = [14, 112, 12], strides = [1, 1, 1]} : vector<114x114x12xf32> to vector<14x112x12xf32>
    %reshape3A_23 = vector.shape_cast %slice3A_22 : vector<14x112x12xf32> to vector<1568x12xf32>
    %slice3A_24 = vector.extract_strided_slice %pad3A_11 {offsets = [1, 2, 0], sizes = [14, 112, 12], strides = [1, 1, 1]} : vector<114x114x12xf32> to vector<14x112x12xf32>
    %reshape3A_25 = vector.shape_cast %slice3A_24 : vector<14x112x12xf32> to vector<1568x12xf32>
    %slice3A_26 = vector.extract_strided_slice %pad3A_11 {offsets = [2, 0, 0], sizes = [14, 112, 12], strides = [1, 1, 1]} : vector<114x114x12xf32> to vector<14x112x12xf32>
    %reshape3A_27 = vector.shape_cast %slice3A_26 : vector<14x112x12xf32> to vector<1568x12xf32>
    %slice3A_28 = vector.extract_strided_slice %pad3A_11 {offsets = [2, 1, 0], sizes = [14, 112, 12], strides = [1, 1, 1]} : vector<114x114x12xf32> to vector<14x112x12xf32>
    %reshape3A_29 = vector.shape_cast %slice3A_28 : vector<14x112x12xf32> to vector<1568x12xf32>
    %slice3A_30 = vector.extract_strided_slice %pad3A_11 {offsets = [2, 2, 0], sizes = [14, 112, 12], strides = [1, 1, 1]} : vector<114x114x12xf32> to vector<14x112x12xf32>
    %reshape3A_31 = vector.shape_cast %slice3A_30 : vector<14x112x12xf32> to vector<1568x12xf32>
    %concatenate3A = tpu.concatenate %reshape3A, %reshape3A_17, %reshape3A_19, %reshape3A_21, %reshape3A_23, %reshape3A_25, %reshape3A_27, %reshape3A_29, %reshape3A_31 in 1 : vector<1568x12xf32>, vector<1568x12xf32>, vector<1568x12xf32>, vector<1568x12xf32>, vector<1568x12xf32>, vector<1568x12xf32>, vector<1568x12xf32>, vector<1568x12xf32>, vector<1568x12xf32> -> vector<1568x108xf32>
    %get3A_32 = arith.constant 0 : index
    %get3A_33 = arith.constant 0 : index
    %get3A_34 = vector.load %arg2[%get3A_32, %get3A_33] : memref<108x64xf32, #tpu.memory_space<vmem>>, vector<108x64xf32>
    %dot_general3A = arith.constant dense<0.000000e+00> : vector<1568x64xf32>
    %dot_general3A_35 = tpu.matmul %concatenate3A, %get3A_34, %dot_general3A {dimension_numbers = #tpu.dot_dimension_numbers<[1], [0], [0], [1], [0, 0, 1, 1], [], []>, transpose_lhs_hint = false} : vector<1568x108xf32>, vector<108x64xf32>, vector<1568x64xf32> -> vector<1568x64xf32>
    %get3A_36 = arith.constant 0 : index
    %get3A_37 = arith.constant 0 : index
    %get3A_38 = vector.load %arg3[%get3A_36, %get3A_37] : memref<1x64xf32, #tpu.memory_space<vmem>>, vector<1x64xf32>
    %add3A = vector.broadcast %get3A_38 : vector<1x64xf32> to vector<1568x64xf32>
    %add3A_39 = arith.addf %dot_general3A_35, %add3A : vector<1568x64xf32>
    %max3A = arith.constant 0.000000e+00 : f32
    %max3A_40 = vector.broadcast %max3A : f32 to vector<1568x64xf32>
    %max3A_41 = arith.maximumf %add3A_39, %max3A_40 : vector<1568x64xf32>
    %get3A_42 = arith.constant 0 : index
    %get3A_43 = arith.constant 0 : index
    %get3A_44 = vector.load %arg4[%get3A_42, %get3A_43] : memref<64x64xf32, #tpu.memory_space<vmem>>, vector<64x64xf32>
    %dot_general3A_45 = arith.constant dense<0.000000e+00> : vector<1568x64xf32>
    %dot_general3A_46 = tpu.matmul %max3A_41, %get3A_44, %dot_general3A_45 {dimension_numbers = #tpu.dot_dimension_numbers<[1], [0], [0], [1], [0, 0, 1, 1], [], []>, transpose_lhs_hint = false} : vector<1568x64xf32>, vector<64x64xf32>, vector<1568x64xf32> -> vector<1568x64xf32>
    %get3A_47 = arith.constant 0 : index
    %get3A_48 = arith.constant 0 : index
    %get3A_49 = vector.load %arg5[%get3A_47, %get3A_48] : memref<1x64xf32, #tpu.memory_space<vmem>>, vector<1x64xf32>
    %add3A_50 = vector.broadcast %get3A_49 : vector<1x64xf32> to vector<1568x64xf32>
    %add3A_51 = arith.addf %dot_general3A_46, %add3A_50 : vector<1568x64xf32>
    %mul3A_52 = arith.mulf %add3A_51, %add3A_51 : vector<1568x64xf32>
    %reduce_sum3A_53 = arith.constant dense<0.000000e+00> : vector<1568xf32>
    %reduce_sum3A_54 = vector.multi_reduction <add>, %mul3A_52, %reduce_sum3A_53 [1] : vector<1568x64xf32> to vector<1568xf32>
    %broadcast_in_dim3A_55 = vector.shape_cast %reduce_sum3A_54 : vector<1568xf32> to vector<1568x1xf32>
    %dot_general3A_56 = arith.constant dense<0.000000e+00> : vector<1568x512xf32>
    %dot_general3A_57 = tpu.matmul %add3A_51, %get3A_14, %dot_general3A_56 {dimension_numbers = #tpu.dot_dimension_numbers<[1], [0], [0], [1], [0, 0, 1, 1], [], []>, transpose_lhs_hint = false} : vector<1568x64xf32>, vector<64x512xf32>, vector<1568x512xf32> -> vector<1568x512xf32>
    %mul3A_58 = arith.constant 2.000000e+00 : f32
    %mul3A_59 = vector.broadcast %mul3A_58 : f32 to vector<1568x512xf32>
    %mul3A_60 = arith.mulf %mul3A_59, %dot_general3A_57 : vector<1568x512xf32>
    %sub3A = vector.broadcast %broadcast_in_dim3A_55 : vector<1568x1xf32> to vector<1568x512xf32>
    %sub3A_61 = arith.subf %sub3A, %mul3A_60 : vector<1568x512xf32>
    %add3A_62 = vector.broadcast %broadcast_in_dim3A : vector<1x512xf32> to vector<1568x512xf32>
    %add3A_63 = arith.addf %sub3A_61, %add3A_62 : vector<1568x512xf32>
    %reduce_min3A = arith.constant dense<0x7F800000> : vector<1568xf32>
    %reduce_min3A_64 = vector.multi_reduction <minimumf>, %add3A_63, %reduce_min3A [1] : vector<1568x512xf32> to vector<1568xf32>
    %broadcast_in_dim3A_65 = vector.shape_cast %reduce_min3A_64 : vector<1568xf32> to vector<1568x1xf32>
    %iota3A = tpu.iota {dimensions = array<i32: 1>} : vector<1568x512xi32>
    %eq3A = vector.broadcast %broadcast_in_dim3A_65 : vector<1568x1xf32> to vector<1568x512xf32>
    %eq3A_66 = arith.cmpf oeq, %add3A_63, %eq3A : vector<1568x512xf32>
    %jit3A_67 = arith.constant 512 : i32
    %broadcast_in_dim3A_68 = vector.broadcast %jit3A_67 : i32 to vector<1568x512xi32>
    %select_n3A = arith.select %eq3A_66, %iota3A, %broadcast_in_dim3A_68 : vector<1568x512xi1>, vector<1568x512xi32>
    %reduce_min3A_69 = arith.constant dense<2147483647> : vector<1568xi32>
    %reduce_min3A_70 = vector.multi_reduction <minsi>, %select_n3A, %reduce_min3A_69 [1] : vector<1568x512xi32> to vector<1568xi32>
    %reshape3A_71 = vector.shape_cast %reduce_min3A_70 : vector<1568xi32> to vector<14x112xi32>
    %swap3A = arith.constant 0 : index
    %swap3A_72 = arith.constant 0 : index
    %swap3A_73 = arith.constant 0 : index
    %swap3A_74 = vector.load %arg7[%swap3A, %swap3A_72, %swap3A_73] : memref<1x112x112xi32, #tpu.memory_space<vmem>>, vector<1x14x112xi32>
    %swap3A_75 = vector.shape_cast %swap3A_74 : vector<1x14x112xi32> to vector<14x112xi32>
    %swap3A_76 = vector.shape_cast %reshape3A_71 : vector<14x112xi32> to vector<1x14x112xi32>
    tpu.vector_store %arg7[%swap3A, %swap3A_72, %swap3A_73], %swap3A_76 {strides = array<i32>} : memref<1x112x112xi32, #tpu.memory_space<vmem>>, vector<1x14x112xi32>,
    %slice3A_77 = vector.extract_strided_slice %pad3A_11 {offsets = [14, 0, 0], sizes = [14, 112, 12], strides = [1, 1, 1]} : vector<114x114x12xf32> to vector<14x112x12xf32>
    %reshape3A_78 = vector.shape_cast %slice3A_77 : vector<14x112x12xf32> to vector<1568x12xf32>
    %slice3A_79 = vector.extract_strided_slice %pad3A_11 {offsets = [14, 1, 0], sizes = [14, 112, 12], strides = [1, 1, 1]} : vector<114x114x12xf32> to vector<14x112x12xf32>
    %reshape3A_80 = vector.shape_cast %slice3A_79 : vector<14x112x12xf32> to vector<1568x12xf32>
    %slice3A_81 = vector.extract_strided_slice %pad3A_11 {offsets = [14, 2, 0], sizes = [14, 112, 12], strides = [1, 1, 1]} : vector<114x114x12xf32> to vector<14x112x12xf32>
    %reshape3A_82 = vector.shape_cast %slice3A_81 : vector<14x112x12xf32> to vector<1568x12xf32>
    %slice3A_83 = vector.extract_strided_slice %pad3A_11 {offsets = [15, 0, 0], sizes = [14, 112, 12], strides = [1, 1, 1]} : vector<114x114x12xf32> to vector<14x112x12xf32>
    %reshape3A_84 = vector.shape_cast %slice3A_83 : vector<14x112x12xf32> to vector<1568x12xf32>
    %slice3A_85 = vector.extract_strided_slice %pad3A_11 {offsets = [15, 1, 0], sizes = [14, 112, 12], strides = [1, 1, 1]} : vector<114x114x12xf32> to vector<14x112x12xf32>
    %reshape3A_86 = vector.shape_cast %slice3A_85 : vector<14x112x12xf32> to vector<1568x12xf32>
    %slice3A_87 = vector.extract_strided_slice %pad3A_11 {offsets = [15, 2, 0], sizes = [14, 112, 12], strides = [1, 1, 1]} : vector<114x114x12xf32> to vector<14x112x12xf32>
    %reshape3A_88 = vector.shape_cast %slice3A_87 : vector<14x112x12xf32> to vector<1568x12xf32>
    %slice3A_89 = vector.extract_strided_slice %pad3A_11 {offsets = [16, 0, 0], sizes = [14, 112, 12], strides = [1, 1, 1]} : vector<114x114x12xf32> to vector<14x112x12xf32>
    %reshape3A_90 = vector.shape_cast %slice3A_89 : vector<14x112x12xf32> to vector<1568x12xf32>
    %slice3A_91 = vector.extract_strided_slice %pad3A_11 {offsets = [16, 1, 0], sizes = [14, 112, 12], strides = [1, 1, 1]} : vector<114x114x12xf32> to vector<14x112x12xf32>
    %reshape3A_92 = vector.shape_cast %slice3A_91 : vector<14x112x12xf32> to vector<1568x12xf32>
    %slice3A_93 = vector.extract_strided_slice %pad3A_11 {offsets = [16, 2, 0], sizes = [14, 112, 12], strides = [1, 1, 1]} : vector<114x114x12xf32> to vector<14x112x12xf32>
    %reshape3A_94 = vector.shape_cast %slice3A_93 : vector<14x112x12xf32> to vector<1568x12xf32>
    %concatenate3A_95 = tpu.concatenate %reshape3A_78, %reshape3A_80, %reshape3A_82, %reshape3A_84, %reshape3A_86, %reshape3A_88, %reshape3A_90, %reshape3A_92, %reshape3A_94 in 1 : vector<1568x12xf32>, vector<1568x12xf32>, vector<1568x12xf32>, vector<1568x12xf32>, vector<1568x12xf32>, vector<1568x12xf32>, vector<1568x12xf32>, vector<1568x12xf32>, vector<1568x12xf32> -> vector<1568x108xf32>
    %get3A_96 = arith.constant 0 : index
    %get3A_97 = arith.constant 0 : index
    %get3A_98 = vector.load %arg2[%get3A_96, %get3A_97] : memref<108x64xf32, #tpu.memory_space<vmem>>, vector<108x64xf32>
    %dot_general3A_99 = arith.constant dense<0.000000e+00> : vector<1568x64xf32>
    %dot_general3A_100 = tpu.matmul %concatenate3A_95, %get3A_98, %dot_general3A_99 {dimension_numbers = #tpu.dot_dimension_numbers<[1], [0], [0], [1], [0, 0, 1, 1], [], []>, transpose_lhs_hint = false} : vector<1568x108xf32>, vector<108x64xf32>, vector<1568x64xf32> -> vector<1568x64xf32>
    %get3A_101 = arith.constant 0 : index
    %get3A_102 = arith.constant 0 : index
    %get3A_103 = vector.load %arg3[%get3A_101, %get3A_102] : memref<1x64xf32, #tpu.memory_space<vmem>>, vector<1x64xf32>
    %add3A_104 = vector.broadcast %get3A_103 : vector<1x64xf32> to vector<1568x64xf32>
    %add3A_105 = arith.addf %dot_general3A_100, %add3A_104 : vector<1568x64xf32>
    %max3A_106 = arith.constant 0.000000e+00 : f32
    %max3A_107 = vector.broadcast %max3A_106 : f32 to vector<1568x64xf32>
    %max3A_108 = arith.maximumf %add3A_105, %max3A_107 : vector<1568x64xf32>
    %get3A_109 = arith.constant 0 : index
    %get3A_110 = arith.constant 0 : index
    %get3A_111 = vector.load %arg4[%get3A_109, %get3A_110] : memref<64x64xf32, #tpu.memory_space<vmem>>, vector<64x64xf32>
    %dot_general3A_112 = arith.constant dense<0.000000e+00> : vector<1568x64xf32>
    %dot_general3A_113 = tpu.matmul %max3A_108, %get3A_111, %dot_general3A_112 {dimension_numbers = #tpu.dot_dimension_numbers<[1], [0], [0], [1], [0, 0, 1, 1], [], []>, transpose_lhs_hint = false} : vector<1568x64xf32>, vector<64x64xf32>, vector<1568x64xf32> -> vector<1568x64xf32>
    %get3A_114 = arith.constant 0 : index
    %get3A_115 = arith.constant 0 : index
    %get3A_116 = vector.load %arg5[%get3A_114, %get3A_115] : memref<1x64xf32, #tpu.memory_space<vmem>>, vector<1x64xf32>
    %add3A_117 = vector.broadcast %get3A_116 : vector<1x64xf32> to vector<1568x64xf32>
    %add3A_118 = arith.addf %dot_general3A_113, %add3A_117 : vector<1568x64xf32>
    %mul3A_119 = arith.mulf %add3A_118, %add3A_118 : vector<1568x64xf32>
    %reduce_sum3A_120 = arith.constant dense<0.000000e+00> : vector<1568xf32>
    %reduce_sum3A_121 = vector.multi_reduction <add>, %mul3A_119, %reduce_sum3A_120 [1] : vector<1568x64xf32> to vector<1568xf32>
    %broadcast_in_dim3A_122 = vector.shape_cast %reduce_sum3A_121 : vector<1568xf32> to vector<1568x1xf32>
    %dot_general3A_123 = arith.constant dense<0.000000e+00> : vector<1568x512xf32>
    %dot_general3A_124 = tpu.matmul %add3A_118, %get3A_14, %dot_general3A_123 {dimension_numbers = #tpu.dot_dimension_numbers<[1], [0], [0], [1], [0, 0, 1, 1], [], []>, transpose_lhs_hint = false} : vector<1568x64xf32>, vector<64x512xf32>, vector<1568x512xf32> -> vector<1568x512xf32>
    %mul3A_125 = arith.constant 2.000000e+00 : f32
    %mul3A_126 = vector.broadcast %mul3A_125 : f32 to vector<1568x512xf32>
    %mul3A_127 = arith.mulf %mul3A_126, %dot_general3A_124 : vector<1568x512xf32>
    %sub3A_128 = vector.broadcast %broadcast_in_dim3A_122 : vector<1568x1xf32> to vector<1568x512xf32>
    %sub3A_129 = arith.subf %sub3A_128, %mul3A_127 : vector<1568x512xf32>
    %add3A_130 = vector.broadcast %broadcast_in_dim3A : vector<1x512xf32> to vector<1568x512xf32>
    %add3A_131 = arith.addf %sub3A_129, %add3A_130 : vector<1568x512xf32>
    %reduce_min3A_132 = arith.constant dense<0x7F800000> : vector<1568xf32>
    %reduce_min3A_133 = vector.multi_reduction <minimumf>, %add3A_131, %reduce_min3A_132 [1] : vector<1568x512xf32> to vector<1568xf32>
    %broadcast_in_dim3A_134 = vector.shape_cast %reduce_min3A_133 : vector<1568xf32> to vector<1568x1xf32>
    %iota3A_135 = tpu.iota {dimensions = array<i32: 1>} : vector<1568x512xi32>
    %eq3A_136 = vector.broadcast %broadcast_in_dim3A_134 : vector<1568x1xf32> to vector<1568x512xf32>
    %eq3A_137 = arith.cmpf oeq, %add3A_131, %eq3A_136 : vector<1568x512xf32>
    %jit3A_138 = arith.constant 512 : i32
    %broadcast_in_dim3A_139 = vector.broadcast %jit3A_138 : i32 to vector<1568x512xi32>
    %select_n3A_140 = arith.select %eq3A_137, %iota3A_135, %broadcast_in_dim3A_139 : vector<1568x512xi1>, vector<1568x512xi32>
    %reduce_min3A_141 = arith.constant dense<2147483647> : vector<1568xi32>
    %reduce_min3A_142 = vector.multi_reduction <minsi>, %select_n3A_140, %reduce_min3A_141 [1] : vector<1568x512xi32> to vector<1568xi32>
    %reshape3A_143 = vector.shape_cast %reduce_min3A_142 : vector<1568xi32> to vector<14x112xi32>
    %swap3A_144 = arith.constant 0 : index
    %swap3A_145 = arith.constant 14 : index
    %swap3A_146 = arith.constant 0 : index
    %swap3A_147 = vector.load %arg7[%swap3A_144, %swap3A_145, %swap3A_146] : memref<1x112x112xi32, #tpu.memory_space<vmem>>, vector<1x14x112xi32>
    %swap3A_148 = vector.shape_cast %swap3A_147 : vector<1x14x112xi32> to vector<14x112xi32>
    %swap3A_149 = vector.shape_cast %reshape3A_143 : vector<14x112xi32> to vector<1x14x112xi32>
    tpu.vector_store %arg7[%swap3A_144, %swap3A_145, %swap3A_146], %swap3A_149 {strides = array<i32>} : memref<1x112x112xi32, #tpu.memory_space<vmem>>, vector<1x14x112xi32>,
    %slice3A_150 = vector.extract_strided_slice %pad3A_11 {offsets = [28, 0, 0], sizes = [14, 112, 12], strides = [1, 1, 1]} : vector<114x114x12xf32> to vector<14x112x12xf32>
    %reshape3A_151 = vector.shape_cast %slice3A_150 : vector<14x112x12xf32> to vector<1568x12xf32>
    %slice3A_152 = vector.extract_strided_slice %pad3A_11 {offsets = [28, 1, 0], sizes = [14, 112, 12], strides = [1, 1, 1]} : vector<114x114x12xf32> to vector<14x112x12xf32>
    %reshape3A_153 = vector.shape_cast %slice3A_152 : vector<14x112x12xf32> to vector<1568x12xf32>
    %slice3A_154 = vector.extract_strided_slice %pad3A_11 {offsets = [28, 2, 0], sizes = [14, 112, 12], strides = [1, 1, 1]} : vector<114x114x12xf32> to vector<14x112x12xf32>
    %reshape3A_155 = vector.shape_cast %slice3A_154 : vector<14x112x12xf32> to vector<1568x12xf32>
    %slice3A_156 = vector.extract_strided_slice %pad3A_11 {offsets = [29, 0, 0], sizes = [14, 112, 12], strides = [1, 1, 1]} : vector<114x114x12xf32> to vector<14x112x12xf32>
    %reshape3A_157 = vector.shape_cast %slice3A_156 : vector<14x112x12xf32> to vector<1568x12xf32>
    %slice3A_158 = vector.extract_strided_slice %pad3A_11 {offsets = [29, 1, 0], sizes = [14, 112, 12], strides = [1, 1, 1]} : vector<114x114x12xf32> to vector<14x112x12xf32>
    %reshape3A_159 = vector.shape_cast %slice3A_158 : vector<14x112x12xf32> to vector<1568x12xf32>
    %slice3A_160 = vector.extract_strided_slice %pad3A_11 {offsets = [29, 2, 0], sizes = [14, 112, 12], strides = [1, 1, 1]} : vector<114x114x12xf32> to vector<14x112x12xf32>
    %reshape3A_161 = vector.shape_cast %slice3A_160 : vector<14x112x12xf32> to vector<1568x12xf32>
    %slice3A_162 = vector.extract_strided_slice %pad3A_11 {offsets = [30, 0, 0], sizes = [14, 112, 12], strides = [1, 1, 1]} : vector<114x114x12xf32> to vector<14x112x12xf32>
    %reshape3A_163 = vector.shape_cast %slice3A_162 : vector<14x112x12xf32> to vector<1568x12xf32>
    %slice3A_164 = vector.extract_strided_slice %pad3A_11 {offsets = [30, 1, 0], sizes = [14, 112, 12], strides = [1, 1, 1]} : vector<114x114x12xf32> to vector<14x112x12xf32>
    %reshape3A_165 = vector.shape_cast %slice3A_164 : vector<14x112x12xf32> to vector<1568x12xf32>
    %slice3A_166 = vector.extract_strided_slice %pad3A_11 {offsets = [30, 2, 0], sizes = [14, 112, 12], strides = [1, 1, 1]} : vector<114x114x12xf32> to vector<14x112x12xf32>
    %reshape3A_167 = vector.shape_cast %slice3A_166 : vector<14x112x12xf32> to vector<1568x12xf32>
    %concatenate3A_168 = tpu.concatenate %reshape3A_151, %reshape3A_153, %reshape3A_155, %reshape3A_157, %reshape3A_159, %reshape3A_161, %reshape3A_163, %reshape3A_165, %reshape3A_167 in 1 : vector<1568x12xf32>, vector<1568x12xf32>, vector<1568x12xf32>, vector<1568x12xf32>, vector<1568x12xf32>, vector<1568x12xf32>, vector<1568x12xf32>, vector<1568x12xf32>, vector<1568x12xf32> -> vector<1568x108xf32>
    %get3A_169 = arith.constant 0 : index
    %get3A_170 = arith.constant 0 : index
    %get3A_171 = vector.load %arg2[%get3A_169, %get3A_170] : memref<108x64xf32, #tpu.memory_space<vmem>>, vector<108x64xf32>
    %dot_general3A_172 = arith.constant dense<0.000000e+00> : vector<1568x64xf32>
    %dot_general3A_173 = tpu.matmul %concatenate3A_168, %get3A_171, %dot_general3A_172 {dimension_numbers = #tpu.dot_dimension_numbers<[1], [0], [0], [1], [0, 0, 1, 1], [], []>, transpose_lhs_hint = false} : vector<1568x108xf32>, vector<108x64xf32>, vector<1568x64xf32> -> vector<1568x64xf32>
    %get3A_174 = arith.constant 0 : index
    %get3A_175 = arith.constant 0 : index
    %get3A_176 = vector.load %arg3[%get3A_174, %get3A_175] : memref<1x64xf32, #tpu.memory_space<vmem>>, vector<1x64xf32>
    %add3A_177 = vector.broadcast %get3A_176 : vector<1x64xf32> to vector<1568x64xf32>
    %add3A_178 = arith.addf %dot_general3A_173, %add3A_177 : vector<1568x64xf32>
    %max3A_179 = arith.constant 0.000000e+00 : f32
    %max3A_180 = vector.broadcast %max3A_179 : f32 to vector<1568x64xf32>
    %max3A_181 = arith.maximumf %add3A_178, %max3A_180 : vector<1568x64xf32>
    %get3A_182 = arith.constant 0 : index
    %get3A_183 = arith.constant 0 : index
    %get3A_184 = vector.load %arg4[%get3A_182, %get3A_183] : memref<64x64xf32, #tpu.memory_space<vmem>>, vector<64x64xf32>
    %dot_general3A_185 = arith.constant dense<0.000000e+00> : vector<1568x64xf32>
    %dot_general3A_186 = tpu.matmul %max3A_181, %get3A_184, %dot_general3A_185 {dimension_numbers = #tpu.dot_dimension_numbers<[1], [0], [0], [1], [0, 0, 1, 1], [], []>, transpose_lhs_hint = false} : vector<1568x64xf32>, vector<64x64xf32>, vector<1568x64xf32> -> vector<1568x64xf32>
    %get3A_187 = arith.constant 0 : index
    %get3A_188 = arith.constant 0 : index
    %get3A_189 = vector.load %arg5[%get3A_187, %get3A_188] : memref<1x64xf32, #tpu.memory_space<vmem>>, vector<1x64xf32>
    %add3A_190 = vector.broadcast %get3A_189 : vector<1x64xf32> to vector<1568x64xf32>
    %add3A_191 = arith.addf %dot_general3A_186, %add3A_190 : vector<1568x64xf32>
    %mul3A_192 = arith.mulf %add3A_191, %add3A_191 : vector<1568x64xf32>
    %reduce_sum3A_193 = arith.constant dense<0.000000e+00> : vector<1568xf32>
    %reduce_sum3A_194 = vector.multi_reduction <add>, %mul3A_192, %reduce_sum3A_193 [1] : vector<1568x64xf32> to vector<1568xf32>
    %broadcast_in_dim3A_195 = vector.shape_cast %reduce_sum3A_194 : vector<1568xf32> to vector<1568x1xf32>
    %dot_general3A_196 = arith.constant dense<0.000000e+00> : vector<1568x512xf32>
    %dot_general3A_197 = tpu.matmul %add3A_191, %get3A_14, %dot_general3A_196 {dimension_numbers = #tpu.dot_dimension_numbers<[1], [0], [0], [1], [0, 0, 1, 1], [], []>, transpose_lhs_hint = false} : vector<1568x64xf32>, vector<64x512xf32>, vector<1568x512xf32> -> vector<1568x512xf32>
    %mul3A_198 = arith.constant 2.000000e+00 : f32
    %mul3A_199 = vector.broadcast %mul3A_198 : f32 to vector<1568x512xf32>
    %mul3A_200 = arith.mulf %mul3A_199, %dot_general3A_197 : vector<1568x512xf32>
    %sub3A_201 = vector.broadcast %broadcast_in_dim3A_195 : vector<1568x1xf32> to vector<1568x512xf32>
    %sub3A_202 = arith.subf %sub3A_201, %mul3A_200 : vector<1568x512xf32>
    %add3A_203 = vector.broadcast %broadcast_in_dim3A : vector<1x512xf32> to vector<1568x512xf32>
    %add3A_204 = arith.addf %sub3A_202, %add3A_203 : vector<1568x512xf32>
    %reduce_min3A_205 = arith.constant dense<0x7F800000> : vector<1568xf32>
    %reduce_min3A_206 = vector.multi_reduction <minimumf>, %add3A_204, %reduce_min3A_205 [1] : vector<1568x512xf32> to vector<1568xf32>
    %broadcast_in_dim3A_207 = vector.shape_cast %reduce_min3A_206 : vector<1568xf32> to vector<1568x1xf32>
    %iota3A_208 = tpu.iota {dimensions = array<i32: 1>} : vector<1568x512xi32>
    %eq3A_209 = vector.broadcast %broadcast_in_dim3A_207 : vector<1568x1xf32> to vector<1568x512xf32>
    %eq3A_210 = arith.cmpf oeq, %add3A_204, %eq3A_209 : vector<1568x512xf32>
    %jit3A_211 = arith.constant 512 : i32
    %broadcast_in_dim3A_212 = vector.broadcast %jit3A_211 : i32 to vector<1568x512xi32>
    %select_n3A_213 = arith.select %eq3A_210, %iota3A_208, %broadcast_in_dim3A_212 : vector<1568x512xi1>, vector<1568x512xi32>
    %reduce_min3A_214 = arith.constant dense<2147483647> : vector<1568xi32>
    %reduce_min3A_215 = vector.multi_reduction <minsi>, %select_n3A_213, %reduce_min3A_214 [1] : vector<1568x512xi32> to vector<1568xi32>
    %reshape3A_216 = vector.shape_cast %reduce_min3A_215 : vector<1568xi32> to vector<14x112xi32>
    %swap3A_217 = arith.constant 0 : index
    %swap3A_218 = arith.constant 28 : index
    %swap3A_219 = arith.constant 0 : index
    %swap3A_220 = vector.load %arg7[%swap3A_217, %swap3A_218, %swap3A_219] : memref<1x112x112xi32, #tpu.memory_space<vmem>>, vector<1x14x112xi32>
    %swap3A_221 = vector.shape_cast %swap3A_220 : vector<1x14x112xi32> to vector<14x112xi32>
    %swap3A_222 = vector.shape_cast %reshape3A_216 : vector<14x112xi32> to vector<1x14x112xi32>
    tpu.vector_store %arg7[%swap3A_217, %swap3A_218, %swap3A_219], %swap3A_222 {strides = array<i32>} : memref<1x112x112xi32, #tpu.memory_space<vmem>>, vector<1x14x112xi32>,
    %slice3A_223 = vector.extract_strided_slice %pad3A_11 {offsets = [42, 0, 0], sizes = [14, 112, 12], strides = [1, 1, 1]} : vector<114x114x12xf32> to vector<14x112x12xf32>
    %reshape3A_224 = vector.shape_cast %slice3A_223 : vector<14x112x12xf32> to vector<1568x12xf32>
    %slice3A_225 = vector.extract_strided_slice %pad3A_11 {offsets = [42, 1, 0], sizes = [14, 112, 12], strides = [1, 1, 1]} : vector<114x114x12xf32> to vector<14x112x12xf32>
    %reshape3A_226 = vector.shape_cast %slice3A_225 : vector<14x112x12xf32> to vector<1568x12xf32>
    %slice3A_227 = vector.extract_strided_slice %pad3A_11 {offsets = [42, 2, 0], sizes = [14, 112, 12], strides = [1, 1, 1]} : vector<114x114x12xf32> to vector<14x112x12xf32>
    %reshape3A_228 = vector.shape_cast %slice3A_227 : vector<14x112x12xf32> to vector<1568x12xf32>
    %slice3A_229 = vector.extract_strided_slice %pad3A_11 {offsets = [43, 0, 0], sizes = [14, 112, 12], strides = [1, 1, 1]} : vector<114x114x12xf32> to vector<14x112x12xf32>
    %reshape3A_230 = vector.shape_cast %slice3A_229 : vector<14x112x12xf32> to vector<1568x12xf32>
    %slice3A_231 = vector.extract_strided_slice %pad3A_11 {offsets = [43, 1, 0], sizes = [14, 112, 12], strides = [1, 1, 1]} : vector<114x114x12xf32> to vector<14x112x12xf32>
    %reshape3A_232 = vector.shape_cast %slice3A_231 : vector<14x112x12xf32> to vector<1568x12xf32>
    %slice3A_233 = vector.extract_strided_slice %pad3A_11 {offsets = [43, 2, 0], sizes = [14, 112, 12], strides = [1, 1, 1]} : vector<114x114x12xf32> to vector<14x112x12xf32>
    %reshape3A_234 = vector.shape_cast %slice3A_233 : vector<14x112x12xf32> to vector<1568x12xf32>
    %slice3A_235 = vector.extract_strided_slice %pad3A_11 {offsets = [44, 0, 0], sizes = [14, 112, 12], strides = [1, 1, 1]} : vector<114x114x12xf32> to vector<14x112x12xf32>
    %reshape3A_236 = vector.shape_cast %slice3A_235 : vector<14x112x12xf32> to vector<1568x12xf32>
    %slice3A_237 = vector.extract_strided_slice %pad3A_11 {offsets = [44, 1, 0], sizes = [14, 112, 12], strides = [1, 1, 1]} : vector<114x114x12xf32> to vector<14x112x12xf32>
    %reshape3A_238 = vector.shape_cast %slice3A_237 : vector<14x112x12xf32> to vector<1568x12xf32>
    %slice3A_239 = vector.extract_strided_slice %pad3A_11 {offsets = [44, 2, 0], sizes = [14, 112, 12], strides = [1, 1, 1]} : vector<114x114x12xf32> to vector<14x112x12xf32>
    %reshape3A_240 = vector.shape_cast %slice3A_239 : vector<14x112x12xf32> to vector<1568x12xf32>
    %concatenate3A_241 = tpu.concatenate %reshape3A_224, %reshape3A_226, %reshape3A_228, %reshape3A_230, %reshape3A_232, %reshape3A_234, %reshape3A_236, %reshape3A_238, %reshape3A_240 in 1 : vector<1568x12xf32>, vector<1568x12xf32>, vector<1568x12xf32>, vector<1568x12xf32>, vector<1568x12xf32>, vector<1568x12xf32>, vector<1568x12xf32>, vector<1568x12xf32>, vector<1568x12xf32> -> vector<1568x108xf32>
    %get3A_242 = arith.constant 0 : index
    %get3A_243 = arith.constant 0 : index
    %get3A_244 = vector.load %arg2[%get3A_242, %get3A_243] : memref<108x64xf32, #tpu.memory_space<vmem>>, vector<108x64xf32>
    %dot_general3A_245 = arith.constant dense<0.000000e+00> : vector<1568x64xf32>
    %dot_general3A_246 = tpu.matmul %concatenate3A_241, %get3A_244, %dot_general3A_245 {dimension_numbers = #tpu.dot_dimension_numbers<[1], [0], [0], [1], [0, 0, 1, 1], [], []>, transpose_lhs_hint = false} : vector<1568x108xf32>, vector<108x64xf32>, vector<1568x64xf32> -> vector<1568x64xf32>
    %get3A_247 = arith.constant 0 : index
    %get3A_248 = arith.constant 0 : index
    %get3A_249 = vector.load %arg3[%get3A_247, %get3A_248] : memref<1x64xf32, #tpu.memory_space<vmem>>, vector<1x64xf32>
    %add3A_250 = vector.broadcast %get3A_249 : vector<1x64xf32> to vector<1568x64xf32>
    %add3A_251 = arith.addf %dot_general3A_246, %add3A_250 : vector<1568x64xf32>
    %max3A_252 = arith.constant 0.000000e+00 : f32
    %max3A_253 = vector.broadcast %max3A_252 : f32 to vector<1568x64xf32>
    %max3A_254 = arith.maximumf %add3A_251, %max3A_253 : vector<1568x64xf32>
    %get3A_255 = arith.constant 0 : index
    %get3A_256 = arith.constant 0 : index
    %get3A_257 = vector.load %arg4[%get3A_255, %get3A_256] : memref<64x64xf32, #tpu.memory_space<vmem>>, vector<64x64xf32>
    %dot_general3A_258 = arith.constant dense<0.000000e+00> : vector<1568x64xf32>
    %dot_general3A_259 = tpu.matmul %max3A_254, %get3A_257, %dot_general3A_258 {dimension_numbers = #tpu.dot_dimension_numbers<[1], [0], [0], [1], [0, 0, 1, 1], [], []>, transpose_lhs_hint = false} : vector<1568x64xf32>, vector<64x64xf32>, vector<1568x64xf32> -> vector<1568x64xf32>
    %get3A_260 = arith.constant 0 : index
    %get3A_261 = arith.constant 0 : index
    %get3A_262 = vector.load %arg5[%get3A_260, %get3A_261] : memref<1x64xf32, #tpu.memory_space<vmem>>, vector<1x64xf32>
    %add3A_263 = vector.broadcast %get3A_262 : vector<1x64xf32> to vector<1568x64xf32>
    %add3A_264 = arith.addf %dot_general3A_259, %add3A_263 : vector<1568x64xf32>
    %mul3A_265 = arith.mulf %add3A_264, %add3A_264 : vector<1568x64xf32>
    %reduce_sum3A_266 = arith.constant dense<0.000000e+00> : vector<1568xf32>
    %reduce_sum3A_267 = vector.multi_reduction <add>, %mul3A_265, %reduce_sum3A_266 [1] : vector<1568x64xf32> to vector<1568xf32>
    %broadcast_in_dim3A_268 = vector.shape_cast %reduce_sum3A_267 : vector<1568xf32> to vector<1568x1xf32>
    %dot_general3A_269 = arith.constant dense<0.000000e+00> : vector<1568x512xf32>
    %dot_general3A_270 = tpu.matmul %add3A_264, %get3A_14, %dot_general3A_269 {dimension_numbers = #tpu.dot_dimension_numbers<[1], [0], [0], [1], [0, 0, 1, 1], [], []>, transpose_lhs_hint = false} : vector<1568x64xf32>, vector<64x512xf32>, vector<1568x512xf32> -> vector<1568x512xf32>
    %mul3A_271 = arith.constant 2.000000e+00 : f32
    %mul3A_272 = vector.broadcast %mul3A_271 : f32 to vector<1568x512xf32>
    %mul3A_273 = arith.mulf %mul3A_272, %dot_general3A_270 : vector<1568x512xf32>
    %sub3A_274 = vector.broadcast %broadcast_in_dim3A_268 : vector<1568x1xf32> to vector<1568x512xf32>
    %sub3A_275 = arith.subf %sub3A_274, %mul3A_273 : vector<1568x512xf32>
    %add3A_276 = vector.broadcast %broadcast_in_dim3A : vector<1x512xf32> to vector<1568x512xf32>
    %add3A_277 = arith.addf %sub3A_275, %add3A_276 : vector<1568x512xf32>
    %reduce_min3A_278 = arith.constant dense<0x7F800000> : vector<1568xf32>
    %reduce_min3A_279 = vector.multi_reduction <minimumf>, %add3A_277, %reduce_min3A_278 [1] : vector<1568x512xf32> to vector<1568xf32>
    %broadcast_in_dim3A_280 = vector.shape_cast %reduce_min3A_279 : vector<1568xf32> to vector<1568x1xf32>
    %iota3A_281 = tpu.iota {dimensions = array<i32: 1>} : vector<1568x512xi32>
    %eq3A_282 = vector.broadcast %broadcast_in_dim3A_280 : vector<1568x1xf32> to vector<1568x512xf32>
    %eq3A_283 = arith.cmpf oeq, %add3A_277, %eq3A_282 : vector<1568x512xf32>
    %jit3A_284 = arith.constant 512 : i32
    %broadcast_in_dim3A_285 = vector.broadcast %jit3A_284 : i32 to vector<1568x512xi32>
    %select_n3A_286 = arith.select %eq3A_283, %iota3A_281, %broadcast_in_dim3A_285 : vector<1568x512xi1>, vector<1568x512xi32>
    %reduce_min3A_287 = arith.constant dense<2147483647> : vector<1568xi32>
    %reduce_min3A_288 = vector.multi_reduction <minsi>, %select_n3A_286, %reduce_min3A_287 [1] : vector<1568x512xi32> to vector<1568xi32>
    %reshape3A_289 = vector.shape_cast %reduce_min3A_288 : vector<1568xi32> to vector<14x112xi32>
    %swap3A_290 = arith.constant 0 : index
    %swap3A_291 = arith.constant 42 : index
    %swap3A_292 = arith.constant 0 : index
    %swap3A_293 = vector.load %arg7[%swap3A_290, %swap3A_291, %swap3A_292] : memref<1x112x112xi32, #tpu.memory_space<vmem>>, vector<1x14x112xi32>
    %swap3A_294 = vector.shape_cast %swap3A_293 : vector<1x14x112xi32> to vector<14x112xi32>
    %swap3A_295 = vector.shape_cast %reshape3A_289 : vector<14x112xi32> to vector<1x14x112xi32>
    tpu.vector_store %arg7[%swap3A_290, %swap3A_291, %swap3A_292], %swap3A_295 {strides = array<i32>} : memref<1x112x112xi32, #tpu.memory_space<vmem>>, vector<1x14x112xi32>,
    %slice3A_296 = vector.extract_strided_slice %pad3A_11 {offsets = [56, 0, 0], sizes = [14, 112, 12], strides = [1, 1, 1]} : vector<114x114x12xf32> to vector<14x112x12xf32>
    %reshape3A_297 = vector.shape_cast %slice3A_296 : vector<14x112x12xf32> to vector<1568x12xf32>
    %slice3A_298 = vector.extract_strided_slice %pad3A_11 {offsets = [56, 1, 0], sizes = [14, 112, 12], strides = [1, 1, 1]} : vector<114x114x12xf32> to vector<14x112x12xf32>
    %reshape3A_299 = vector.shape_cast %slice3A_298 : vector<14x112x12xf32> to vector<1568x12xf32>
    %slice3A_300 = vector.extract_strided_slice %pad3A_11 {offsets = [56, 2, 0], sizes = [14, 112, 12], strides = [1, 1, 1]} : vector<114x114x12xf32> to vector<14x112x12xf32>
    %reshape3A_301 = vector.shape_cast %slice3A_300 : vector<14x112x12xf32> to vector<1568x12xf32>
    %slice3A_302 = vector.extract_strided_slice %pad3A_11 {offsets = [57, 0, 0], sizes = [14, 112, 12], strides = [1, 1, 1]} : vector<114x114x12xf32> to vector<14x112x12xf32>
    %reshape3A_303 = vector.shape_cast %slice3A_302 : vector<14x112x12xf32> to vector<1568x12xf32>
    %slice3A_304 = vector.extract_strided_slice %pad3A_11 {offsets = [57, 1, 0], sizes = [14, 112, 12], strides = [1, 1, 1]} : vector<114x114x12xf32> to vector<14x112x12xf32>
    %reshape3A_305 = vector.shape_cast %slice3A_304 : vector<14x112x12xf32> to vector<1568x12xf32>
    %slice3A_306 = vector.extract_strided_slice %pad3A_11 {offsets = [57, 2, 0], sizes = [14, 112, 12], strides = [1, 1, 1]} : vector<114x114x12xf32> to vector<14x112x12xf32>
    %reshape3A_307 = vector.shape_cast %slice3A_306 : vector<14x112x12xf32> to vector<1568x12xf32>
    %slice3A_308 = vector.extract_strided_slice %pad3A_11 {offsets = [58, 0, 0], sizes = [14, 112, 12], strides = [1, 1, 1]} : vector<114x114x12xf32> to vector<14x112x12xf32>
    %reshape3A_309 = vector.shape_cast %slice3A_308 : vector<14x112x12xf32> to vector<1568x12xf32>
    %slice3A_310 = vector.extract_strided_slice %pad3A_11 {offsets = [58, 1, 0], sizes = [14, 112, 12], strides = [1, 1, 1]} : vector<114x114x12xf32> to vector<14x112x12xf32>
    %reshape3A_311 = vector.shape_cast %slice3A_310 : vector<14x112x12xf32> to vector<1568x12xf32>
    %slice3A_312 = vector.extract_strided_slice %pad3A_11 {offsets = [58, 2, 0], sizes = [14, 112, 12], strides = [1, 1, 1]} : vector<114x114x12xf32> to vector<14x112x12xf32>
    %reshape3A_313 = vector.shape_cast %slice3A_312 : vector<14x112x12xf32> to vector<1568x12xf32>
    %concatenate3A_314 = tpu.concatenate %reshape3A_297, %reshape3A_299, %reshape3A_301, %reshape3A_303, %reshape3A_305, %reshape3A_307, %reshape3A_309, %reshape3A_311, %reshape3A_313 in 1 : vector<1568x12xf32>, vector<1568x12xf32>, vector<1568x12xf32>, vector<1568x12xf32>, vector<1568x12xf32>, vector<1568x12xf32>, vector<1568x12xf32>, vector<1568x12xf32>, vector<1568x12xf32> -> vector<1568x108xf32>
    %get3A_315 = arith.constant 0 : index
    %get3A_316 = arith.constant 0 : index
    %get3A_317 = vector.load %arg2[%get3A_315, %get3A_316] : memref<108x64xf32, #tpu.memory_space<vmem>>, vector<108x64xf32>
    %dot_general3A_318 = arith.constant dense<0.000000e+00> : vector<1568x64xf32>
    %dot_general3A_319 = tpu.matmul %concatenate3A_314, %get3A_317, %dot_general3A_318 {dimension_numbers = #tpu.dot_dimension_numbers<[1], [0], [0], [1], [0, 0, 1, 1], [], []>, transpose_lhs_hint = false} : vector<1568x108xf32>, vector<108x64xf32>, vector<1568x64xf32> -> vector<1568x64xf32>
    %get3A_320 = arith.constant 0 : index
    %get3A_321 = arith.constant 0 : index
    %get3A_322 = vector.load %arg3[%get3A_320, %get3A_321] : memref<1x64xf32, #tpu.memory_space<vmem>>, vector<1x64xf32>
    %add3A_323 = vector.broadcast %get3A_322 : vector<1x64xf32> to vector<1568x64xf32>
    %add3A_324 = arith.addf %dot_general3A_319, %add3A_323 : vector<1568x64xf32>
    %max3A_325 = arith.constant 0.000000e+00 : f32
    %max3A_326 = vector.broadcast %max3A_325 : f32 to vector<1568x64xf32>
    %max3A_327 = arith.maximumf %add3A_324, %max3A_326 : vector<1568x64xf32>
    %get3A_328 = arith.constant 0 : index
    %get3A_329 = arith.constant 0 : index
    %get3A_330 = vector.load %arg4[%get3A_328, %get3A_329] : memref<64x64xf32, #tpu.memory_space<vmem>>, vector<64x64xf32>
    %dot_general3A_331 = arith.constant dense<0.000000e+00> : vector<1568x64xf32>
    %dot_general3A_332 = tpu.matmul %max3A_327, %get3A_330, %dot_general3A_331 {dimension_numbers = #tpu.dot_dimension_numbers<[1], [0], [0], [1], [0, 0, 1, 1], [], []>, transpose_lhs_hint = false} : vector<1568x64xf32>, vector<64x64xf32>, vector<1568x64xf32> -> vector<1568x64xf32>
    %get3A_333 = arith.constant 0 : index
    %get3A_334 = arith.constant 0 : index
    %get3A_335 = vector.load %arg5[%get3A_333, %get3A_334] : memref<1x64xf32, #tpu.memory_space<vmem>>, vector<1x64xf32>
    %add3A_336 = vector.broadcast %get3A_335 : vector<1x64xf32> to vector<1568x64xf32>
    %add3A_337 = arith.addf %dot_general3A_332, %add3A_336 : vector<1568x64xf32>
    %mul3A_338 = arith.mulf %add3A_337, %add3A_337 : vector<1568x64xf32>
    %reduce_sum3A_339 = arith.constant dense<0.000000e+00> : vector<1568xf32>
    %reduce_sum3A_340 = vector.multi_reduction <add>, %mul3A_338, %reduce_sum3A_339 [1] : vector<1568x64xf32> to vector<1568xf32>
    %broadcast_in_dim3A_341 = vector.shape_cast %reduce_sum3A_340 : vector<1568xf32> to vector<1568x1xf32>
    %dot_general3A_342 = arith.constant dense<0.000000e+00> : vector<1568x512xf32>
    %dot_general3A_343 = tpu.matmul %add3A_337, %get3A_14, %dot_general3A_342 {dimension_numbers = #tpu.dot_dimension_numbers<[1], [0], [0], [1], [0, 0, 1, 1], [], []>, transpose_lhs_hint = false} : vector<1568x64xf32>, vector<64x512xf32>, vector<1568x512xf32> -> vector<1568x512xf32>
    %mul3A_344 = arith.constant 2.000000e+00 : f32
    %mul3A_345 = vector.broadcast %mul3A_344 : f32 to vector<1568x512xf32>
    %mul3A_346 = arith.mulf %mul3A_345, %dot_general3A_343 : vector<1568x512xf32>
    %sub3A_347 = vector.broadcast %broadcast_in_dim3A_341 : vector<1568x1xf32> to vector<1568x512xf32>
    %sub3A_348 = arith.subf %sub3A_347, %mul3A_346 : vector<1568x512xf32>
    %add3A_349 = vector.broadcast %broadcast_in_dim3A : vector<1x512xf32> to vector<1568x512xf32>
    %add3A_350 = arith.addf %sub3A_348, %add3A_349 : vector<1568x512xf32>
    %reduce_min3A_351 = arith.constant dense<0x7F800000> : vector<1568xf32>
    %reduce_min3A_352 = vector.multi_reduction <minimumf>, %add3A_350, %reduce_min3A_351 [1] : vector<1568x512xf32> to vector<1568xf32>
    %broadcast_in_dim3A_353 = vector.shape_cast %reduce_min3A_352 : vector<1568xf32> to vector<1568x1xf32>
    %iota3A_354 = tpu.iota {dimensions = array<i32: 1>} : vector<1568x512xi32>
    %eq3A_355 = vector.broadcast %broadcast_in_dim3A_353 : vector<1568x1xf32> to vector<1568x512xf32>
    %eq3A_356 = arith.cmpf oeq, %add3A_350, %eq3A_355 : vector<1568x512xf32>
    %jit3A_357 = arith.constant 512 : i32
    %broadcast_in_dim3A_358 = vector.broadcast %jit3A_357 : i32 to vector<1568x512xi32>
    %select_n3A_359 = arith.select %eq3A_356, %iota3A_354, %broadcast_in_dim3A_358 : vector<1568x512xi1>, vector<1568x512xi32>
    %reduce_min3A_360 = arith.constant dense<2147483647> : vector<1568xi32>
    %reduce_min3A_361 = vector.multi_reduction <minsi>, %select_n3A_359, %reduce_min3A_360 [1] : vector<1568x512xi32> to vector<1568xi32>
    %reshape3A_362 = vector.shape_cast %reduce_min3A_361 : vector<1568xi32> to vector<14x112xi32>
    %swap3A_363 = arith.constant 0 : index
    %swap3A_364 = arith.constant 56 : index
    %swap3A_365 = arith.constant 0 : index
    %swap3A_366 = vector.load %arg7[%swap3A_363, %swap3A_364, %swap3A_365] : memref<1x112x112xi32, #tpu.memory_space<vmem>>, vector<1x14x112xi32>
    %swap3A_367 = vector.shape_cast %swap3A_366 : vector<1x14x112xi32> to vector<14x112xi32>
    %swap3A_368 = vector.shape_cast %reshape3A_362 : vector<14x112xi32> to vector<1x14x112xi32>
    tpu.vector_store %arg7[%swap3A_363, %swap3A_364, %swap3A_365], %swap3A_368 {strides = array<i32>} : memref<1x112x112xi32, #tpu.memory_space<vmem>>, vector<1x14x112xi32>,
    %slice3A_369 = vector.extract_strided_slice %pad3A_11 {offsets = [70, 0, 0], sizes = [14, 112, 12], strides = [1, 1, 1]} : vector<114x114x12xf32> to vector<14x112x12xf32>
    %reshape3A_370 = vector.shape_cast %slice3A_369 : vector<14x112x12xf32> to vector<1568x12xf32>
    %slice3A_371 = vector.extract_strided_slice %pad3A_11 {offsets = [70, 1, 0], sizes = [14, 112, 12], strides = [1, 1, 1]} : vector<114x114x12xf32> to vector<14x112x12xf32>
    %reshape3A_372 = vector.shape_cast %slice3A_371 : vector<14x112x12xf32> to vector<1568x12xf32>
    %slice3A_373 = vector.extract_strided_slice %pad3A_11 {offsets = [70, 2, 0], sizes = [14, 112, 12], strides = [1, 1, 1]} : vector<114x114x12xf32> to vector<14x112x12xf32>
    %reshape3A_374 = vector.shape_cast %slice3A_373 : vector<14x112x12xf32> to vector<1568x12xf32>
    %slice3A_375 = vector.extract_strided_slice %pad3A_11 {offsets = [71, 0, 0], sizes = [14, 112, 12], strides = [1, 1, 1]} : vector<114x114x12xf32> to vector<14x112x12xf32>
    %reshape3A_376 = vector.shape_cast %slice3A_375 : vector<14x112x12xf32> to vector<1568x12xf32>
    %slice3A_377 = vector.extract_strided_slice %pad3A_11 {offsets = [71, 1, 0], sizes = [14, 112, 12], strides = [1, 1, 1]} : vector<114x114x12xf32> to vector<14x112x12xf32>
    %reshape3A_378 = vector.shape_cast %slice3A_377 : vector<14x112x12xf32> to vector<1568x12xf32>
    %slice3A_379 = vector.extract_strided_slice %pad3A_11 {offsets = [71, 2, 0], sizes = [14, 112, 12], strides = [1, 1, 1]} : vector<114x114x12xf32> to vector<14x112x12xf32>
    %reshape3A_380 = vector.shape_cast %slice3A_379 : vector<14x112x12xf32> to vector<1568x12xf32>
    %slice3A_381 = vector.extract_strided_slice %pad3A_11 {offsets = [72, 0, 0], sizes = [14, 112, 12], strides = [1, 1, 1]} : vector<114x114x12xf32> to vector<14x112x12xf32>
    %reshape3A_382 = vector.shape_cast %slice3A_381 : vector<14x112x12xf32> to vector<1568x12xf32>
    %slice3A_383 = vector.extract_strided_slice %pad3A_11 {offsets = [72, 1, 0], sizes = [14, 112, 12], strides = [1, 1, 1]} : vector<114x114x12xf32> to vector<14x112x12xf32>
    %reshape3A_384 = vector.shape_cast %slice3A_383 : vector<14x112x12xf32> to vector<1568x12xf32>
    %slice3A_385 = vector.extract_strided_slice %pad3A_11 {offsets = [72, 2, 0], sizes = [14, 112, 12], strides = [1, 1, 1]} : vector<114x114x12xf32> to vector<14x112x12xf32>
    %reshape3A_386 = vector.shape_cast %slice3A_385 : vector<14x112x12xf32> to vector<1568x12xf32>
    %concatenate3A_387 = tpu.concatenate %reshape3A_370, %reshape3A_372, %reshape3A_374, %reshape3A_376, %reshape3A_378, %reshape3A_380, %reshape3A_382, %reshape3A_384, %reshape3A_386 in 1 : vector<1568x12xf32>, vector<1568x12xf32>, vector<1568x12xf32>, vector<1568x12xf32>, vector<1568x12xf32>, vector<1568x12xf32>, vector<1568x12xf32>, vector<1568x12xf32>, vector<1568x12xf32> -> vector<1568x108xf32>
    %get3A_388 = arith.constant 0 : index
    %get3A_389 = arith.constant 0 : index
    %get3A_390 = vector.load %arg2[%get3A_388, %get3A_389] : memref<108x64xf32, #tpu.memory_space<vmem>>, vector<108x64xf32>
    %dot_general3A_391 = arith.constant dense<0.000000e+00> : vector<1568x64xf32>
    %dot_general3A_392 = tpu.matmul %concatenate3A_387, %get3A_390, %dot_general3A_391 {dimension_numbers = #tpu.dot_dimension_numbers<[1], [0], [0], [1], [0, 0, 1, 1], [], []>, transpose_lhs_hint = false} : vector<1568x108xf32>, vector<108x64xf32>, vector<1568x64xf32> -> vector<1568x64xf32>
    %get3A_393 = arith.constant 0 : index
    %get3A_394 = arith.constant 0 : index
    %get3A_395 = vector.load %arg3[%get3A_393, %get3A_394] : memref<1x64xf32, #tpu.memory_space<vmem>>, vector<1x64xf32>
    %add3A_396 = vector.broadcast %get3A_395 : vector<1x64xf32> to vector<1568x64xf32>
    %add3A_397 = arith.addf %dot_general3A_392, %add3A_396 : vector<1568x64xf32>
    %max3A_398 = arith.constant 0.000000e+00 : f32
    %max3A_399 = vector.broadcast %max3A_398 : f32 to vector<1568x64xf32>
    %max3A_400 = arith.maximumf %add3A_397, %max3A_399 : vector<1568x64xf32>
    %get3A_401 = arith.constant 0 : index
    %get3A_402 = arith.constant 0 : index
    %get3A_403 = vector.load %arg4[%get3A_401, %get3A_402] : memref<64x64xf32, #tpu.memory_space<vmem>>, vector<64x64xf32>
    %dot_general3A_404 = arith.constant dense<0.000000e+00> : vector<1568x64xf32>
    %dot_general3A_405 = tpu.matmul %max3A_400, %get3A_403, %dot_general3A_404 {dimension_numbers = #tpu.dot_dimension_numbers<[1], [0], [0], [1], [0, 0, 1, 1], [], []>, transpose_lhs_hint = false} : vector<1568x64xf32>, vector<64x64xf32>, vector<1568x64xf32> -> vector<1568x64xf32>
    %get3A_406 = arith.constant 0 : index
    %get3A_407 = arith.constant 0 : index
    %get3A_408 = vector.load %arg5[%get3A_406, %get3A_407] : memref<1x64xf32, #tpu.memory_space<vmem>>, vector<1x64xf32>
    %add3A_409 = vector.broadcast %get3A_408 : vector<1x64xf32> to vector<1568x64xf32>
    %add3A_410 = arith.addf %dot_general3A_405, %add3A_409 : vector<1568x64xf32>
    %mul3A_411 = arith.mulf %add3A_410, %add3A_410 : vector<1568x64xf32>
    %reduce_sum3A_412 = arith.constant dense<0.000000e+00> : vector<1568xf32>
    %reduce_sum3A_413 = vector.multi_reduction <add>, %mul3A_411, %reduce_sum3A_412 [1] : vector<1568x64xf32> to vector<1568xf32>
    %broadcast_in_dim3A_414 = vector.shape_cast %reduce_sum3A_413 : vector<1568xf32> to vector<1568x1xf32>
    %dot_general3A_415 = arith.constant dense<0.000000e+00> : vector<1568x512xf32>
    %dot_general3A_416 = tpu.matmul %add3A_410, %get3A_14, %dot_general3A_415 {dimension_numbers = #tpu.dot_dimension_numbers<[1], [0], [0], [1], [0, 0, 1, 1], [], []>, transpose_lhs_hint = false} : vector<1568x64xf32>, vector<64x512xf32>, vector<1568x512xf32> -> vector<1568x512xf32>
    %mul3A_417 = arith.constant 2.000000e+00 : f32
    %mul3A_418 = vector.broadcast %mul3A_417 : f32 to vector<1568x512xf32>
    %mul3A_419 = arith.mulf %mul3A_418, %dot_general3A_416 : vector<1568x512xf32>
    %sub3A_420 = vector.broadcast %broadcast_in_dim3A_414 : vector<1568x1xf32> to vector<1568x512xf32>
    %sub3A_421 = arith.subf %sub3A_420, %mul3A_419 : vector<1568x512xf32>
    %add3A_422 = vector.broadcast %broadcast_in_dim3A : vector<1x512xf32> to vector<1568x512xf32>
    %add3A_423 = arith.addf %sub3A_421, %add3A_422 : vector<1568x512xf32>
    %reduce_min3A_424 = arith.constant dense<0x7F800000> : vector<1568xf32>
    %reduce_min3A_425 = vector.multi_reduction <minimumf>, %add3A_423, %reduce_min3A_424 [1] : vector<1568x512xf32> to vector<1568xf32>
    %broadcast_in_dim3A_426 = vector.shape_cast %reduce_min3A_425 : vector<1568xf32> to vector<1568x1xf32>
    %iota3A_427 = tpu.iota {dimensions = array<i32: 1>} : vector<1568x512xi32>
    %eq3A_428 = vector.broadcast %broadcast_in_dim3A_426 : vector<1568x1xf32> to vector<1568x512xf32>
    %eq3A_429 = arith.cmpf oeq, %add3A_423, %eq3A_428 : vector<1568x512xf32>
    %jit3A_430 = arith.constant 512 : i32
    %broadcast_in_dim3A_431 = vector.broadcast %jit3A_430 : i32 to vector<1568x512xi32>
    %select_n3A_432 = arith.select %eq3A_429, %iota3A_427, %broadcast_in_dim3A_431 : vector<1568x512xi1>, vector<1568x512xi32>
    %reduce_min3A_433 = arith.constant dense<2147483647> : vector<1568xi32>
    %reduce_min3A_434 = vector.multi_reduction <minsi>, %select_n3A_432, %reduce_min3A_433 [1] : vector<1568x512xi32> to vector<1568xi32>
    %reshape3A_435 = vector.shape_cast %reduce_min3A_434 : vector<1568xi32> to vector<14x112xi32>
    %swap3A_436 = arith.constant 0 : index
    %swap3A_437 = arith.constant 70 : index
    %swap3A_438 = arith.constant 0 : index
    %swap3A_439 = vector.load %arg7[%swap3A_436, %swap3A_437, %swap3A_438] : memref<1x112x112xi32, #tpu.memory_space<vmem>>, vector<1x14x112xi32>
    %swap3A_440 = vector.shape_cast %swap3A_439 : vector<1x14x112xi32> to vector<14x112xi32>
    %swap3A_441 = vector.shape_cast %reshape3A_435 : vector<14x112xi32> to vector<1x14x112xi32>
    tpu.vector_store %arg7[%swap3A_436, %swap3A_437, %swap3A_438], %swap3A_441 {strides = array<i32>} : memref<1x112x112xi32, #tpu.memory_space<vmem>>, vector<1x14x112xi32>,
    %slice3A_442 = vector.extract_strided_slice %pad3A_11 {offsets = [84, 0, 0], sizes = [14, 112, 12], strides = [1, 1, 1]} : vector<114x114x12xf32> to vector<14x112x12xf32>
    %reshape3A_443 = vector.shape_cast %slice3A_442 : vector<14x112x12xf32> to vector<1568x12xf32>
    %slice3A_444 = vector.extract_strided_slice %pad3A_11 {offsets = [84, 1, 0], sizes = [14, 112, 12], strides = [1, 1, 1]} : vector<114x114x12xf32> to vector<14x112x12xf32>
    %reshape3A_445 = vector.shape_cast %slice3A_444 : vector<14x112x12xf32> to vector<1568x12xf32>
    %slice3A_446 = vector.extract_strided_slice %pad3A_11 {offsets = [84, 2, 0], sizes = [14, 112, 12], strides = [1, 1, 1]} : vector<114x114x12xf32> to vector<14x112x12xf32>
    %reshape3A_447 = vector.shape_cast %slice3A_446 : vector<14x112x12xf32> to vector<1568x12xf32>
    %slice3A_448 = vector.extract_strided_slice %pad3A_11 {offsets = [85, 0, 0], sizes = [14, 112, 12], strides = [1, 1, 1]} : vector<114x114x12xf32> to vector<14x112x12xf32>
    %reshape3A_449 = vector.shape_cast %slice3A_448 : vector<14x112x12xf32> to vector<1568x12xf32>
    %slice3A_450 = vector.extract_strided_slice %pad3A_11 {offsets = [85, 1, 0], sizes = [14, 112, 12], strides = [1, 1, 1]} : vector<114x114x12xf32> to vector<14x112x12xf32>
    %reshape3A_451 = vector.shape_cast %slice3A_450 : vector<14x112x12xf32> to vector<1568x12xf32>
    %slice3A_452 = vector.extract_strided_slice %pad3A_11 {offsets = [85, 2, 0], sizes = [14, 112, 12], strides = [1, 1, 1]} : vector<114x114x12xf32> to vector<14x112x12xf32>
    %reshape3A_453 = vector.shape_cast %slice3A_452 : vector<14x112x12xf32> to vector<1568x12xf32>
    %slice3A_454 = vector.extract_strided_slice %pad3A_11 {offsets = [86, 0, 0], sizes = [14, 112, 12], strides = [1, 1, 1]} : vector<114x114x12xf32> to vector<14x112x12xf32>
    %reshape3A_455 = vector.shape_cast %slice3A_454 : vector<14x112x12xf32> to vector<1568x12xf32>
    %slice3A_456 = vector.extract_strided_slice %pad3A_11 {offsets = [86, 1, 0], sizes = [14, 112, 12], strides = [1, 1, 1]} : vector<114x114x12xf32> to vector<14x112x12xf32>
    %reshape3A_457 = vector.shape_cast %slice3A_456 : vector<14x112x12xf32> to vector<1568x12xf32>
    %slice3A_458 = vector.extract_strided_slice %pad3A_11 {offsets = [86, 2, 0], sizes = [14, 112, 12], strides = [1, 1, 1]} : vector<114x114x12xf32> to vector<14x112x12xf32>
    %reshape3A_459 = vector.shape_cast %slice3A_458 : vector<14x112x12xf32> to vector<1568x12xf32>
    %concatenate3A_460 = tpu.concatenate %reshape3A_443, %reshape3A_445, %reshape3A_447, %reshape3A_449, %reshape3A_451, %reshape3A_453, %reshape3A_455, %reshape3A_457, %reshape3A_459 in 1 : vector<1568x12xf32>, vector<1568x12xf32>, vector<1568x12xf32>, vector<1568x12xf32>, vector<1568x12xf32>, vector<1568x12xf32>, vector<1568x12xf32>, vector<1568x12xf32>, vector<1568x12xf32> -> vector<1568x108xf32>
    %get3A_461 = arith.constant 0 : index
    %get3A_462 = arith.constant 0 : index
    %get3A_463 = vector.load %arg2[%get3A_461, %get3A_462] : memref<108x64xf32, #tpu.memory_space<vmem>>, vector<108x64xf32>
    %dot_general3A_464 = arith.constant dense<0.000000e+00> : vector<1568x64xf32>
    %dot_general3A_465 = tpu.matmul %concatenate3A_460, %get3A_463, %dot_general3A_464 {dimension_numbers = #tpu.dot_dimension_numbers<[1], [0], [0], [1], [0, 0, 1, 1], [], []>, transpose_lhs_hint = false} : vector<1568x108xf32>, vector<108x64xf32>, vector<1568x64xf32> -> vector<1568x64xf32>
    %get3A_466 = arith.constant 0 : index
    %get3A_467 = arith.constant 0 : index
    %get3A_468 = vector.load %arg3[%get3A_466, %get3A_467] : memref<1x64xf32, #tpu.memory_space<vmem>>, vector<1x64xf32>
    %add3A_469 = vector.broadcast %get3A_468 : vector<1x64xf32> to vector<1568x64xf32>
    %add3A_470 = arith.addf %dot_general3A_465, %add3A_469 : vector<1568x64xf32>
    %max3A_471 = arith.constant 0.000000e+00 : f32
    %max3A_472 = vector.broadcast %max3A_471 : f32 to vector<1568x64xf32>
    %max3A_473 = arith.maximumf %add3A_470, %max3A_472 : vector<1568x64xf32>
    %get3A_474 = arith.constant 0 : index
    %get3A_475 = arith.constant 0 : index
    %get3A_476 = vector.load %arg4[%get3A_474, %get3A_475] : memref<64x64xf32, #tpu.memory_space<vmem>>, vector<64x64xf32>
    %dot_general3A_477 = arith.constant dense<0.000000e+00> : vector<1568x64xf32>
    %dot_general3A_478 = tpu.matmul %max3A_473, %get3A_476, %dot_general3A_477 {dimension_numbers = #tpu.dot_dimension_numbers<[1], [0], [0], [1], [0, 0, 1, 1], [], []>, transpose_lhs_hint = false} : vector<1568x64xf32>, vector<64x64xf32>, vector<1568x64xf32> -> vector<1568x64xf32>
    %get3A_479 = arith.constant 0 : index
    %get3A_480 = arith.constant 0 : index
    %get3A_481 = vector.load %arg5[%get3A_479, %get3A_480] : memref<1x64xf32, #tpu.memory_space<vmem>>, vector<1x64xf32>
    %add3A_482 = vector.broadcast %get3A_481 : vector<1x64xf32> to vector<1568x64xf32>
    %add3A_483 = arith.addf %dot_general3A_478, %add3A_482 : vector<1568x64xf32>
    %mul3A_484 = arith.mulf %add3A_483, %add3A_483 : vector<1568x64xf32>
    %reduce_sum3A_485 = arith.constant dense<0.000000e+00> : vector<1568xf32>
    %reduce_sum3A_486 = vector.multi_reduction <add>, %mul3A_484, %reduce_sum3A_485 [1] : vector<1568x64xf32> to vector<1568xf32>
    %broadcast_in_dim3A_487 = vector.shape_cast %reduce_sum3A_486 : vector<1568xf32> to vector<1568x1xf32>
    %dot_general3A_488 = arith.constant dense<0.000000e+00> : vector<1568x512xf32>
    %dot_general3A_489 = tpu.matmul %add3A_483, %get3A_14, %dot_general3A_488 {dimension_numbers = #tpu.dot_dimension_numbers<[1], [0], [0], [1], [0, 0, 1, 1], [], []>, transpose_lhs_hint = false} : vector<1568x64xf32>, vector<64x512xf32>, vector<1568x512xf32> -> vector<1568x512xf32>
    %mul3A_490 = arith.constant 2.000000e+00 : f32
    %mul3A_491 = vector.broadcast %mul3A_490 : f32 to vector<1568x512xf32>
    %mul3A_492 = arith.mulf %mul3A_491, %dot_general3A_489 : vector<1568x512xf32>
    %sub3A_493 = vector.broadcast %broadcast_in_dim3A_487 : vector<1568x1xf32> to vector<1568x512xf32>
    %sub3A_494 = arith.subf %sub3A_493, %mul3A_492 : vector<1568x512xf32>
    %add3A_495 = vector.broadcast %broadcast_in_dim3A : vector<1x512xf32> to vector<1568x512xf32>
    %add3A_496 = arith.addf %sub3A_494, %add3A_495 : vector<1568x512xf32>
    %reduce_min3A_497 = arith.constant dense<0x7F800000> : vector<1568xf32>
    %reduce_min3A_498 = vector.multi_reduction <minimumf>, %add3A_496, %reduce_min3A_497 [1] : vector<1568x512xf32> to vector<1568xf32>
    %broadcast_in_dim3A_499 = vector.shape_cast %reduce_min3A_498 : vector<1568xf32> to vector<1568x1xf32>
    %iota3A_500 = tpu.iota {dimensions = array<i32: 1>} : vector<1568x512xi32>
    %eq3A_501 = vector.broadcast %broadcast_in_dim3A_499 : vector<1568x1xf32> to vector<1568x512xf32>
    %eq3A_502 = arith.cmpf oeq, %add3A_496, %eq3A_501 : vector<1568x512xf32>
    %jit3A_503 = arith.constant 512 : i32
    %broadcast_in_dim3A_504 = vector.broadcast %jit3A_503 : i32 to vector<1568x512xi32>
    %select_n3A_505 = arith.select %eq3A_502, %iota3A_500, %broadcast_in_dim3A_504 : vector<1568x512xi1>, vector<1568x512xi32>
    %reduce_min3A_506 = arith.constant dense<2147483647> : vector<1568xi32>
    %reduce_min3A_507 = vector.multi_reduction <minsi>, %select_n3A_505, %reduce_min3A_506 [1] : vector<1568x512xi32> to vector<1568xi32>
    %reshape3A_508 = vector.shape_cast %reduce_min3A_507 : vector<1568xi32> to vector<14x112xi32>
    %swap3A_509 = arith.constant 0 : index
    %swap3A_510 = arith.constant 84 : index
    %swap3A_511 = arith.constant 0 : index
    %swap3A_512 = vector.load %arg7[%swap3A_509, %swap3A_510, %swap3A_511] : memref<1x112x112xi32, #tpu.memory_space<vmem>>, vector<1x14x112xi32>
    %swap3A_513 = vector.shape_cast %swap3A_512 : vector<1x14x112xi32> to vector<14x112xi32>
    %swap3A_514 = vector.shape_cast %reshape3A_508 : vector<14x112xi32> to vector<1x14x112xi32>
    tpu.vector_store %arg7[%swap3A_509, %swap3A_510, %swap3A_511], %swap3A_514 {strides = array<i32>} : memref<1x112x112xi32, #tpu.memory_space<vmem>>, vector<1x14x112xi32>,
    %slice3A_515 = vector.extract_strided_slice %pad3A_11 {offsets = [98, 0, 0], sizes = [14, 112, 12], strides = [1, 1, 1]} : vector<114x114x12xf32> to vector<14x112x12xf32>
    %reshape3A_516 = vector.shape_cast %slice3A_515 : vector<14x112x12xf32> to vector<1568x12xf32>
    %slice3A_517 = vector.extract_strided_slice %pad3A_11 {offsets = [98, 1, 0], sizes = [14, 112, 12], strides = [1, 1, 1]} : vector<114x114x12xf32> to vector<14x112x12xf32>
    %reshape3A_518 = vector.shape_cast %slice3A_517 : vector<14x112x12xf32> to vector<1568x12xf32>
    %slice3A_519 = vector.extract_strided_slice %pad3A_11 {offsets = [98, 2, 0], sizes = [14, 112, 12], strides = [1, 1, 1]} : vector<114x114x12xf32> to vector<14x112x12xf32>
    %reshape3A_520 = vector.shape_cast %slice3A_519 : vector<14x112x12xf32> to vector<1568x12xf32>
    %slice3A_521 = vector.extract_strided_slice %pad3A_11 {offsets = [99, 0, 0], sizes = [14, 112, 12], strides = [1, 1, 1]} : vector<114x114x12xf32> to vector<14x112x12xf32>
    %reshape3A_522 = vector.shape_cast %slice3A_521 : vector<14x112x12xf32> to vector<1568x12xf32>
    %slice3A_523 = vector.extract_strided_slice %pad3A_11 {offsets = [99, 1, 0], sizes = [14, 112, 12], strides = [1, 1, 1]} : vector<114x114x12xf32> to vector<14x112x12xf32>
    %reshape3A_524 = vector.shape_cast %slice3A_523 : vector<14x112x12xf32> to vector<1568x12xf32>
    %slice3A_525 = vector.extract_strided_slice %pad3A_11 {offsets = [99, 2, 0], sizes = [14, 112, 12], strides = [1, 1, 1]} : vector<114x114x12xf32> to vector<14x112x12xf32>
    %reshape3A_526 = vector.shape_cast %slice3A_525 : vector<14x112x12xf32> to vector<1568x12xf32>
    %slice3A_527 = vector.extract_strided_slice %pad3A_11 {offsets = [100, 0, 0], sizes = [14, 112, 12], strides = [1, 1, 1]} : vector<114x114x12xf32> to vector<14x112x12xf32>
    %reshape3A_528 = vector.shape_cast %slice3A_527 : vector<14x112x12xf32> to vector<1568x12xf32>
    %slice3A_529 = vector.extract_strided_slice %pad3A_11 {offsets = [100, 1, 0], sizes = [14, 112, 12], strides = [1, 1, 1]} : vector<114x114x12xf32> to vector<14x112x12xf32>
    %reshape3A_530 = vector.shape_cast %slice3A_529 : vector<14x112x12xf32> to vector<1568x12xf32>
    %slice3A_531 = vector.extract_strided_slice %pad3A_11 {offsets = [100, 2, 0], sizes = [14, 112, 12], strides = [1, 1, 1]} : vector<114x114x12xf32> to vector<14x112x12xf32>
    %reshape3A_532 = vector.shape_cast %slice3A_531 : vector<14x112x12xf32> to vector<1568x12xf32>
    %concatenate3A_533 = tpu.concatenate %reshape3A_516, %reshape3A_518, %reshape3A_520, %reshape3A_522, %reshape3A_524, %reshape3A_526, %reshape3A_528, %reshape3A_530, %reshape3A_532 in 1 : vector<1568x12xf32>, vector<1568x12xf32>, vector<1568x12xf32>, vector<1568x12xf32>, vector<1568x12xf32>, vector<1568x12xf32>, vector<1568x12xf32>, vector<1568x12xf32>, vector<1568x12xf32> -> vector<1568x108xf32>
    %get3A_534 = arith.constant 0 : index
    %get3A_535 = arith.constant 0 : index
    %get3A_536 = vector.load %arg2[%get3A_534, %get3A_535] : memref<108x64xf32, #tpu.memory_space<vmem>>, vector<108x64xf32>
    %dot_general3A_537 = arith.constant dense<0.000000e+00> : vector<1568x64xf32>
    %dot_general3A_538 = tpu.matmul %concatenate3A_533, %get3A_536, %dot_general3A_537 {dimension_numbers = #tpu.dot_dimension_numbers<[1], [0], [0], [1], [0, 0, 1, 1], [], []>, transpose_lhs_hint = false} : vector<1568x108xf32>, vector<108x64xf32>, vector<1568x64xf32> -> vector<1568x64xf32>
    %get3A_539 = arith.constant 0 : index
    %get3A_540 = arith.constant 0 : index
    %get3A_541 = vector.load %arg3[%get3A_539, %get3A_540] : memref<1x64xf32, #tpu.memory_space<vmem>>, vector<1x64xf32>
    %add3A_542 = vector.broadcast %get3A_541 : vector<1x64xf32> to vector<1568x64xf32>
    %add3A_543 = arith.addf %dot_general3A_538, %add3A_542 : vector<1568x64xf32>
    %max3A_544 = arith.constant 0.000000e+00 : f32
    %max3A_545 = vector.broadcast %max3A_544 : f32 to vector<1568x64xf32>
    %max3A_546 = arith.maximumf %add3A_543, %max3A_545 : vector<1568x64xf32>
    %get3A_547 = arith.constant 0 : index
    %get3A_548 = arith.constant 0 : index
    %get3A_549 = vector.load %arg4[%get3A_547, %get3A_548] : memref<64x64xf32, #tpu.memory_space<vmem>>, vector<64x64xf32>
    %dot_general3A_550 = arith.constant dense<0.000000e+00> : vector<1568x64xf32>
    %dot_general3A_551 = tpu.matmul %max3A_546, %get3A_549, %dot_general3A_550 {dimension_numbers = #tpu.dot_dimension_numbers<[1], [0], [0], [1], [0, 0, 1, 1], [], []>, transpose_lhs_hint = false} : vector<1568x64xf32>, vector<64x64xf32>, vector<1568x64xf32> -> vector<1568x64xf32>
    %get3A_552 = arith.constant 0 : index
    %get3A_553 = arith.constant 0 : index
    %get3A_554 = vector.load %arg5[%get3A_552, %get3A_553] : memref<1x64xf32, #tpu.memory_space<vmem>>, vector<1x64xf32>
    %add3A_555 = vector.broadcast %get3A_554 : vector<1x64xf32> to vector<1568x64xf32>
    %add3A_556 = arith.addf %dot_general3A_551, %add3A_555 : vector<1568x64xf32>
    %mul3A_557 = arith.mulf %add3A_556, %add3A_556 : vector<1568x64xf32>
    %reduce_sum3A_558 = arith.constant dense<0.000000e+00> : vector<1568xf32>
    %reduce_sum3A_559 = vector.multi_reduction <add>, %mul3A_557, %reduce_sum3A_558 [1] : vector<1568x64xf32> to vector<1568xf32>
    %broadcast_in_dim3A_560 = vector.shape_cast %reduce_sum3A_559 : vector<1568xf32> to vector<1568x1xf32>
    %dot_general3A_561 = arith.constant dense<0.000000e+00> : vector<1568x512xf32>
    %dot_general3A_562 = tpu.matmul %add3A_556, %get3A_14, %dot_general3A_561 {dimension_numbers = #tpu.dot_dimension_numbers<[1], [0], [0], [1], [0, 0, 1, 1], [], []>, transpose_lhs_hint = false} : vector<1568x64xf32>, vector<64x512xf32>, vector<1568x512xf32> -> vector<1568x512xf32>
    %mul3A_563 = arith.constant 2.000000e+00 : f32
    %mul3A_564 = vector.broadcast %mul3A_563 : f32 to vector<1568x512xf32>
    %mul3A_565 = arith.mulf %mul3A_564, %dot_general3A_562 : vector<1568x512xf32>
    %sub3A_566 = vector.broadcast %broadcast_in_dim3A_560 : vector<1568x1xf32> to vector<1568x512xf32>
    %sub3A_567 = arith.subf %sub3A_566, %mul3A_565 : vector<1568x512xf32>
    %add3A_568 = vector.broadcast %broadcast_in_dim3A : vector<1x512xf32> to vector<1568x512xf32>
    %add3A_569 = arith.addf %sub3A_567, %add3A_568 : vector<1568x512xf32>
    %reduce_min3A_570 = arith.constant dense<0x7F800000> : vector<1568xf32>
    %reduce_min3A_571 = vector.multi_reduction <minimumf>, %add3A_569, %reduce_min3A_570 [1] : vector<1568x512xf32> to vector<1568xf32>
    %broadcast_in_dim3A_572 = vector.shape_cast %reduce_min3A_571 : vector<1568xf32> to vector<1568x1xf32>
    %iota3A_573 = tpu.iota {dimensions = array<i32: 1>} : vector<1568x512xi32>
    %eq3A_574 = vector.broadcast %broadcast_in_dim3A_572 : vector<1568x1xf32> to vector<1568x512xf32>
    %eq3A_575 = arith.cmpf oeq, %add3A_569, %eq3A_574 : vector<1568x512xf32>
    %jit3A_576 = arith.constant 512 : i32
    %broadcast_in_dim3A_577 = vector.broadcast %jit3A_576 : i32 to vector<1568x512xi32>
    %select_n3A_578 = arith.select %eq3A_575, %iota3A_573, %broadcast_in_dim3A_577 : vector<1568x512xi1>, vector<1568x512xi32>
    %reduce_min3A_579 = arith.constant dense<2147483647> : vector<1568xi32>
    %reduce_min3A_580 = vector.multi_reduction <minsi>, %select_n3A_578, %reduce_min3A_579 [1] : vector<1568x512xi32> to vector<1568xi32>
    %reshape3A_581 = vector.shape_cast %reduce_min3A_580 : vector<1568xi32> to vector<14x112xi32>
    %swap3A_582 = arith.constant 0 : index
    %swap3A_583 = arith.constant 98 : index
    %swap3A_584 = arith.constant 0 : index
    %swap3A_585 = vector.load %arg7[%swap3A_582, %swap3A_583, %swap3A_584] : memref<1x112x112xi32, #tpu.memory_space<vmem>>, vector<1x14x112xi32>
    %swap3A_586 = vector.shape_cast %swap3A_585 : vector<1x14x112xi32> to vector<14x112xi32>
    %swap3A_587 = vector.shape_cast %reshape3A_581 : vector<14x112xi32> to vector<1x14x112xi32>
    tpu.vector_store %arg7[%swap3A_582, %swap3A_583, %swap3A_584], %swap3A_587 {strides = array<i32>} : memref<1x112x112xi32, #tpu.memory_space<vmem>>, vector<1x14x112xi32>,
    return
  }
  func.func @transform_0(%arg0: i32) -> (i32, i32, i32, i32) {
    %c0_i32 = arith.constant 0 : i32
    %c0_i32_0 = arith.constant 0 : i32
    %c0_i32_1 = arith.constant 0 : i32
    %c0_i32_2 = arith.constant 0 : i32
    return %arg0, %c0_i32, %c0_i32_0, %c0_i32_1 : i32, i32, i32, i32
  }
  func.func @transform_1(%arg0: i32) -> (i32, i32) {
    %c0_i32 = arith.constant 0 : i32
    %c0_i32_0 = arith.constant 0 : i32
    %c0_i32_1 = arith.constant 0 : i32
    return %c0_i32, %c0_i32_0 : i32, i32
  }
  func.func @transform_2(%arg0: i32) -> (i32, i32) {
    %c0_i32 = arith.constant 0 : i32
    %c0_i32_0 = arith.constant 0 : i32
    %c0_i32_1 = arith.constant 0 : i32
    return %c0_i32, %c0_i32_0 : i32, i32
  }
  func.func @transform_3(%arg0: i32) -> (i32, i32) {
    %c0_i32 = arith.constant 0 : i32
    %c0_i32_0 = arith.constant 0 : i32
    %c0_i32_1 = arith.constant 0 : i32
    return %c0_i32, %c0_i32_0 : i32, i32
  }
  func.func @transform_4(%arg0: i32) -> (i32, i32) {
    %c0_i32 = arith.constant 0 : i32
    %c0_i32_0 = arith.constant 0 : i32
    %c0_i32_1 = arith.constant 0 : i32
    return %c0_i32, %c0_i32_0 : i32, i32
  }
  func.func @transform_5(%arg0: i32) -> (i32, i32) {
    %c0_i32 = arith.constant 0 : i32
    %c0_i32_0 = arith.constant 0 : i32
    %c0_i32_1 = arith.constant 0 : i32
    return %c0_i32, %c0_i32_0 : i32, i32
  }
  func.func @transform_6(%arg0: i32) -> (i32, i32, i32) {
    %c0_i32 = arith.constant 0 : i32
    %c0_i32_0 = arith.constant 0 : i32
    %c0_i32_1 = arith.constant 0 : i32
    return %arg0, %c0_i32, %c0_i32_0 : i32, i32, i32
  }
}

module attributes {stable_mosaic.version = 14 : i64} {
  func.func @_dec_body(%arg0: i32, %arg1: i32, %arg2: i32, %arg3: memref<1x114x114x128xf32, #tpu.memory_space<vmem>>, %arg4: memref<16x128x64xf32, #tpu.memory_space<vmem>>, %arg5: memref<1x64xf32, #tpu.memory_space<vmem>>, %arg6: memref<64x16xf32, #tpu.memory_space<vmem>>, %arg7: memref<1x16xf32, #tpu.memory_space<vmem>>, %arg8: memref<1x1x1x112x112x16xf32, #tpu.memory_space<vmem>>) attributes {dimension_semantics = [#tpu.dimension_semantics<arbitrary>, #tpu.dimension_semantics<arbitrary>, #tpu.dimension_semantics<arbitrary>], iteration_bounds = array<i64: 4, 2, 2>, scalar_prefetch = 0 : i64, scratch_operands = 0 : i64, tpu.core_type = #tpu.core_type<tc>, window_params = [{transform_indices = @transform_0, window_bounds = array<i64: 1, 114, 114, 128>}, {pipeline_mode = #tpu.pipeline_mode<synchronous>, transform_indices = @transform_1, window_bounds = array<i64: 16, 128, 64>}, {pipeline_mode = #tpu.pipeline_mode<synchronous>, transform_indices = @transform_2, window_bounds = array<i64: 1, 64>}, {pipeline_mode = #tpu.pipeline_mode<synchronous>, transform_indices = @transform_3, window_bounds = array<i64: 64, 16>}, {pipeline_mode = #tpu.pipeline_mode<synchronous>, transform_indices = @transform_4, window_bounds = array<i64: 1, 16>}, {transform_indices = @transform_5, window_bounds = array<i64: 1, 1, 1, 112, 112, 16>}]} {
    %broadcast_in_dim3A = arith.constant 0.000000e+00 : f32
    %broadcast_in_dim3A_0 = vector.broadcast %broadcast_in_dim3A : f32 to vector<12544x64xf32>
    %add3A = arith.constant 0 : i32
    %add3A_1 = arith.addi %arg1, %add3A : i32
    %mul3A = arith.constant 4 : i32
    %mul3A_2 = arith.muli %add3A_1, %mul3A : i32
    %add3A_3 = arith.constant 0 : i32
    %add3A_4 = arith.addi %arg2, %add3A_3 : i32
    %add3A_5 = arith.addi %mul3A_2, %add3A_4 : i32
    %get3A = arith.index_cast %add3A_5 : i32 to index
    %get3A_6 = arith.constant 0 : index
    %get3A_7 = arith.constant 0 : index
    %get3A_8 = vector.load %arg4[%get3A, %get3A_6, %get3A_7] : memref<16x128x64xf32, #tpu.memory_space<vmem>>, vector<1x128x64xf32>
    %squeeze3A = vector.shape_cast %get3A_8 : vector<1x128x64xf32> to vector<128x64xf32>
    %add3A_9 = arith.constant 0 : i32
    %add3A_10 = arith.addi %arg1, %add3A_9 : i32
    %add3A_11 = arith.constant 0 : i32
    %add3A_12 = arith.addi %arg2, %add3A_11 : i32
    %get3A_13 = arith.constant 0 : index
    %get3A_14 = arith.index_cast %add3A_10 : i32 to index
    %get3A_15 = arith.index_cast %add3A_12 : i32 to index
    %get3A_16 = arith.constant 0 : index
    %get3A_17 = vector.load %arg3[%get3A_13, %get3A_14, %get3A_15, %get3A_16] : memref<1x114x114x128xf32, #tpu.memory_space<vmem>>, vector<1x112x112x128xf32>
    %get3A_18 = vector.shape_cast %get3A_17 : vector<1x112x112x128xf32> to vector<112x112x128xf32>
    %reshape3A = vector.shape_cast %get3A_18 : vector<112x112x128xf32> to vector<12544x128xf32>
    %dot_general3A = arith.constant dense<0.000000e+00> : vector<12544x64xf32>
    %dot_general3A_19 = tpu.matmul %reshape3A, %squeeze3A, %dot_general3A {dimension_numbers = #tpu.dot_dimension_numbers<[1], [0], [0], [1], [0, 0, 1, 1], [], []>, transpose_lhs_hint = false} : vector<12544x128xf32>, vector<128x64xf32>, vector<12544x64xf32> -> vector<12544x64xf32>
    %add3A_20 = arith.addf %broadcast_in_dim3A_0, %dot_general3A_19 : vector<12544x64xf32>
    %add3A_21 = arith.constant 0 : i32
    %add3A_22 = arith.addi %arg1, %add3A_21 : i32
    %mul3A_23 = arith.constant 4 : i32
    %mul3A_24 = arith.muli %add3A_22, %mul3A_23 : i32
    %add3A_25 = arith.constant 2 : i32
    %add3A_26 = arith.addi %arg2, %add3A_25 : i32
    %add3A_27 = arith.addi %mul3A_24, %add3A_26 : i32
    %get3A_28 = arith.index_cast %add3A_27 : i32 to index
    %get3A_29 = arith.constant 0 : index
    %get3A_30 = arith.constant 0 : index
    %get3A_31 = vector.load %arg4[%get3A_28, %get3A_29, %get3A_30] : memref<16x128x64xf32, #tpu.memory_space<vmem>>, vector<1x128x64xf32>
    %squeeze3A_32 = vector.shape_cast %get3A_31 : vector<1x128x64xf32> to vector<128x64xf32>
    %add3A_33 = arith.constant 0 : i32
    %add3A_34 = arith.addi %arg1, %add3A_33 : i32
    %add3A_35 = arith.constant 1 : i32
    %add3A_36 = arith.addi %arg2, %add3A_35 : i32
    %get3A_37 = arith.constant 0 : index
    %get3A_38 = arith.index_cast %add3A_34 : i32 to index
    %get3A_39 = arith.index_cast %add3A_36 : i32 to index
    %get3A_40 = arith.constant 0 : index
    %get3A_41 = vector.load %arg3[%get3A_37, %get3A_38, %get3A_39, %get3A_40] : memref<1x114x114x128xf32, #tpu.memory_space<vmem>>, vector<1x112x112x128xf32>
    %get3A_42 = vector.shape_cast %get3A_41 : vector<1x112x112x128xf32> to vector<112x112x128xf32>
    %reshape3A_43 = vector.shape_cast %get3A_42 : vector<112x112x128xf32> to vector<12544x128xf32>
    %dot_general3A_44 = arith.constant dense<0.000000e+00> : vector<12544x64xf32>
    %dot_general3A_45 = tpu.matmul %reshape3A_43, %squeeze3A_32, %dot_general3A_44 {dimension_numbers = #tpu.dot_dimension_numbers<[1], [0], [0], [1], [0, 0, 1, 1], [], []>, transpose_lhs_hint = false} : vector<12544x128xf32>, vector<128x64xf32>, vector<12544x64xf32> -> vector<12544x64xf32>
    %add3A_46 = arith.addf %add3A_20, %dot_general3A_45 : vector<12544x64xf32>
    %add3A_47 = arith.constant 2 : i32
    %add3A_48 = arith.addi %arg1, %add3A_47 : i32
    %mul3A_49 = arith.constant 4 : i32
    %mul3A_50 = arith.muli %add3A_48, %mul3A_49 : i32
    %add3A_51 = arith.constant 0 : i32
    %add3A_52 = arith.addi %arg2, %add3A_51 : i32
    %add3A_53 = arith.addi %mul3A_50, %add3A_52 : i32
    %get3A_54 = arith.index_cast %add3A_53 : i32 to index
    %get3A_55 = arith.constant 0 : index
    %get3A_56 = arith.constant 0 : index
    %get3A_57 = vector.load %arg4[%get3A_54, %get3A_55, %get3A_56] : memref<16x128x64xf32, #tpu.memory_space<vmem>>, vector<1x128x64xf32>
    %squeeze3A_58 = vector.shape_cast %get3A_57 : vector<1x128x64xf32> to vector<128x64xf32>
    %add3A_59 = arith.constant 1 : i32
    %add3A_60 = arith.addi %arg1, %add3A_59 : i32
    %add3A_61 = arith.constant 0 : i32
    %add3A_62 = arith.addi %arg2, %add3A_61 : i32
    %get3A_63 = arith.constant 0 : index
    %get3A_64 = arith.index_cast %add3A_60 : i32 to index
    %get3A_65 = arith.index_cast %add3A_62 : i32 to index
    %get3A_66 = arith.constant 0 : index
    %get3A_67 = vector.load %arg3[%get3A_63, %get3A_64, %get3A_65, %get3A_66] : memref<1x114x114x128xf32, #tpu.memory_space<vmem>>, vector<1x112x112x128xf32>
    %get3A_68 = vector.shape_cast %get3A_67 : vector<1x112x112x128xf32> to vector<112x112x128xf32>
    %reshape3A_69 = vector.shape_cast %get3A_68 : vector<112x112x128xf32> to vector<12544x128xf32>
    %dot_general3A_70 = arith.constant dense<0.000000e+00> : vector<12544x64xf32>
    %dot_general3A_71 = tpu.matmul %reshape3A_69, %squeeze3A_58, %dot_general3A_70 {dimension_numbers = #tpu.dot_dimension_numbers<[1], [0], [0], [1], [0, 0, 1, 1], [], []>, transpose_lhs_hint = false} : vector<12544x128xf32>, vector<128x64xf32>, vector<12544x64xf32> -> vector<12544x64xf32>
    %add3A_72 = arith.addf %add3A_46, %dot_general3A_71 : vector<12544x64xf32>
    %add3A_73 = arith.constant 2 : i32
    %add3A_74 = arith.addi %arg1, %add3A_73 : i32
    %mul3A_75 = arith.constant 4 : i32
    %mul3A_76 = arith.muli %add3A_74, %mul3A_75 : i32
    %add3A_77 = arith.constant 2 : i32
    %add3A_78 = arith.addi %arg2, %add3A_77 : i32
    %add3A_79 = arith.addi %mul3A_76, %add3A_78 : i32
    %get3A_80 = arith.index_cast %add3A_79 : i32 to index
    %get3A_81 = arith.constant 0 : index
    %get3A_82 = arith.constant 0 : index
    %get3A_83 = vector.load %arg4[%get3A_80, %get3A_81, %get3A_82] : memref<16x128x64xf32, #tpu.memory_space<vmem>>, vector<1x128x64xf32>
    %squeeze3A_84 = vector.shape_cast %get3A_83 : vector<1x128x64xf32> to vector<128x64xf32>
    %add3A_85 = arith.constant 1 : i32
    %add3A_86 = arith.addi %arg1, %add3A_85 : i32
    %add3A_87 = arith.constant 1 : i32
    %add3A_88 = arith.addi %arg2, %add3A_87 : i32
    %get3A_89 = arith.constant 0 : index
    %get3A_90 = arith.index_cast %add3A_86 : i32 to index
    %get3A_91 = arith.index_cast %add3A_88 : i32 to index
    %get3A_92 = arith.constant 0 : index
    %get3A_93 = vector.load %arg3[%get3A_89, %get3A_90, %get3A_91, %get3A_92] : memref<1x114x114x128xf32, #tpu.memory_space<vmem>>, vector<1x112x112x128xf32>
    %get3A_94 = vector.shape_cast %get3A_93 : vector<1x112x112x128xf32> to vector<112x112x128xf32>
    %reshape3A_95 = vector.shape_cast %get3A_94 : vector<112x112x128xf32> to vector<12544x128xf32>
    %dot_general3A_96 = arith.constant dense<0.000000e+00> : vector<12544x64xf32>
    %dot_general3A_97 = tpu.matmul %reshape3A_95, %squeeze3A_84, %dot_general3A_96 {dimension_numbers = #tpu.dot_dimension_numbers<[1], [0], [0], [1], [0, 0, 1, 1], [], []>, transpose_lhs_hint = false} : vector<12544x128xf32>, vector<128x64xf32>, vector<12544x64xf32> -> vector<12544x64xf32>
    %add3A_98 = arith.addf %add3A_72, %dot_general3A_97 : vector<12544x64xf32>
    %get3A_99 = arith.constant 0 : index
    %get3A_100 = arith.constant 0 : index
    %get3A_101 = vector.load %arg5[%get3A_99, %get3A_100] : memref<1x64xf32, #tpu.memory_space<vmem>>, vector<1x64xf32>
    %add3A_102 = vector.broadcast %get3A_101 : vector<1x64xf32> to vector<12544x64xf32>
    %add3A_103 = arith.addf %add3A_98, %add3A_102 : vector<12544x64xf32>
    %max3A = arith.constant 0.000000e+00 : f32
    %max3A_104 = vector.broadcast %max3A : f32 to vector<12544x64xf32>
    %max3A_105 = arith.maximumf %add3A_103, %max3A_104 : vector<12544x64xf32>
    %get3A_106 = arith.constant 0 : index
    %get3A_107 = arith.constant 0 : index
    %get3A_108 = vector.load %arg6[%get3A_106, %get3A_107] : memref<64x16xf32, #tpu.memory_space<vmem>>, vector<64x16xf32>
    %dot_general3A_109 = arith.constant dense<0.000000e+00> : vector<12544x16xf32>
    %dot_general3A_110 = tpu.matmul %max3A_105, %get3A_108, %dot_general3A_109 {dimension_numbers = #tpu.dot_dimension_numbers<[1], [0], [0], [1], [0, 0, 1, 1], [], []>, transpose_lhs_hint = false} : vector<12544x64xf32>, vector<64x16xf32>, vector<12544x16xf32> -> vector<12544x16xf32>
    %get3A_111 = arith.constant 0 : index
    %get3A_112 = arith.constant 0 : index
    %get3A_113 = vector.load %arg7[%get3A_111, %get3A_112] : memref<1x16xf32, #tpu.memory_space<vmem>>, vector<1x16xf32>
    %add3A_114 = vector.broadcast %get3A_113 : vector<1x16xf32> to vector<12544x16xf32>
    %add3A_115 = arith.addf %dot_general3A_110, %add3A_114 : vector<12544x16xf32>
    %reshape3A_116 = vector.shape_cast %add3A_115 : vector<12544x16xf32> to vector<112x112x16xf32>
    %swap3A = arith.constant 0 : index
    %swap3A_117 = arith.constant 0 : index
    %swap3A_118 = arith.constant 0 : index
    %swap3A_119 = arith.constant 0 : index
    %swap3A_120 = arith.constant 0 : index
    %swap3A_121 = arith.constant 0 : index
    %swap3A_122 = vector.load %arg8[%swap3A, %swap3A_117, %swap3A_118, %swap3A_119, %swap3A_120, %swap3A_121] : memref<1x1x1x112x112x16xf32, #tpu.memory_space<vmem>>, vector<1x1x1x112x112x16xf32>
    %swap3A_123 = vector.shape_cast %swap3A_122 : vector<1x1x1x112x112x16xf32> to vector<112x112x16xf32>
    %swap3A_124 = vector.shape_cast %reshape3A_116 : vector<112x112x16xf32> to vector<1x1x1x112x112x16xf32>
    tpu.vector_store %arg8[%swap3A, %swap3A_117, %swap3A_118, %swap3A_119, %swap3A_120, %swap3A_121], %swap3A_124 {strides = array<i32>} : memref<1x1x1x112x112x16xf32, #tpu.memory_space<vmem>>, vector<1x1x1x112x112x16xf32>,
    return
  }
  func.func @transform_0(%arg0: i32, %arg1: i32, %arg2: i32) -> (i32, i32, i32, i32) {
    %c0_i32 = arith.constant 0 : i32
    %c0_i32_0 = arith.constant 0 : i32
    %c0_i32_1 = arith.constant 0 : i32
    %c0_i32_2 = arith.constant 0 : i32
    return %arg0, %c0_i32, %c0_i32_0, %c0_i32_1 : i32, i32, i32, i32
  }
  func.func @transform_1(%arg0: i32, %arg1: i32, %arg2: i32) -> (i32, i32, i32) {
    %c0_i32 = arith.constant 0 : i32
    %c0_i32_0 = arith.constant 0 : i32
    %c0_i32_1 = arith.constant 0 : i32
    %c0_i32_2 = arith.constant 0 : i32
    return %c0_i32, %c0_i32_0, %c0_i32_1 : i32, i32, i32
  }
  func.func @transform_2(%arg0: i32, %arg1: i32, %arg2: i32) -> (i32, i32) {
    %c0_i32 = arith.constant 0 : i32
    %c0_i32_0 = arith.constant 0 : i32
    %c0_i32_1 = arith.constant 0 : i32
    return %c0_i32, %c0_i32_0 : i32, i32
  }
  func.func @transform_3(%arg0: i32, %arg1: i32, %arg2: i32) -> (i32, i32) {
    %c0_i32 = arith.constant 0 : i32
    %c0_i32_0 = arith.constant 0 : i32
    %c0_i32_1 = arith.constant 0 : i32
    return %c0_i32, %c0_i32_0 : i32, i32
  }
  func.func @transform_4(%arg0: i32, %arg1: i32, %arg2: i32) -> (i32, i32) {
    %c0_i32 = arith.constant 0 : i32
    %c0_i32_0 = arith.constant 0 : i32
    %c0_i32_1 = arith.constant 0 : i32
    return %c0_i32, %c0_i32_0 : i32, i32
  }
  func.func @transform_5(%arg0: i32, %arg1: i32, %arg2: i32) -> (i32, i32, i32, i32, i32, i32) {
    %c0_i32 = arith.constant 0 : i32
    %c0_i32_0 = arith.constant 0 : i32
    %c0_i32_1 = arith.constant 0 : i32
    %c0_i32_2 = arith.constant 0 : i32
    return %arg0, %arg1, %arg2, %c0_i32, %c0_i32_0, %c0_i32_1 : i32, i32, i32, i32, i32, i32
  }
}

</mosaic_0001>

<sc_bundles>
// kernel: kernel.5.cloned.1.call-start
scs
__scs_entry_jumppad:
0x0: {  	(pc) =	sbr.rel $0x88, $3  }
0x1: {  	(tag) =	ssettag $0x0;
	lr =	simm.s32 $0x1  }
0x2: {  	[smem:$0x3F97] =	sst lr;
	_ =	strace $0xD0000000  }
0x3: {  	_ = 	snop  }
0x4: {  	_ = 	snop  }
0x5: {  	_ = 	snop  }
0x6: {  	_ = 	snop  }
0x7: {  	_ = 	snop  }
__scs_overlays_trampoline_lowered:
0x8: {  	[smem:$0x3FA6] =	sst s0  }
0x9: {  	[smem:$0x3FA7] =	sst s1  }
0xa: {  	[smem:$0x3FA8] =	sst s2  }
0xb: {  	[smem:$0x3FA9] =	sst s3  }
0xc: {  	[smem:$0x3FAA] =	sst s4  }
0xd: {  	[smem:$0x3FAB] =	sst s5  }
0xe: {  	[smem:$0x3FAC] =	sst s6  }
0xf: {  	[smem:$0x3FAD] =	sst s7  }
0x10: {  	[smem:$0x3FAE] =	sst s8  }
0x11: {  	[smem:$0x3FAF] =	sst s9;
	s0 =	simm.s32 @!p0 $0x0  }
0x12: {  	s1 =	sld [smem:$0x3F95];
	s0 =	simm.s32 @p0 $0x1  }
0x13: {  	[smem:$0x3FB0] =	sst s0;
	s0 =	simm.s32 @!p1 $0x0  }
0x14: {  	s2 =	sld [smem:$0x3F94];
	s0 =	simm.s32 @p1 $0x1  }
0x15: {  	[smem:$0x3FB1] =	sst s0;
	s0 =	simm.s32 @!p2 $0x0  }
0x16: {  	s3 =	sld [smem:$0x3FDB];
	s0 =	simm.s32 @p2 $0x1  }
0x17: {  	s4 =	simm.s32 $0x1BF5;
	[smem:$0x3FB3] =	sst s0  }
0x18: {  	s0 =	sld [smem:$0x3F96];
	_ =	swait.ge [sflag:s4], $0x0  }
0x19: {  	s7 =	sld [smem:$0x3F97]  }
0x1a: {  	s8 =	sadd.s32 $0xFFFFE003, lr  }
0x1b: {  	s9 =	sadd.s32 $0xFFFFFEF7, lr;
	s5 =	simm.s32 $0xFFFFFFFF;
	p2 =	slt.u32 s8, $0xFFFFF086  }
0x1c: {  	p1 =	slt.u32 s9, $0xF7A;
	s5 =	simm.s32 @!p2 $0x0  }
0x1d: {  	s5 =	simm.s32 @p1 $0x1;
	p0 =	seq.s32 s7, s2  }
0x1e: {  	s7 =	smul.u32 @!p0 $0xF7A, s2;
	p2 =	seq.s32 @!p0 s5, $0x0  }
0x1f: {  	s9 =	smul.u32 $0xF7A, s1;
	s8 =	simm.s32 @!p0 $0x1BF5;
	p2 =	por !p2, p0  }
0x20: {  	[sflag:s8] =	ssyncset.s32 @!p0 $0xFFFFF086;
	s6 =	sadd.s32 @!p0 s3, s7;
	s7 =	simm.s32 @!p0 $0x108  }
0x21: {  	s3 =	sadd.s32 s3, s9;
	s6 =	sadd.s32 @!p0 $0x88, s6;
	s7 =	simm.s32 @p2 $0x1082  }
0x22: {  	[simem:s7], [sflag:s8] =	dma.local @!p0 [hbm:s6], $0xF7A  }
0x23: {  	s9 =	sor.u32 $0xD0000000, s2;
	s6 =	simm.s32 $0x108;
	_ =	swait.ge @!p0 [sflag:s8], $0x0  }
0x24: {  	s3 =	sadd.s32 $0x88, s3;
	s6 =	simm.s32 @!p1 $0x1082;
	[sflag:s4] =	ssyncset.s32 $0xFFFFF086  }
0x25: {  	[simem:s6], [sflag:s4] =	dma.local [hbm:s3], $0xF7A  }
0x26: {  	[smem:$0x3F97] =	sst s1;
	(tag) =	ssettag s2;
	_ =	strace s9  }
0x27: {  	s1 =	sld [smem:$0x3FA7]  }
0x28: {  	s2 =	sld [smem:$0x3FA8]  }
0x29: {  	s4 =	sld [smem:$0x3FAA]  }
0x2a: {  	p0 =	seq.s32 s5, $0x0;
	s5 =	sld [smem:$0x3FAB]  }
0x2b: {  	s6 =	sld [smem:$0x3FAC]  }
0x2c: {  	s7 =	sld [smem:$0x3FAD]  }
0x2d: {  	s3 =	simm.s32 $0x108;
	s8 =	sld [smem:$0x3FAE]  }
0x2e: {  	s3 =	simm.s32 @!p0 $0x1082;
	s9 =	sld [smem:$0x3FAF]  }
0x2f: {  	lr =	sadd.s32 s0, s3;
	s0 =	sld [smem:$0x3FA6]  }
0x30: {  	s3 =	sld [smem:$0x3FA9]  }
0x31: {  	[smem:$0x3FB2] =	sst s10  }
0x32: {  	s10 =	sld [smem:$0x3FB0];
	_ =	sdelay $0x3  }
0x33: {  	p0 =	seq.s32 s10, $0x1;
	s10 =	sld [smem:$0x3FB2];
	_ =	sdelay $0x3  }
0x34: {  	[smem:$0x3FB2] =	sst s10  }
0x35: {  	s10 =	sld [smem:$0x3FB1];
	_ =	sdelay $0x3  }
0x36: {  	p1 =	seq.s32 s10, $0x1;
	s10 =	sld [smem:$0x3FB2];
	_ =	sdelay $0x3  }
0x37: {  	[smem:$0x3FB2] =	sst s10  }
0x38: {  	s10 =	sld [smem:$0x3FB3]  }
0x39: {  	_ = 	snop;
	(pc) =	sbr.ind lr, $3  }
0x3a: {  	_ = 	snop  }
0x3b: {  	_ = 	snop  }
0x3c: {  	p2 =	seq.s32 s10, $0x1;
	s10 =	sld [smem:$0x3FB2]  }
0x3d: {  	_ =	shalt  }
0x3e: {  	_ =	shalt  }
0x3f: {  	_ =	shalt  }
0x40: {  	_ =	shalt  }
0x41: {  	_ =	shalt  }
0x42: {  	_ =	shalt  }
0x43: {  	_ =	shalt  }
0x44: {  	_ =	shalt  }
0x45: {  	_ =	shalt  }
0x46: {  	_ =	shalt  }
0x47: {  	_ =	shalt  }
0x48: {  	_ =	shalt  }
0x49: {  	_ =	shalt  }
0x4a: {  	_ =	shalt  }
0x4b: {  	_ =	shalt  }
0x4c: {  	_ =	shalt  }
0x4d: {  	_ =	shalt  }
0x4e: {  	_ =	shalt  }
0x4f: {  	_ =	shalt  }
0x50: {  	_ =	shalt  }
0x51: {  	_ =	shalt  }
0x52: {  	_ =	shalt  }
0x53: {  	_ =	shalt  }
0x54: {  	_ =	shalt  }
0x55: {  	_ =	shalt  }
0x56: {  	_ =	shalt  }
0x57: {  	_ =	shalt  }
0x58: {  	_ =	shalt  }
0x59: {  	_ =	shalt  }
0x5a: {  	_ =	shalt  }
0x5b: {  	_ =	shalt  }
0x5c: {  	_ =	shalt  }
0x5d: {  	_ =	shalt  }
0x5e: {  	_ =	shalt  }
0x5f: {  	_ =	shalt  }
0x60: {  	_ =	shalt  }
0x61: {  	_ =	shalt  }
0x62: {  	_ =	shalt  }
0x63: {  	_ =	shalt  }
0x64: {  	_ =	shalt  }
0x65: {  	_ =	shalt  }
0x66: {  	_ =	shalt  }
0x67: {  	_ =	shalt  }
0x68: {  	_ =	shalt  }
0x69: {  	_ =	shalt  }
0x6a: {  	_ =	shalt  }
0x6b: {  	_ =	shalt  }
0x6c: {  	_ =	shalt  }
0x6d: {  	_ =	shalt  }
0x6e: {  	_ =	shalt  }
0x6f: {  	_ =	shalt  }
0x70: {  	_ =	shalt  }
0x71: {  	_ =	shalt  }
0x72: {  	_ =	shalt  }
0x73: {  	_ =	shalt  }
0x74: {  	_ =	shalt  }
0x75: {  	_ =	shalt  }
0x76: {  	_ =	shalt  }
0x77: {  	_ =	shalt  }
0x78: {  	_ =	shalt  }
0x79: {  	_ =	shalt  }
0x7a: {  	_ =	shalt  }
0x7b: {  	_ =	shalt  }
0x7c: {  	_ =	shalt  }
0x7d: {  	_ =	shalt  }
0x7e: {  	_ =	shalt  }
0x7f: {  	_ =	shalt  }
0x80: {  	_ =	shalt  }
0x81: {  	_ =	shalt  }
0x82: {  	_ =	shalt  }
0x83: {  	_ =	shalt  }
0x84: {  	_ =	shalt  }
0x85: {  	_ =	shalt  }
0x86: {  	_ =	shalt  }
0x87: {  	_ =	shalt  }
.Lfunc_end0:
.L_simem_size_0:
called_computation_lowered:
.L_overlay_start_0:
0x88: {  	s2 =	sld [smem:$0x3FD9]  }
0x89: {  	s3 =	sld [smem:$0x3FFE];
	_ =	sdelay $0x1  }
0x8a: {  	s1 =	srdreg.scid  }
0x8b: {  	s0 =	sand.u32 $0x1, s1  }
0x8c: {  	s14 =	sshll.u32 s0, $0xA;
	s2 =	sadd.s32 s3, s2  }
0x8d: {  	s2 =	sadd.s32 s2, s14  }
0x8e: {  	[smem:$0x3FBE] =	sst s2  }
0x8f: {  	_ = 	snop  }
0x90: {  	s2 =	sld [smem:$0x3FD0];
	_ =	sdelay $0x2  }
0x91: {  	s15 =	simm.s32 $0xA;
	s4 =	simm.s32 $0x10  }
0x92: {  	[smem:s4], [sflag:s15] =	dma.local [hbm:s2], $0x1  }
0x93: {  	_ =	swait.eq [sflag:s15], $0x1  }
0x94: {  	[sflag:s15] =	ssyncset.done $0x0  }
0x95: {  	s16 =	sld [smem:$0x10];
	[sflag:s15] =	ssyncadd.s32 $0xFFFFFFFF  }
0x96: {  	s17 =	sld [smem:$0x11];
	(tm) =	ssettm $0x1  }
0x97: {  	s18 =	sld [smem:$0x3FFB];
	_ =	sdelay $0x3  }
0x98: {  	_ =	strace s18  }
0x99: {  	s4 =	sld [smem:$0x3FFC];
	_ =	sdelay $0x3  }
0x9a: {  	_ =	strace s4  }
0x9b: {  	s4 =	sld [smem:$0x3FFD];
	_ =	sdelay $0x3  }
0x9c: {  	_ =	strace s4  }
0x9d: {  	_ =	strace $0x8FFFFFFF  }
0x9e: {  	s19 =	sld [smem:$0x3FDB];
	_ =	sdelay $0x1  }
0x9f: {  	s5 =	simm.s32 $_scs_section_size  }
0xa0: {  	s6 =	simm.s32 $_size__tile_overlayer_lowered;
	s7 =	simm.s32 $_tile_overlayer_lowered  }
0xa1: {  	s22 =	simm.s32 $0x1BFF;
	s21 =	sshll.u32 s7, $0x1;
	s4 =	sadd.s32 s5, s19  }
0xa2: {  	s8 =	simm.s32 $0x0;
	s20 =	sshll.u32 s6, $0x1;
	s6 =	sadd.s32 s21, s4  }
0xa3: {  	[timem:s8], [sflag:s22] =	dma.local [hbm:s6], s20  }
0xa4: {  	_ =	swait.ge [sflag:s22], s20  }
0xa5: {  	s5 =	ssub.s32 $0x0, s20;
	[sflag:s22] =	ssyncset.done $0x0  }
0xa6: {  	[sflag:s22] =	ssyncadd.s32 s5;
	_ =	sdelay $0x1  }
0xa7: {  	s23 =	simm.s32 $0x1B8B  }
0xa8: {  	_ =	swait.ge [sflag:s23], $0x1  }
0xa9: {  	[sflag:s23] =	ssyncset.done $0x0  }
0xaa: {  	s25 =	simm.s32 $0x1B8E;
	s24 =	sld [smem:$0x3FFE];
	[sflag:s23] =	ssyncadd.s32 $0xFFFFFFFF  }
0xab: {  	s26 =	simm.s32 $execute0_lowered;
	[smem:$0x3FD2] =	sst s25  }
0xac: {  	s6 =	sshll.u32 s26, $0x1;
	_ =	strace $0x80000046;
	[dreg:$0x1] =	wrdreg $0xFFFFFFFF  }
0xad: {  	s28 =	simm.s32 $_size_execute0_lowered;
	s4 =	sadd.s32 s4, s6;
	[dreg:$0x0] =	wrdreg $0x0  }
0xae: {  	s6 =	sshll.u32 s28, $0x1;
	[dreg:$0x2] =	wrdreg s4  }
0xaf: {  	[dreg:$0x3] =	wrdreg s6  }
0xb0: {  	[dreg:$0x4] =	wrdreg $0xC0  }
0xb1: {  	_ =	task [dreg:s8], $0x5FFFF  }
0xb2: {  	[dreg:$0x1] =	wrdreg $0xFFFFFFFF  }
0xb3: {  	[dreg:$0x0] =	wrdreg $0x60  }
0xb4: {  	[dreg:$0x2] =	wrdreg s16  }
0xb5: {  	[dreg:$0x3] =	wrdreg s17  }
0xb6: {  	[dreg:$0x4] =	wrdreg s24  }
0xb7: {  	[dreg:$0x5] =	wrdreg $0x9  }
0xb8: {  	_ =	task.clear_ibuf [dreg:s8], $0x6FFFF;
	_ =	strace $0x90000046  }
0xb9: {  	s29 =	simm.s32 $0x9;
	_ =	strace $0x80000048  }
0xba: {  	_ =	swait.ge [sflag:s29], $0x1  }
0xbb: {  	[sflag:s29] =	ssyncadd.s32 $0xFFFFFFFF  }
0xbc: {  	_ =	strace $0x90000048  }
0xbd: {  	_ =	sfence  }
0xbe: {  	s30 =	sld [smem:$0x0];
	_ =	sdelay $0x2  }
0xbf: {  	s31 =	sshll.u32 s1, $0xD;
	s1 =	sshrl.u32 s1, $0x2  }
0xc0: {  	s3 =	sand.u32 $0x4000, s31;
	s1 =	sadd.s32 s1, s30  }
0xc1: {  	s0 =	sor.u32 s3, s0;
	s1 =	sshll.u32 s1, $0x11  }
0xc2: {  	s0 =	sor.u32 s1, s0  }
0xc3: {  	s0 =	sadd.s32 $0x8F2B, s0  }
0xc4: {  	[sflag:s0] =	ssyncadd.remote.s32 $0x1  }
0xc5: {  	_ =	sfence.sel $0xFFFF  }
0xc6: {  	[dreg:$0x0] =	wrdreg $0xFFFFFFFF;
	(pc) =	sbr.abs _section_cstart, $3  }
0xc7: {  	[dreg:$0x1] =	wrdreg $0xFFFFFFFF  }
0xc8: {  	_ =	task.clear_ibuf [dreg:s8], $0x2FFFF;
	_ =	strace $0x9FFFFFFF  }
0xc9: {  	(tm) =	ssettm $0x7FFFFFFF  }
tec
execute0_lowered:
.L_overlay_start_1:
0x0: {  	(tag) =	ssettag $0x1  }
0x1: {  	s2 =	rddreg [dreg:$0x0]  }
0x2: {  	s0 =	srdreg.scid;
	s4 =	rddreg [dreg:$0x1]  }
0x3: {  	s1 =	stileid.u32;
	s5 =	rddreg [dreg:$0x2]  }
0x4: {  	s3 =	simm.s32 $0x0;
	s30 =	simm.s32 $0x3;
	s11 =	simm.s32 $0x70  }
0x5: {  	s8 =	simm.s32 $0x700;
	s31 =	simm.s32 $0x80;
	s9 =	simm.s32 $0x1  }
0x6: {  	s29 =	simm.s32 $0x100;
	s0 =	sand.u32 $0x1, s0;
	s1 =	sshll.u32 s1, $0x1  }
0x7: {  	s28 =	simm.s32 $0x180;
	s14 =	simm.s32 $0xE700;
	s1 =	sor.u32 s0, s1  }
0x8: {  	s13 =	simm.s32 $0x11F00;
	p0 =	por $0x0, $0x0;
	s6 =	smul.u32 $0xE0, s1  }
0x9: {  	[smem:$0x7FF] =	sst s3;
	s0 =	ssub.s32 $0x2, s0;
	s7 =	smul.u32 $0x31000, s1  }
0xa: {  	_ =	strace $0x80000047;
	s1 =	smul.u32 $0x6200, s1;
	s24 =	sshrl.u32 s0, $0x1  }
0xb: {  	s0 =	ssub.s32 s0, s24;
	s4 =	sadd.s32 s4, s6;
	s15 =	sshrl.u32 s7, $0x3  }
0xc: {  	s1 =	sadd.s32 s5, s1;
	s0 =	smax.u32 s0, $0x1;
	[dreg:$0x4] =	wrdreg s4  }
0xd: {  	s16 =	sadd.s32 s5, s15;
	[dreg:$0x5] =	wrdreg s1;
	p1 =	sne.s32 s0, $0x1  }
0xe: {  	s1 =	sadd.s32 $0xFFFFFFFF, s0;
	s17 =	sadd.s32 $0x700, s16;
	s0 =	rddreg [dreg:$0x4]  }
0xf: {  	s24 =	simm.s32 $0x300;
	s18 =	sadd.s32 $0xE00, s16;
	[dreg:$0x6] =	wrdreg s17  }
0x10: {  	s7 =	simm.s32 $0x3F00;
	s19 =	sadd.s32 $0x1500, s16;
	[dreg:$0x7] =	wrdreg s18  }
0x11: {  	s4 =	simm.s32 $0x2;
	s20 =	sadd.s32 $0x1C00, s16;
	[dreg:$0x8] =	wrdreg s19  }
0x12: {  	s15 =	simm.s32 $0x680;
	s21 =	sadd.s32 $0x2300, s16;
	[dreg:$0x9] =	wrdreg s20  }
0x13: {  	s22 =	sadd.s32 $0x2A00, s16;
	s23 =	sadd.s32 $0x3100, s16;
	[dreg:$0xa] =	wrdreg s21  }
0x14: {  	s25 =	sadd.s32 $0x3800, s16;
	s26 =	sadd.s32 $0x3F00, s16;
	[dreg:$0xb] =	wrdreg s22  }
0x15: {  	s12 =	sadd.s32 $0x4600, s16;
	s10 =	sadd.s32 $0x4D00, s16;
	[dreg:$0xc] =	wrdreg s23  }
.Ltmp0:
0x16: {  	s6 =	sadd.s32 $0x5400, s16;
	[dreg:$0xd] =	wrdreg s25;
	(pc) =	sbr.rel @!p1 .LBB2_3-.Ltmp0, $4  }
0x17: {  	s5 =	sadd.s32 $0x5B00, s16;
	s16 =	simm.s32 $0xAF00;
	[dreg:$0xe] =	wrdreg s26  }
0x18: {  	s18 =	simm.s32 $0x7700;
	s26 =	simm.s32 $0x200;
	s25 =	simm.s32 $0x280  }
0x19: {  	s23 =	simm.s32 $0x380;
	s22 =	simm.s32 $0x400;
	s21 =	simm.s32 $0x480  }
0x1a: {  	s20 =	simm.s32 $0x500;
	s19 =	simm.s32 $0x580;
	s17 =	simm.s32 $0x600  }
0x1b: {  	[tilespmem:s3], [sflag:$0x3] =	stream.linear.gather [hbm4b:s0+s3], $0x700, $0x38;
	[tilespmem:$0x15700] =	vst v63  }
0x1c: {  	_ =	swait.ge [sflag:s30], $0x700  }
0x1d: {  	[sflag:s30] =	ssyncset.done $0x0  }
0x1e: {  	[sflag:s30] =	ssyncadd.s32 $0xFFFFF900  }
0x1f: {  	[tilespmem:s8], [sflag:$0x1] =	stream.indirect.gather [hbm4b:s2+s11], $0x80, s3, s11, $0xb8;
	[tilespmem:$0x15700] =	vst v63  }
0x20: {  	_ = 	snop  }
0x21: {  	[tilespmem:s7], [sflag:$0x1] =	stream.indirect.gather [hbm4b:s2+s11], $0x80, s31, s11, $0xb8;
	[tilespmem:$0x15700] =	vst v63  }
0x22: {  	_ =	swait.ge [sflag:s9], $0x3800  }
0x23: {  	[sflag:s9] =	ssyncset.done $0x0  }
0x24: {  	s0 =	rddreg [dreg:$0x5];
	[sflag:s9] =	ssyncadd.s32 $0xFFFFC800  }
0x25: {  	[hbm4b:s0+s3] =	stream.linear.scatter [tilespmem:s8], [sflag:$0x2], $0x3800, $0x38;
	[tilespmem:$0x15700] =	vst v63  }
0x26: {  	_ = 	snop  }
0x27: {  	[tilespmem:s18], [sflag:$0x1] =	stream.indirect.gather [hbm4b:s2+s11], $0x80, s29, s11, $0xb8;
	[tilespmem:$0x15700] =	vst v63  }
0x28: {  	_ =	swait.ge [sflag:s9], $0x3800  }
0x29: {  	[sflag:s9] =	ssyncset.done $0x0  }
0x2a: {  	s0 =	rddreg [dreg:$0x6];
	[sflag:s9] =	ssyncadd.s32 $0xFFFFC800  }
0x2b: {  	[hbm4b:s0+s3] =	stream.linear.scatter [tilespmem:s7], [sflag:$0x2], $0x3800, $0x38;
	[tilespmem:$0x15700] =	vst v63  }
0x2c: {  	_ = 	snop  }
0x2d: {  	[tilespmem:s16], [sflag:$0x1] =	stream.indirect.gather [hbm4b:s2+s11], $0x80, s28, s11, $0xb8;
	[tilespmem:$0x15700] =	vst v63  }
0x2e: {  	_ =	swait.ge [sflag:s9], $0x3800  }
0x2f: {  	[sflag:s9] =	ssyncset.done $0x0  }
0x30: {  	s0 =	rddreg [dreg:$0x7];
	[sflag:s9] =	ssyncadd.s32 $0xFFFFC800  }
0x31: {  	[hbm4b:s0+s3] =	stream.linear.scatter [tilespmem:s18], [sflag:$0x2], $0x3800, $0x38;
	[tilespmem:$0x15700] =	vst v63  }
0x32: {  	_ = 	snop  }
0x33: {  	[tilespmem:s14], [sflag:$0x1] =	stream.indirect.gather [hbm4b:s2+s11], $0x80, s26, s11, $0xb8;
	[tilespmem:$0x15700] =	vst v63  }
0x34: {  	_ =	swait.ge [sflag:s9], $0x3800  }
0x35: {  	[sflag:s9] =	ssyncset.done $0x0  }
0x36: {  	s0 =	rddreg [dreg:$0x8];
	[sflag:s9] =	ssyncadd.s32 $0xFFFFC800  }
0x37: {  	[hbm4b:s0+s3] =	stream.linear.scatter [tilespmem:s16], [sflag:$0x2], $0x3800, $0x38;
	[tilespmem:$0x15700] =	vst v63  }
0x38: {  	_ = 	snop  }
0x39: {  	[tilespmem:s13], [sflag:$0x1] =	stream.indirect.gather [hbm4b:s2+s11], $0x80, s25, s11, $0xb8;
	[tilespmem:$0x15700] =	vst v63  }
0x3a: {  	_ =	swait.ge [sflag:s9], $0x3800  }
0x3b: {  	[sflag:s9] =	ssyncset.done $0x0  }
0x3c: {  	s0 =	rddreg [dreg:$0x9];
	[sflag:s9] =	ssyncadd.s32 $0xFFFFC800  }
0x3d: {  	[hbm4b:s0+s3] =	stream.linear.scatter [tilespmem:s14], [sflag:$0x2], $0x3800, $0x38;
	[tilespmem:$0x15700] =	vst v63  }
0x3e: {  	_ =	swait.ge [sflag:s4], $0x3800  }
0x3f: {  	[sflag:s4] =	ssyncset.done $0x0  }
0x40: {  	[sflag:s4] =	ssyncadd.s32 $0xFFFFC800  }
0x41: {  	[tilespmem:s8], [sflag:$0x1] =	stream.indirect.gather [hbm4b:s2+s11], $0x80, s24, s11, $0xb8;
	[tilespmem:$0x15700] =	vst v63  }
0x42: {  	_ =	swait.ge [sflag:s9], $0x3800  }
0x43: {  	[sflag:s9] =	ssyncset.done $0x0  }
0x44: {  	s0 =	rddreg [dreg:$0xa];
	[sflag:s9] =	ssyncadd.s32 $0xFFFFC800  }
0x45: {  	[hbm4b:s0+s3] =	stream.linear.scatter [tilespmem:s13], [sflag:$0x2], $0x3800, $0x38;
	[tilespmem:$0x15700] =	vst v63  }
0x46: {  	_ =	swait.ge [sflag:s4], $0x3800  }
0x47: {  	[sflag:s4] =	ssyncset.done $0x0  }
0x48: {  	[sflag:s4] =	ssyncadd.s32 $0xFFFFC800  }
0x49: {  	[tilespmem:s7], [sflag:$0x1] =	stream.indirect.gather [hbm4b:s2+s11], $0x80, s23, s11, $0xb8;
	[tilespmem:$0x15700] =	vst v63  }
0x4a: {  	_ =	swait.ge [sflag:s9], $0x3800  }
0x4b: {  	[sflag:s9] =	ssyncset.done $0x0  }
0x4c: {  	s0 =	rddreg [dreg:$0xb];
	[sflag:s9] =	ssyncadd.s32 $0xFFFFC800  }
0x4d: {  	[hbm4b:s0+s3] =	stream.linear.scatter [tilespmem:s8], [sflag:$0x2], $0x3800, $0x38;
	[tilespmem:$0x15700] =	vst v63  }
0x4e: {  	_ =	swait.ge [sflag:s4], $0x3800  }
0x4f: {  	[sflag:s4] =	ssyncset.done $0x0  }
0x50: {  	[sflag:s4] =	ssyncadd.s32 $0xFFFFC800  }
0x51: {  	[tilespmem:s18], [sflag:$0x1] =	stream.indirect.gather [hbm4b:s2+s11], $0x80, s22, s11, $0xb8;
	[tilespmem:$0x15700] =	vst v63  }
0x52: {  	_ =	swait.ge [sflag:s9], $0x3800  }
0x53: {  	[sflag:s9] =	ssyncset.done $0x0  }
0x54: {  	s0 =	rddreg [dreg:$0xc];
	[sflag:s9] =	ssyncadd.s32 $0xFFFFC800  }
0x55: {  	[hbm4b:s0+s3] =	stream.linear.scatter [tilespmem:s7], [sflag:$0x2], $0x3800, $0x38;
	[tilespmem:$0x15700] =	vst v63  }
0x56: {  	_ =	swait.ge [sflag:s4], $0x3800  }
0x57: {  	[sflag:s4] =	ssyncset.done $0x0  }
0x58: {  	[sflag:s4] =	ssyncadd.s32 $0xFFFFC800  }
0x59: {  	[tilespmem:s16], [sflag:$0x1] =	stream.indirect.gather [hbm4b:s2+s11], $0x80, s21, s11, $0xb8;
	[tilespmem:$0x15700] =	vst v63  }
0x5a: {  	_ =	swait.ge [sflag:s9], $0x3800  }
0x5b: {  	[sflag:s9] =	ssyncset.done $0x0  }
0x5c: {  	s0 =	rddreg [dreg:$0xd];
	[sflag:s9] =	ssyncadd.s32 $0xFFFFC800  }
0x5d: {  	[hbm4b:s0+s3] =	stream.linear.scatter [tilespmem:s18], [sflag:$0x2], $0x3800, $0x38;
	[tilespmem:$0x15700] =	vst v63  }
0x5e: {  	_ =	swait.ge [sflag:s4], $0x3800  }
0x5f: {  	[sflag:s4] =	ssyncset.done $0x0  }
0x60: {  	[sflag:s4] =	ssyncadd.s32 $0xFFFFC800  }
0x61: {  	[tilespmem:s14], [sflag:$0x1] =	stream.indirect.gather [hbm4b:s2+s11], $0x80, s20, s11, $0xb8;
	[tilespmem:$0x15700] =	vst v63  }
0x62: {  	_ =	swait.ge [sflag:s9], $0x3800  }
0x63: {  	[sflag:s9] =	ssyncset.done $0x0  }
0x64: {  	s0 =	rddreg [dreg:$0xe];
	[sflag:s9] =	ssyncadd.s32 $0xFFFFC800  }
0x65: {  	[hbm4b:s0+s3] =	stream.linear.scatter [tilespmem:s16], [sflag:$0x2], $0x3800, $0x38;
	[tilespmem:$0x15700] =	vst v63  }
0x66: {  	_ =	swait.ge [sflag:s4], $0x3800  }
0x67: {  	[sflag:s4] =	ssyncset.done $0x0  }
0x68: {  	[sflag:s4] =	ssyncadd.s32 $0xFFFFC800  }
0x69: {  	[tilespmem:s13], [sflag:$0x1] =	stream.indirect.gather [hbm4b:s2+s11], $0x80, s19, s11, $0xb8;
	[tilespmem:$0x15700] =	vst v63  }
0x6a: {  	_ =	swait.ge [sflag:s9], $0x3800  }
0x6b: {  	[sflag:s9] =	ssyncset.done $0x0  }
0x6c: {  	[sflag:s9] =	ssyncadd.s32 $0xFFFFC800  }
0x6d: {  	[hbm4b:s12+s3] =	stream.linear.scatter [tilespmem:s14], [sflag:$0x2], $0x3800, $0x38;
	[tilespmem:$0x15700] =	vst v63  }
0x6e: {  	_ =	swait.ge [sflag:s4], $0x3800  }
0x6f: {  	[sflag:s4] =	ssyncset.done $0x0  }
0x70: {  	[sflag:s4] =	ssyncadd.s32 $0xFFFFC800  }
0x71: {  	[tilespmem:s8], [sflag:$0x1] =	stream.indirect.gather [hbm4b:s2+s11], $0x80, s17, s11, $0xb8;
	[tilespmem:$0x15700] =	vst v63  }
0x72: {  	_ =	swait.ge [sflag:s9], $0x3800  }
0x73: {  	[sflag:s9] =	ssyncset.done $0x0  }
0x74: {  	[sflag:s9] =	ssyncadd.s32 $0xFFFFC800  }
0x75: {  	[hbm4b:s10+s3] =	stream.linear.scatter [tilespmem:s13], [sflag:$0x2], $0x3800, $0x38;
	[tilespmem:$0x15700] =	vst v63  }
0x76: {  	_ =	swait.ge [sflag:s4], $0x3800  }
0x77: {  	[sflag:s4] =	ssyncset.done $0x0  }
0x78: {  	[sflag:s4] =	ssyncadd.s32 $0xFFFFC800  }
0x79: {  	[tilespmem:s7], [sflag:$0x1] =	stream.indirect.gather [hbm4b:s2+s11], $0x80, s15, s11, $0xb8;
	[tilespmem:$0x15700] =	vst v63  }
0x7a: {  	_ =	swait.ge [sflag:s9], $0x3800  }
0x7b: {  	[sflag:s9] =	ssyncset.done $0x0  }
0x7c: {  	[sflag:s9] =	ssyncadd.s32 $0xFFFFC800  }
0x7d: {  	[hbm4b:s6+s3] =	stream.linear.scatter [tilespmem:s8], [sflag:$0x2], $0x3800, $0x38;
	[tilespmem:$0x15700] =	vst v63  }
0x7e: {  	_ =	swait.ge [sflag:s9], $0x3800  }
0x7f: {  	[sflag:s9] =	ssyncset.done $0x0  }
0x80: {  	[sflag:s9] =	ssyncadd.s32 $0xFFFFC800  }
0x81: {  	[hbm4b:s5+s3] =	stream.linear.scatter [tilespmem:s7], [sflag:$0x2], $0x3800, $0x38;
	[tilespmem:$0x15700] =	vst v63  }
0x82: {  	_ =	swait.ge [sflag:s4], $0x3800  }
0x83: {  	[sflag:s4] =	ssyncset.done $0x0  }
0x84: {  	[sflag:s4] =	ssyncadd.s32 $0xFFFFC800  }
0x85: {  	_ =	swait.ge [sflag:s4], $0x3800  }
0x86: {  	[sflag:s4] =	ssyncset.done $0x0  }
0x87: {  	[sflag:s4] =	ssyncadd.s32 $0xFFFFC800  }
0x88: {  	_ =	swait.ge [sflag:s4], $0x3800  }
0x89: {  	[sflag:s4] =	ssyncset.done $0x0  }
0x8a: {  	[sflag:s4] =	ssyncadd.s32 $0xFFFFC800  }
0x8b: {  	_ =	swait.ge [sflag:s4], $0x3800  }
0x8c: {  	[sflag:s4] =	ssyncset.done $0x0  }
0x8d: {  	p1 =	sne.s32 s1, $0x1;
	[sflag:s4] =	ssyncadd.s32 $0xFFFFC800  }
.Ltmp1:
0x8e: {  	_ =	swait.ge [sflag:s4], $0x3800;
	(pc) =	sbr.rel @!p1 .LBB2_3-.Ltmp1, $4  }
0x8f: {  	[sflag:s4] =	ssyncset.done $0x0  }
0x90: {  	[sflag:s4] =	ssyncadd.s32 $0xFFFFC800  }
0x91: {  	s1 =	sadd.s32 $0xFFFFFFFF, s1;
	_ =	swait.ge [sflag:s4], $0x3800  }
0x92: {  	p0 =	por $0x1, $0x1;
	s0 =	rddreg [dreg:$0x4];
	[sflag:s4] =	ssyncset.done $0x0  }
.LBB2_2:
0x93: {  	[sflag:s4] =	ssyncadd.s32 $0xFFFFC800  }
0x94: {  	[tilespmem:s3], [sflag:$0x3] =	stream.linear.gather [hbm4b:s0+s3], $0x700, $0x38;
	[tilespmem:$0x15700] =	vst v63  }
0x95: {  	_ =	swait.ge [sflag:s30], $0x700  }
0x96: {  	[sflag:s30] =	ssyncset.done $0x0  }
0x97: {  	[sflag:s30] =	ssyncadd.s32 $0xFFFFF900  }
0x98: {  	[tilespmem:s8], [sflag:$0x1] =	stream.indirect.gather [hbm4b:s2+s11], $0x80, s3, s11, $0xb8;
	[tilespmem:$0x15700] =	vst v63  }
0x99: {  	_ = 	snop  }
0x9a: {  	[tilespmem:s7], [sflag:$0x1] =	stream.indirect.gather [hbm4b:s2+s11], $0x80, s31, s11, $0xb8;
	[tilespmem:$0x15700] =	vst v63  }
0x9b: {  	_ =	swait.ge [sflag:s9], $0x3800  }
0x9c: {  	[sflag:s9] =	ssyncset.done $0x0  }
0x9d: {  	s0 =	rddreg [dreg:$0x5];
	[sflag:s9] =	ssyncadd.s32 $0xFFFFC800  }
0x9e: {  	[hbm4b:s0+s3] =	stream.linear.scatter [tilespmem:s8], [sflag:$0x2], $0x3800, $0x38;
	[tilespmem:$0x15700] =	vst v63  }
0x9f: {  	_ = 	snop  }
0xa0: {  	[tilespmem:s18], [sflag:$0x1] =	stream.indirect.gather [hbm4b:s2+s11], $0x80, s29, s11, $0xb8;
	[tilespmem:$0x15700] =	vst v63  }
0xa1: {  	_ =	swait.ge [sflag:s9], $0x3800  }
0xa2: {  	[sflag:s9] =	ssyncset.done $0x0  }
0xa3: {  	s0 =	rddreg [dreg:$0x6];
	[sflag:s9] =	ssyncadd.s32 $0xFFFFC800  }
0xa4: {  	[hbm4b:s0+s3] =	stream.linear.scatter [tilespmem:s7], [sflag:$0x2], $0x3800, $0x38;
	[tilespmem:$0x15700] =	vst v63  }
0xa5: {  	_ = 	snop  }
0xa6: {  	[tilespmem:s16], [sflag:$0x1] =	stream.indirect.gather [hbm4b:s2+s11], $0x80, s28, s11, $0xb8;
	[tilespmem:$0x15700] =	vst v63  }
0xa7: {  	_ =	swait.ge [sflag:s9], $0x3800  }
0xa8: {  	[sflag:s9] =	ssyncset.done $0x0  }
0xa9: {  	s0 =	rddreg [dreg:$0x7];
	[sflag:s9] =	ssyncadd.s32 $0xFFFFC800  }
0xaa: {  	[hbm4b:s0+s3] =	stream.linear.scatter [tilespmem:s18], [sflag:$0x2], $0x3800, $0x38;
	[tilespmem:$0x15700] =	vst v63  }
0xab: {  	_ = 	snop  }
0xac: {  	[tilespmem:s14], [sflag:$0x1] =	stream.indirect.gather [hbm4b:s2+s11], $0x80, s26, s11, $0xb8;
	[tilespmem:$0x15700] =	vst v63  }
0xad: {  	_ =	swait.ge [sflag:s9], $0x3800  }
0xae: {  	[sflag:s9] =	ssyncset.done $0x0  }
0xaf: {  	s0 =	rddreg [dreg:$0x8];
	[sflag:s9] =	ssyncadd.s32 $0xFFFFC800  }
0xb0: {  	[hbm4b:s0+s3] =	stream.linear.scatter [tilespmem:s16], [sflag:$0x2], $0x3800, $0x38;
	[tilespmem:$0x15700] =	vst v63  }
0xb1: {  	_ = 	snop  }
0xb2: {  	[tilespmem:s13], [sflag:$0x1] =	stream.indirect.gather [hbm4b:s2+s11], $0x80, s25, s11, $0xb8;
	[tilespmem:$0x15700] =	vst v63  }
0xb3: {  	_ =	swait.ge [sflag:s9], $0x3800  }
0xb4: {  	[sflag:s9] =	ssyncset.done $0x0  }
0xb5: {  	s0 =	rddreg [dreg:$0x9];
	[sflag:s9] =	ssyncadd.s32 $0xFFFFC800  }
0xb6: {  	[hbm4b:s0+s3] =	stream.linear.scatter [tilespmem:s14], [sflag:$0x2], $0x3800, $0x38;
	[tilespmem:$0x15700] =	vst v63  }
0xb7: {  	_ =	swait.ge [sflag:s4], $0x3800  }
0xb8: {  	[sflag:s4] =	ssyncset.done $0x0  }
0xb9: {  	[sflag:s4] =	ssyncadd.s32 $0xFFFFC800  }
0xba: {  	[tilespmem:s8], [sflag:$0x1] =	stream.indirect.gather [hbm4b:s2+s11], $0x80, s24, s11, $0xb8;
	[tilespmem:$0x15700] =	vst v63  }
0xbb: {  	_ =	swait.ge [sflag:s9], $0x3800  }
0xbc: {  	[sflag:s9] =	ssyncset.done $0x0  }
0xbd: {  	s0 =	rddreg [dreg:$0xa];
	[sflag:s9] =	ssyncadd.s32 $0xFFFFC800  }
0xbe: {  	[hbm4b:s0+s3] =	stream.linear.scatter [tilespmem:s13], [sflag:$0x2], $0x3800, $0x38;
	[tilespmem:$0x15700] =	vst v63  }
0xbf: {  	_ =	swait.ge [sflag:s4], $0x3800  }
0xc0: {  	[sflag:s4] =	ssyncset.done $0x0  }
0xc1: {  	[sflag:s4] =	ssyncadd.s32 $0xFFFFC800  }
0xc2: {  	[tilespmem:s7], [sflag:$0x1] =	stream.indirect.gather [hbm4b:s2+s11], $0x80, s23, s11, $0xb8;
	[tilespmem:$0x15700] =	vst v63  }
0xc3: {  	_ =	swait.ge [sflag:s9], $0x3800  }
0xc4: {  	[sflag:s9] =	ssyncset.done $0x0  }
0xc5: {  	s0 =	rddreg [dreg:$0xb];
	[sflag:s9] =	ssyncadd.s32 $0xFFFFC800  }
0xc6: {  	[hbm4b:s0+s3] =	stream.linear.scatter [tilespmem:s8], [sflag:$0x2], $0x3800, $0x38;
	[tilespmem:$0x15700] =	vst v63  }
0xc7: {  	_ =	swait.ge [sflag:s4], $0x3800  }
0xc8: {  	[sflag:s4] =	ssyncset.done $0x0  }
0xc9: {  	[sflag:s4] =	ssyncadd.s32 $0xFFFFC800  }
0xca: {  	[tilespmem:s18], [sflag:$0x1] =	stream.indirect.gather [hbm4b:s2+s11], $0x80, s22, s11, $0xb8;
	[tilespmem:$0x15700] =	vst v63  }
0xcb: {  	_ =	swait.ge [sflag:s9], $0x3800  }
0xcc: {  	[sflag:s9] =	ssyncset.done $0x0  }
0xcd: {  	s0 =	rddreg [dreg:$0xc];
	[sflag:s9] =	ssyncadd.s32 $0xFFFFC800  }
0xce: {  	[hbm4b:s0+s3] =	stream.linear.scatter [tilespmem:s7], [sflag:$0x2], $0x3800, $0x38;
	[tilespmem:$0x15700] =	vst v63  }
0xcf: {  	_ =	swait.ge [sflag:s4], $0x3800  }
0xd0: {  	[sflag:s4] =	ssyncset.done $0x0  }
0xd1: {  	[sflag:s4] =	ssyncadd.s32 $0xFFFFC800  }
0xd2: {  	[tilespmem:s16], [sflag:$0x1] =	stream.indirect.gather [hbm4b:s2+s11], $0x80, s21, s11, $0xb8;
	[tilespmem:$0x15700] =	vst v63  }
0xd3: {  	_ =	swait.ge [sflag:s9], $0x3800  }
0xd4: {  	[sflag:s9] =	ssyncset.done $0x0  }
0xd5: {  	s0 =	rddreg [dreg:$0xd];
	[sflag:s9] =	ssyncadd.s32 $0xFFFFC800  }
0xd6: {  	[hbm4b:s0+s3] =	stream.linear.scatter [tilespmem:s18], [sflag:$0x2], $0x3800, $0x38;
	[tilespmem:$0x15700] =	vst v63  }
0xd7: {  	_ =	swait.ge [sflag:s4], $0x3800  }
0xd8: {  	[sflag:s4] =	ssyncset.done $0x0  }
0xd9: {  	[sflag:s4] =	ssyncadd.s32 $0xFFFFC800  }
0xda: {  	[tilespmem:s14], [sflag:$0x1] =	stream.indirect.gather [hbm4b:s2+s11], $0x80, s20, s11, $0xb8;
	[tilespmem:$0x15700] =	vst v63  }
0xdb: {  	_ =	swait.ge [sflag:s9], $0x3800  }
0xdc: {  	[sflag:s9] =	ssyncset.done $0x0  }
0xdd: {  	s0 =	rddreg [dreg:$0xe];
	[sflag:s9] =	ssyncadd.s32 $0xFFFFC800  }
0xde: {  	[hbm4b:s0+s3] =	stream.linear.scatter [tilespmem:s16], [sflag:$0x2], $0x3800, $0x38;
	[tilespmem:$0x15700] =	vst v63  }
0xdf: {  	_ =	swait.ge [sflag:s4], $0x3800  }
0xe0: {  	[sflag:s4] =	ssyncset.done $0x0  }
0xe1: {  	[sflag:s4] =	ssyncadd.s32 $0xFFFFC800  }
0xe2: {  	[tilespmem:s13], [sflag:$0x1] =	stream.indirect.gather [hbm4b:s2+s11], $0x80, s19, s11, $0xb8;
	[tilespmem:$0x15700] =	vst v63  }
0xe3: {  	_ =	swait.ge [sflag:s9], $0x3800  }
0xe4: {  	[sflag:s9] =	ssyncset.done $0x0  }
0xe5: {  	[sflag:s9] =	ssyncadd.s32 $0xFFFFC800  }
0xe6: {  	[hbm4b:s12+s3] =	stream.linear.scatter [tilespmem:s14], [sflag:$0x2], $0x3800, $0x38;
	[tilespmem:$0x15700] =	vst v63  }
0xe7: {  	_ =	swait.ge [sflag:s4], $0x3800  }
0xe8: {  	[sflag:s4] =	ssyncset.done $0x0  }
0xe9: {  	[sflag:s4] =	ssyncadd.s32 $0xFFFFC800  }
0xea: {  	[tilespmem:s8], [sflag:$0x1] =	stream.indirect.gather [hbm4b:s2+s11], $0x80, s17, s11, $0xb8;
	[tilespmem:$0x15700] =	vst v63  }
0xeb: {  	_ =	swait.ge [sflag:s9], $0x3800  }
0xec: {  	[sflag:s9] =	ssyncset.done $0x0  }
0xed: {  	[sflag:s9] =	ssyncadd.s32 $0xFFFFC800  }
0xee: {  	[hbm4b:s10+s3] =	stream.linear.scatter [tilespmem:s13], [sflag:$0x2], $0x3800, $0x38;
	[tilespmem:$0x15700] =	vst v63  }
0xef: {  	_ =	swait.ge [sflag:s4], $0x3800  }
0xf0: {  	[sflag:s4] =	ssyncset.done $0x0  }
0xf1: {  	[sflag:s4] =	ssyncadd.s32 $0xFFFFC800  }
0xf2: {  	[tilespmem:s7], [sflag:$0x1] =	stream.indirect.gather [hbm4b:s2+s11], $0x80, s15, s11, $0xb8;
	[tilespmem:$0x15700] =	vst v63  }
0xf3: {  	_ =	swait.ge [sflag:s9], $0x3800  }
0xf4: {  	[sflag:s9] =	ssyncset.done $0x0  }
0xf5: {  	[sflag:s9] =	ssyncadd.s32 $0xFFFFC800  }
0xf6: {  	[hbm4b:s6+s3] =	stream.linear.scatter [tilespmem:s8], [sflag:$0x2], $0x3800, $0x38;
	[tilespmem:$0x15700] =	vst v63  }
0xf7: {  	_ =	swait.ge [sflag:s9], $0x3800  }
0xf8: {  	[sflag:s9] =	ssyncset.done $0x0  }
0xf9: {  	[sflag:s9] =	ssyncadd.s32 $0xFFFFC800  }
0xfa: {  	[hbm4b:s5+s3] =	stream.linear.scatter [tilespmem:s7], [sflag:$0x2], $0x3800, $0x38;
	[tilespmem:$0x15700] =	vst v63  }
0xfb: {  	_ =	swait.ge [sflag:s4], $0x3800  }
0xfc: {  	[sflag:s4] =	ssyncset.done $0x0  }
0xfd: {  	[sflag:s4] =	ssyncadd.s32 $0xFFFFC800  }
0xfe: {  	_ =	swait.ge [sflag:s4], $0x3800  }
0xff: {  	[sflag:s4] =	ssyncset.done $0x0  }
0x100: {  	[sflag:s4] =	ssyncadd.s32 $0xFFFFC800  }
0x101: {  	_ =	swait.ge [sflag:s4], $0x3800  }
0x102: {  	[sflag:s4] =	ssyncset.done $0x0  }
0x103: {  	[sflag:s4] =	ssyncadd.s32 $0xFFFFC800  }
0x104: {  	_ =	swait.ge [sflag:s4], $0x3800  }
0x105: {  	[sflag:s4] =	ssyncset.done $0x0  }
0x106: {  	p1 =	sne.s32 s1, $0x1;
	[sflag:s4] =	ssyncadd.s32 $0xFFFFC800  }
.Ltmp2:
0x107: {  	_ =	swait.ge [sflag:s4], $0x3800;
	(pc) =	sbr.rel @p1 .LBB2_2-.Ltmp2, $4  }
0x108: {  	[sflag:s4] =	ssyncset.done $0x0  }
0x109: {  	[sflag:s4] =	ssyncadd.s32 $0xFFFFC800  }
0x10a: {  	_ =	swait.ge [sflag:s4], $0x3800  }
0x10b: {  	s1 =	sadd.s32 $0xFFFFFFFF, s1;
	s0 =	rddreg [dreg:$0x4];
	[sflag:s4] =	ssyncset.done $0x0  }
.LBB2_3:
0x10c: {  	[sflag:s4] =	ssyncadd.s32 @p0 $0xFFFFC800  }
0x10d: {  	[tilespmem:s3], [sflag:$0x3] =	stream.linear.gather [hbm4b:s0+s3], $0x700, $0x38;
	[tilespmem:$0x15700] =	vst v63  }
0x10e: {  	_ =	swait.ge [sflag:s30], $0x700  }
0x10f: {  	[sflag:s30] =	ssyncset.done $0x0  }
0x110: {  	[sflag:s30] =	ssyncadd.s32 $0xFFFFF900  }
0x111: {  	[tilespmem:s8], [sflag:$0x1] =	stream.indirect.gather [hbm4b:s2+s11], $0x80, s3, s11, $0xb8;
	[tilespmem:$0x15700] =	vst v63  }
0x112: {  	_ = 	snop  }
0x113: {  	[tilespmem:s7], [sflag:$0x1] =	stream.indirect.gather [hbm4b:s2+s11], $0x80, s31, s11, $0xb8;
	[tilespmem:$0x15700] =	vst v63  }
0x114: {  	_ =	swait.ge [sflag:s9], $0x3800  }
0x115: {  	[sflag:s9] =	ssyncset.done $0x0  }
0x116: {  	s1 =	rddreg [dreg:$0x5];
	[sflag:s9] =	ssyncadd.s32 $0xFFFFC800  }
0x117: {  	[hbm4b:s1+s3] =	stream.linear.scatter [tilespmem:s8], [sflag:$0x2], $0x3800, $0x38;
	[tilespmem:$0x15700] =	vst v63  }
0x118: {  	_ = 	snop  }
0x119: {  	[tilespmem:s18], [sflag:$0x1] =	stream.indirect.gather [hbm4b:s2+s11], $0x80, s29, s11, $0xb8;
	[tilespmem:$0x15700] =	vst v63  }
0x11a: {  	_ =	swait.ge [sflag:s9], $0x3800  }
0x11b: {  	[sflag:s9] =	ssyncset.done $0x0  }
0x11c: {  	s29 =	rddreg [dreg:$0x6];
	[sflag:s9] =	ssyncadd.s32 $0xFFFFC800  }
0x11d: {  	[hbm4b:s29+s3] =	stream.linear.scatter [tilespmem:s7], [sflag:$0x2], $0x3800, $0x38;
	[tilespmem:$0x15700] =	vst v63  }
0x11e: {  	_ = 	snop  }
0x11f: {  	[tilespmem:s16], [sflag:$0x1] =	stream.indirect.gather [hbm4b:s2+s11], $0x80, s28, s11, $0xb8;
	[tilespmem:$0x15700] =	vst v63  }
0x120: {  	_ =	swait.ge [sflag:s9], $0x3800  }
0x121: {  	[sflag:s9] =	ssyncset.done $0x0  }
0x122: {  	s30 =	rddreg [dreg:$0x7];
	[sflag:s9] =	ssyncadd.s32 $0xFFFFC800  }
0x123: {  	[hbm4b:s30+s3] =	stream.linear.scatter [tilespmem:s18], [sflag:$0x2], $0x3800, $0x38;
	[tilespmem:$0x15700] =	vst v63  }
0x124: {  	_ = 	snop  }
0x125: {  	[tilespmem:s14], [sflag:$0x1] =	stream.indirect.gather [hbm4b:s2+s11], $0x80, s26, s11, $0xb8;
	[tilespmem:$0x15700] =	vst v63  }
0x126: {  	_ =	swait.ge [sflag:s9], $0x3800  }
0x127: {  	[sflag:s9] =	ssyncset.done $0x0  }
0x128: {  	s31 =	rddreg [dreg:$0x8];
	[sflag:s9] =	ssyncadd.s32 $0xFFFFC800  }
0x129: {  	[hbm4b:s31+s3] =	stream.linear.scatter [tilespmem:s16], [sflag:$0x2], $0x3800, $0x38;
	[tilespmem:$0x15700] =	vst v63  }
0x12a: {  	_ = 	snop  }
0x12b: {  	[tilespmem:s13], [sflag:$0x1] =	stream.indirect.gather [hbm4b:s2+s11], $0x80, s25, s11, $0xb8;
	[tilespmem:$0x15700] =	vst v63  }
0x12c: {  	_ =	swait.ge [sflag:s9], $0x3800  }
0x12d: {  	[sflag:s9] =	ssyncset.done $0x0  }
0x12e: {  	s1 =	rddreg [dreg:$0x9];
	[sflag:s9] =	ssyncadd.s32 $0xFFFFC800  }
0x12f: {  	[hbm4b:s1+s3] =	stream.linear.scatter [tilespmem:s14], [sflag:$0x2], $0x3800, $0x38;
	[tilespmem:$0x15700] =	vst v63  }
0x130: {  	_ =	swait.ge [sflag:s4], $0x3800  }
0x131: {  	[sflag:s4] =	ssyncset.done $0x0  }
0x132: {  	[sflag:s4] =	ssyncadd.s32 $0xFFFFC800  }
0x133: {  	[tilespmem:s8], [sflag:$0x1] =	stream.indirect.gather [hbm4b:s2+s11], $0x80, s24, s11, $0xb8;
	[tilespmem:$0x15700] =	vst v63  }
0x134: {  	_ =	swait.ge [sflag:s9], $0x3800  }
0x135: {  	[sflag:s9] =	ssyncset.done $0x0  }
0x136: {  	s25 =	rddreg [dreg:$0xa];
	[sflag:s9] =	ssyncadd.s32 $0xFFFFC800  }
0x137: {  	[hbm4b:s25+s3] =	stream.linear.scatter [tilespmem:s13], [sflag:$0x2], $0x3800, $0x38;
	[tilespmem:$0x15700] =	vst v63  }
0x138: {  	_ =	swait.ge [sflag:s4], $0x3800  }
0x139: {  	[sflag:s4] =	ssyncset.done $0x0  }
0x13a: {  	[sflag:s4] =	ssyncadd.s32 $0xFFFFC800  }
0x13b: {  	[tilespmem:s7], [sflag:$0x1] =	stream.indirect.gather [hbm4b:s2+s11], $0x80, s23, s11, $0xb8;
	[tilespmem:$0x15700] =	vst v63  }
0x13c: {  	_ =	swait.ge [sflag:s9], $0x3800  }
0x13d: {  	[sflag:s9] =	ssyncset.done $0x0  }
0x13e: {  	s26 =	rddreg [dreg:$0xb];
	[sflag:s9] =	ssyncadd.s32 $0xFFFFC800  }
0x13f: {  	[hbm4b:s26+s3] =	stream.linear.scatter [tilespmem:s8], [sflag:$0x2], $0x3800, $0x38;
	[tilespmem:$0x15700] =	vst v63  }
0x140: {  	_ =	swait.ge [sflag:s4], $0x3800  }
0x141: {  	[sflag:s4] =	ssyncset.done $0x0  }
0x142: {  	[sflag:s4] =	ssyncadd.s32 $0xFFFFC800  }
0x143: {  	[tilespmem:s18], [sflag:$0x1] =	stream.indirect.gather [hbm4b:s2+s11], $0x80, s22, s11, $0xb8;
	[tilespmem:$0x15700] =	vst v63  }
0x144: {  	_ =	swait.ge [sflag:s9], $0x3800  }
0x145: {  	[sflag:s9] =	ssyncset.done $0x0  }
0x146: {  	s28 =	rddreg [dreg:$0xc];
	[sflag:s9] =	ssyncadd.s32 $0xFFFFC800  }
0x147: {  	[hbm4b:s28+s3] =	stream.linear.scatter [tilespmem:s7], [sflag:$0x2], $0x3800, $0x38;
	[tilespmem:$0x15700] =	vst v63  }
0x148: {  	_ =	swait.ge [sflag:s4], $0x3800  }
0x149: {  	[sflag:s4] =	ssyncset.done $0x0  }
0x14a: {  	[sflag:s4] =	ssyncadd.s32 $0xFFFFC800  }
0x14b: {  	[tilespmem:s16], [sflag:$0x1] =	stream.indirect.gather [hbm4b:s2+s11], $0x80, s21, s11, $0xb8;
	[tilespmem:$0x15700] =	vst v63  }
0x14c: {  	_ =	swait.ge [sflag:s9], $0x3800  }
0x14d: {  	[sflag:s9] =	ssyncset.done $0x0  }
0x14e: {  	s29 =	rddreg [dreg:$0xd];
	[sflag:s9] =	ssyncadd.s32 $0xFFFFC800  }
0x14f: {  	[hbm4b:s29+s3] =	stream.linear.scatter [tilespmem:s18], [sflag:$0x2], $0x3800, $0x38;
	[tilespmem:$0x15700] =	vst v63  }
0x150: {  	_ =	swait.ge [sflag:s4], $0x3800  }
0x151: {  	[sflag:s4] =	ssyncset.done $0x0  }
0x152: {  	[sflag:s4] =	ssyncadd.s32 $0xFFFFC800  }
0x153: {  	[tilespmem:s14], [sflag:$0x1] =	stream.indirect.gather [hbm4b:s2+s11], $0x80, s20, s11, $0xb8;
	[tilespmem:$0x15700] =	vst v63  }
0x154: {  	_ =	swait.ge [sflag:s9], $0x3800  }
0x155: {  	[sflag:s9] =	ssyncset.done $0x0  }
0x156: {  	s30 =	rddreg [dreg:$0xe];
	[sflag:s9] =	ssyncadd.s32 $0xFFFFC800  }
0x157: {  	[hbm4b:s30+s3] =	stream.linear.scatter [tilespmem:s16], [sflag:$0x2], $0x3800, $0x38;
	[tilespmem:$0x15700] =	vst v63  }
0x158: {  	_ =	swait.ge [sflag:s4], $0x3800  }
0x159: {  	[sflag:s4] =	ssyncset.done $0x0  }
0x15a: {  	[sflag:s4] =	ssyncadd.s32 $0xFFFFC800  }
0x15b: {  	[tilespmem:s13], [sflag:$0x1] =	stream.indirect.gather [hbm4b:s2+s11], $0x80, s19, s11, $0xb8;
	[tilespmem:$0x15700] =	vst v63  }
0x15c: {  	_ =	swait.ge [sflag:s9], $0x3800  }
0x15d: {  	[sflag:s9] =	ssyncset.done $0x0  }
0x15e: {  	[sflag:s9] =	ssyncadd.s32 $0xFFFFC800  }
0x15f: {  	[hbm4b:s12+s3] =	stream.linear.scatter [tilespmem:s14], [sflag:$0x2], $0x3800, $0x38;
	[tilespmem:$0x15700] =	vst v63  }
0x160: {  	_ =	swait.ge [sflag:s4], $0x3800  }
0x161: {  	[sflag:s4] =	ssyncset.done $0x0  }
0x162: {  	[sflag:s4] =	ssyncadd.s32 $0xFFFFC800  }
0x163: {  	[tilespmem:s8], [sflag:$0x1] =	stream.indirect.gather [hbm4b:s2+s11], $0x80, s17, s11, $0xb8;
	[tilespmem:$0x15700] =	vst v63  }
0x164: {  	_ =	swait.ge [sflag:s9], $0x3800  }
0x165: {  	[sflag:s9] =	ssyncset.done $0x0  }
0x166: {  	[sflag:s9] =	ssyncadd.s32 $0xFFFFC800  }
0x167: {  	[hbm4b:s10+s3] =	stream.linear.scatter [tilespmem:s13], [sflag:$0x2], $0x3800, $0x38;
	[tilespmem:$0x15700] =	vst v63  }
0x168: {  	_ =	swait.ge [sflag:s4], $0x3800  }
0x169: {  	[sflag:s4] =	ssyncset.done $0x0  }
0x16a: {  	[sflag:s4] =	ssyncadd.s32 $0xFFFFC800  }
0x16b: {  	[tilespmem:s7], [sflag:$0x1] =	stream.indirect.gather [hbm4b:s2+s11], $0x80, s15, s11, $0xb8;
	[tilespmem:$0x15700] =	vst v63  }
0x16c: {  	_ =	swait.ge [sflag:s9], $0x3800  }
0x16d: {  	[sflag:s9] =	ssyncset.done $0x0  }
0x16e: {  	[sflag:s9] =	ssyncadd.s32 $0xFFFFC800  }
0x16f: {  	[hbm4b:s6+s3] =	stream.linear.scatter [tilespmem:s8], [sflag:$0x2], $0x3800, $0x38;
	[tilespmem:$0x15700] =	vst v63  }
0x170: {  	_ =	swait.ge [sflag:s9], $0x3800  }
0x171: {  	[sflag:s9] =	ssyncset.done $0x0  }
0x172: {  	[sflag:s9] =	ssyncadd.s32 $0xFFFFC800  }
0x173: {  	[hbm4b:s5+s3] =	stream.linear.scatter [tilespmem:s7], [sflag:$0x2], $0x3800, $0x38;
	[tilespmem:$0x15700] =	vst v63  }
0x174: {  	_ =	swait.ge [sflag:s4], $0x3800  }
0x175: {  	[sflag:s4] =	ssyncset.done $0x0  }
0x176: {  	[sflag:s4] =	ssyncadd.s32 $0xFFFFC800  }
0x177: {  	_ =	swait.ge [sflag:s4], $0x3800  }
0x178: {  	[sflag:s4] =	ssyncset.done $0x0  }
0x179: {  	[sflag:s4] =	ssyncadd.s32 $0xFFFFC800  }
0x17a: {  	_ =	swait.ge [sflag:s4], $0x3800  }
0x17b: {  	[sflag:s4] =	ssyncset.done $0x0  }
0x17c: {  	[sflag:s4] =	ssyncadd.s32 $0xFFFFC800  }
0x17d: {  	_ =	swait.ge [sflag:s4], $0x3800  }
0x17e: {  	[sflag:s4] =	ssyncset.done $0x0  }
0x17f: {  	[sflag:s4] =	ssyncadd.s32 $0xFFFFC800  }
0x180: {  	_ =	swait.ge [sflag:s4], $0x3800  }
0x181: {  	[sflag:s4] =	ssyncset.done $0x0  }
0x182: {  	[sflag:s4] =	ssyncadd.s32 $0xFFFFC800  }
0x183: {  	_ =	swait.ge [sflag:s4], $0x3800  }
0x184: {  	[sflag:s4] =	ssyncset.done $0x0  }
0x185: {  	[sflag:s4] =	ssyncadd.s32 $0xFFFFC800  }
0x186: {  	_ =	sfence.sel $0x180000  }
0x187: {  	[bflag:$0x0] =	sbarrier.arrive $0xFFFF  }
0x188: {  	_ =	strace $0x90000047  }
0x189: {  	s31 =	stileid.u32;
	[bflag:$0x2] =	sbarrier.arrive $0xFFFF  }
0x18a: {  	p0 =	sne.s32 s31, $0x0;
	s0 =	rddreg [dreg:$0x3]  }
0x18b: {  	s0 =	sadd.s32 @!p0 $0x100000, s0  }
0x18c: {  	[sflag:s0] =	ssyncadd.tile.s32 @!p0 $0x1;
	_ =	shalt  }
.Lfunc_end2:
_tile_overlayer_lowered:
.L_overlay_start_2:
0x18d: {  	(tag) =	ssettag $0x2  }
0x18e: {  	s0 =	rddreg [dreg:$0x0];
	s2 =	stileid.u32  }
0x18f: {  	s1 =	rddreg [dreg:$0x1];
	p0 =	sne.s32 s2, $0x0  }
0x190: {  	s3 =	rddreg [dreg:$0x2];
	[bflag:$0x3] =	sbarrier.arrive $0xFFFF;
	s2 =	simm.s32 @!p0 $0x1C03  }
0x191: {  	[timem:s3], [sflag:s2] =	dma.local @!p0 [hbm:s0], s1  }
0x192: {  	s0 =	simm.s32 @!p0 $0x3  }
0x193: {  	_ =	swait.ge @!p0 [sflag:s0], s1  }
0x194: {  	s1 =	ssub.s32 @!p0 $0x0, s1;
	[sflag:s0] =	ssyncset.done @!p0 $0x0  }
0x195: {  	[sflag:s0] =	ssyncadd.s32 @!p0 s1  }
0x196: {  	[bflag:$0x3] =	sbarrier.arrive $0xFFFF  }
0x197: {  	_ =	shalt  }

</sc_bundles>
